<compile_context>
chip_gen: v7x
topology: tpu7x:2x2x1
jax: 0.10.2.dev20260603
libtpu: 0.0.44.dev20260713+nightly
codegen_flags: <defaults>
</compile_context>

<pallas_src>
import jax
import jax.numpy as jnp
from jax import lax
from jax.experimental import pallas as pl
from jax.experimental.pallas import tpu as pltpu
from jax.experimental.pallas import tpu_sc as plsc

B, N, CIN, COUT, H, K = 2, 4096, 64, 128, 4, 16
NK = N * K

TN1 = 1024
TN3 = 256
GD = 128

NC, NS = 2, 16
NW = NC * NS
CHUNK = 128
NCHUNK = NK // NW // CHUNK
NBUF = 4


NCH = 32
NR = 4


def _knn_body(pos_r_ref, posT_ref, out_ref):
    pr = pos_r_ref[...]
    pt = posT_ref[...]
    sq_r = jnp.sum(pr * pr, axis=1, keepdims=True)
    sq_c = jnp.sum(pt * pt, axis=0, keepdims=True)
    dot = jnp.dot(pr, pt, preferred_element_type=jnp.float32)
    d = (sq_r + sq_c) - 2.0 * dot
    ki = lax.bitcast_convert_type(jnp.maximum(d, 0.0), jnp.int32)
    cb = lax.broadcasted_iota(jnp.int32, (1, N), 1) >> 7
    key = (ki & -NCH) | cb
    big = jnp.full((TN1, N // NCH), jnp.int32(0x7FFFFFFF))
    m = [big] * NR
    for c in range(NCH):
        t = key[:, c * (N // NCH):(c + 1) * (N // NCH)]
        for r in range(NR):
            lo = jnp.minimum(m[r], t)
            t = jnp.maximum(m[r], t)
            m[r] = lo
    li = lax.broadcasted_iota(jnp.int32, (1, N // NCH), 1)
    cols = []
    for _ in range(K):
        v = jnp.min(m[0], axis=1, keepdims=True)
        l = jnp.min(jnp.where(m[0] == v, li, N), axis=1, keepdims=True)
        onl = li == l
        chunk = v & (NCH - 1)
        cols.append(chunk * (N // NCH) + l)
        for r in range(NR - 1):
            m[r] = jnp.where(onl, m[r + 1], m[r])
        m[NR - 1] = jnp.where(onl, jnp.int32(0x7FFFFFFF), m[NR - 1])
    out_ref[...] = jnp.concatenate(cols, axis=1)


def _knn(pos_b, posT_b):
    return pl.pallas_call(
        _knn_body,
        grid=(N // TN1,),
        in_specs=[
            pl.BlockSpec((TN1, 3), lambda i: (i, 0)),
            pl.BlockSpec((3, N), lambda i: (0, 0)),
        ],
        out_specs=pl.BlockSpec((TN1, K), lambda i: (i, 0)),
        out_shape=jax.ShapeDtypeStruct((N, K), jnp.int32),
    )(pos_b, posT_b)


def _gather_body(xp_hbm, gidx_hbm, out_hbm, idx_v, bufs, gsems, osems):
    wid = lax.axis_index("s") * NC + lax.axis_index("c")
    pltpu.sync_copy(gidx_hbm.at[wid], idx_v)
    base = wid * (NCHUNK * CHUNK)

    def start_gather(j):
        b = j % NBUF
        return pltpu.async_copy(xp_hbm.at[idx_v.at[j]], bufs[b], gsems[b])

    hg = {j: start_gather(j) for j in range(NBUF)}
    ho = {}
    for j in range(NCHUNK):
        b = j % NBUF
        hg[j].wait()
        ho[j] = pltpu.async_copy(
            bufs[b], out_hbm.at[pl.ds(base + j * CHUNK, CHUNK)], osems[b])
        if j + NBUF < NCHUNK:
            ho[j].wait()
            hg[j + NBUF] = start_gather(j + NBUF)
    for j in range(max(0, NCHUNK - NBUF), NCHUNK):
        ho[j].wait()


def _gather(xp_b, gidx_b):
    f = pl.kernel(
        _gather_body,
        out_type=jax.ShapeDtypeStruct((NK, GD), jnp.float32),
        mesh=plsc.VectorSubcoreMesh(core_axis_name="c", subcore_axis_name="s"),
        scratch_types=[
            pltpu.VMEM((NCHUNK, CHUNK), jnp.int32),
            [pltpu.VMEM((CHUNK, GD), jnp.float32) for _ in range(NBUF)],
            [pltpu.SemaphoreType.DMA for _ in range(NBUF)],
            [pltpu.SemaphoreType.DMA for _ in range(NBUF)],
        ],
    )
    return f(xp_b, gidx_b)


def _attn_body(x_ref, pos_ref, g_ref, Wq_ref, bq_ref, Wkv_ref, bkv_ref,
               Wp1_ref, bp1_ref, Wp2_ref, bp2_ref, Wa1_ref, ba1_ref,
               Wa2_ref, ba2_ref, Wo_ref, bo_ref, out_ref):
    xt = x_ref[...]
    q = jnp.dot(xt, Wq_ref[...], preferred_element_type=jnp.float32) + bq_ref[...]
    g = g_ref[...]
    xn = g[:, :CIN]
    pn = g[:, CIN:CIN + 3]
    kv = jnp.dot(xn, Wkv_ref[...], preferred_element_type=jnp.float32) + bkv_ref[...]
    k_nb = kv[:, :COUT]
    v_nb = kv[:, COUT:]
    pt = pos_ref[...]
    pd = jnp.broadcast_to(pt[:, None, :], (TN3, K, 3)).reshape(TN3 * K, 3) - pn
    pe = jnp.maximum(
        jnp.dot(pd, Wp1_ref[...], preferred_element_type=jnp.float32) + bp1_ref[...], 0.0)
    pe = jnp.dot(pe, Wp2_ref[...], preferred_element_type=jnp.float32) + bp2_ref[...]
    qr = jnp.broadcast_to(q[:, None, :], (TN3, K, COUT)).reshape(TN3 * K, COUT)
    rel = (k_nb - qr) + pe
    h = jnp.maximum(
        jnp.dot(rel, Wa1_ref[...], preferred_element_type=jnp.float32) + ba1_ref[...], 0.0)
    h = jnp.dot(h, Wa2_ref[...], preferred_element_type=jnp.float32) + ba2_ref[...]
    h3 = h.reshape(TN3, K, COUT)
    mx = jnp.max(h3, axis=1, keepdims=True)
    e = jnp.exp(h3 - mx)
    s = jnp.sum(e, axis=1, keepdims=True)
    agg = jnp.sum((e / s) * (v_nb + pe).reshape(TN3, K, COUT), axis=1)
    out_ref[...] = jnp.dot(agg, Wo_ref[...], preferred_element_type=jnp.float32) + bo_ref[...]


def _attn(xf, posf, g, *weights):
    def wspec(w):
        r = len(w.shape)
        return pl.BlockSpec(w.shape, lambda i, _r=r: (0,) * _r)
    return pl.pallas_call(
        _attn_body,
        grid=(N // TN3,),
        in_specs=[
            pl.BlockSpec((TN3, CIN), lambda i: (i, 0)),
            pl.BlockSpec((TN3, 3), lambda i: (i, 0)),
            pl.BlockSpec((TN3 * K, GD), lambda i: (i, 0)),
        ] + [wspec(w) for w in weights],
        out_specs=pl.BlockSpec((TN3, COUT), lambda i: (i, 0)),
        out_shape=jax.ShapeDtypeStruct((N, COUT), jnp.float32),
    )(xf, posf, g, *weights)


def kernel(x, pos, Wq, bq, Wkv, bkv, Wp1, bp1, Wp2, bp2, Wa1, ba1, Wa2, ba2, Wo, bo):
    weights = (Wq, bq.reshape(1, COUT), Wkv, bkv.reshape(1, 2 * COUT),
               Wp1, bp1.reshape(1, COUT), Wp2, bp2.reshape(1, COUT),
               Wa1, ba1.reshape(1, COUT), Wa2, ba2.reshape(1, COUT),
               Wo, bo.reshape(1, COUT))
    gs = []
    for b in range(B):
        xb = x[b]
        pb = pos[b]
        idx = _knn(pb, pb.T)
        xp = jnp.concatenate(
            [xb, pb, jnp.zeros((N, GD - CIN - 3), jnp.float32)], axis=1)
        gs.append(_gather(xp, idx.reshape(NW, NCHUNK, CHUNK)))
    outs = [_attn(x[b], pos[b], gs[b], *weights) for b in range(B)]
    return jnp.stack(outs, axis=0)

# --- scband reference (transcript-rebuilt; emitter-appended) ---
"""Pipeline reference for scband-multi-head-point-attention-62878321214031 (READ-ONLY COPY).

The authoritative reference and input builder live on the scoring server;
editing this copy changes nothing except your own understanding.
"""

import jax, jax.numpy as jnp
import numpy as np

B, N, CIN, COUT, H, K = 2, 4096, 64, 128, 4, 16
HD = COUT // H

def setup_inputs(seed: int = 0) -> dict:
    key = jax.random.key(seed)
    ks = jax.random.split(key, 20)
    s = 0.05
    return {
        "x": jax.random.normal(ks[0], (B, N, CIN), jnp.float32),
        "pos": jax.random.normal(ks[1], (B, N, 3), jnp.float32),
        "Wq": jax.random.normal(ks[2], (CIN, COUT), jnp.float32) * s,
        "bq": jnp.zeros((COUT,), jnp.float32),
        "Wkv": jax.random.normal(ks[3], (CIN, 2 * COUT), jnp.float32) * s,
        "bkv": jnp.zeros((2 * COUT,), jnp.float32),
        "Wp1": jax.random.normal(ks[4], (3, COUT), jnp.float32) * s,
        "bp1": jnp.zeros((COUT,), jnp.float32),
        "Wp2": jax.random.normal(ks[5], (COUT, COUT), jnp.float32) * s,
        "bp2": jnp.zeros((COUT,), jnp.float32),
        "Wa1": jax.random.normal(ks[6], (COUT, COUT), jnp.float32) * s,
        "ba1": jnp.zeros((COUT,), jnp.float32),
        "Wa2": jax.random.normal(ks[7], (COUT, COUT), jnp.float32) * s,
        "ba2": jnp.zeros((COUT,), jnp.float32),
        "Wo": jax.random.normal(ks[8], (COUT, COUT), jnp.float32) * s,
        "bo": jnp.zeros((COUT,), jnp.float32),
    }

def _knn_idx(pos, k):
    sq = jnp.sum(pos * pos, axis=-1)
    d = sq[:, :, None] + sq[:, None, :] - 2.0 * jnp.einsum('bnd,bmd->bnm', pos, pos)
    _, idx = jax.lax.top_k(-d, k)
    return idx

def reference(x, pos, Wq, bq, Wkv, bkv, Wp1, bp1, Wp2, bp2, Wa1, ba1, Wa2, ba2, Wo, bo):
    q = x @ Wq + bq
    kv = x @ Wkv + bkv
    k_, v = kv[..., :COUT], kv[..., COUT:]
    q = q.reshape(B, N, H, HD)
    k_ = k_.reshape(B, N, H, HD)
    v = v.reshape(B, N, H, HD)
    idx = _knn_idx(jax.lax.stop_gradient(pos), K)  # [B, N, K]
    bi = jnp.arange(B)[:, None, None]
    pos_nb = pos[bi, idx]          # [B, N, K, 3]
    k_nb = k_[bi, idx]             # [B, N, K, H, HD]
    v_nb = v[bi, idx]              # [B, N, K, H, HD]
    pos_diff = pos[:, :, None, :] - pos_nb
    pe = jax.nn.relu(pos_diff @ Wp1 + bp1) @ Wp2 + bp2
    pe = pe.reshape(B, N, K, H, HD)
    rel = k_nb - q[:, :, None] + pe
    a = jax.nn.relu(rel.reshape(B, N, K, H * HD) @ Wa1 + ba1) @ Wa2 + ba2
    a = a.reshape(B, N, K, H, HD)
    a = jax.nn.softmax(a, axis=2)
    agg = jnp.sum(a * (v_nb + pe), axis=2).reshape(B, N, H * HD)
    return agg @ Wo + bo

if __name__ == "__main__":
    import jax
    _d = setup_inputs()
    print(jax.jit(kernel)(*tuple(_d.values())))

</pallas_src>

<mosaic_0001>
#map = affine_map<(d0, d1) -> (0, 0)>
#map1 = affine_map<(d0, d1) -> (0, 0, 0)>
module attributes {stable_mosaic.version = 14 : i64} {
  func.func @_gather_body(%arg0: i32, %arg1: i32, %arg2: memref<4096x128xf32, #tpu.memory_space<hbm>>, %arg3: memref<32x16x128xi32, #tpu.memory_space<hbm>>, %arg4: memref<65536x128xf32, #tpu.memory_space<hbm>>, %arg5: memref<16x128xi32, #tpu.memory_space<vmem>>, %arg6: memref<128x128xf32, #tpu.memory_space<vmem>>, %arg7: memref<128x128xf32, #tpu.memory_space<vmem>>, %arg8: memref<128x128xf32, #tpu.memory_space<vmem>>, %arg9: memref<128x128xf32, #tpu.memory_space<vmem>>, %arg10: memref<!tpu.dma_semaphore, #tpu.memory_space<semaphore_mem>>, %arg11: memref<!tpu.dma_semaphore, #tpu.memory_space<semaphore_mem>>, %arg12: memref<!tpu.dma_semaphore, #tpu.memory_space<semaphore_mem>>, %arg13: memref<!tpu.dma_semaphore, #tpu.memory_space<semaphore_mem>>, %arg14: memref<!tpu.dma_semaphore, #tpu.memory_space<semaphore_mem>>, %arg15: memref<!tpu.dma_semaphore, #tpu.memory_space<semaphore_mem>>, %arg16: memref<!tpu.dma_semaphore, #tpu.memory_space<semaphore_mem>>, %arg17: memref<!tpu.dma_semaphore, #tpu.memory_space<semaphore_mem>>) attributes {dimension_semantics = [#tpu.dimension_semantics<core_parallel>, #tpu.dimension_semantics<subcore_parallel>], iteration_bounds = array<i64: 2, 16>, scalar_prefetch = 0 : i64, scratch_operands = 13 : i64, tpu.core_type = #tpu.core_type<sc_vector_subcore>, window_params = [{transform_indices = #map}, {transform_indices = #map1}, {transform_indices = #map}]} {
    %mul3A = arith.constant 2 : i32
    %mul3A_0 = arith.muli %arg1, %mul3A : i32
    %add3A = arith.addi %mul3A_0, %arg0 : i32
    "tpu.region"() ({
      %run_scoped3A = tpu.sem_alloc : memref<!tpu.dma_semaphore, #tpu.memory_space<semaphore_mem>>
      %dma_start3A_385 = arith.constant 0 : i32
      %dma_start3A_386 = arith.constant 0 : i32
      %dma_start3A_387 = tpu.memref_slice %arg3[%add3A, %dma_start3A_385, %dma_start3A_386] : memref<32x16x128xi32, #tpu.memory_space<hbm>> -> memref<1x16x128xi32, #tpu.memory_space<hbm>>
      %dma_start3A_388 = tpu.memref_squeeze %dma_start3A_387 : memref<1x16x128xi32, #tpu.memory_space<hbm>> -> memref<16x128xi32, #tpu.memory_space<hbm>>
      %dma_start3A_389 = arith.constant 0 : i32
      %dma_start3A_390 = arith.constant 0 : i32
      %dma_start3A_391 = tpu.memref_slice %arg3[%add3A, %dma_start3A_389, %dma_start3A_390] : memref<32x16x128xi32, #tpu.memory_space<hbm>> -> memref<1x16x128xi32, #tpu.memory_space<hbm>>
      %dma_start3A_392 = tpu.memref_squeeze %dma_start3A_391 : memref<1x16x128xi32, #tpu.memory_space<hbm>> -> memref<16x128xi32, #tpu.memory_space<hbm>>
      tpu.enqueue_dma source(%dma_start3A_392 : memref<16x128xi32, #tpu.memory_space<hbm>>) target(%arg5 : memref<16x128xi32, #tpu.memory_space<vmem>>) target_semaphore(%run_scoped3A : memref<!tpu.dma_semaphore, #tpu.memory_space<semaphore_mem>>)
      %dma_wait3A_393 = arith.constant 0 : i32
      %dma_wait3A_394 = arith.constant 0 : i32
      %dma_wait3A_395 = tpu.memref_slice %arg3[%add3A, %dma_wait3A_393, %dma_wait3A_394] : memref<32x16x128xi32, #tpu.memory_space<hbm>> -> memref<1x16x128xi32, #tpu.memory_space<hbm>>
      %dma_wait3A_396 = tpu.memref_squeeze %dma_wait3A_395 : memref<1x16x128xi32, #tpu.memory_space<hbm>> -> memref<16x128xi32, #tpu.memory_space<hbm>>
      %dma_wait3A_397 = arith.constant 0 : i32
      %dma_wait3A_398 = arith.constant 0 : i32
      %dma_wait3A_399 = tpu.memref_slice %arg3[%add3A, %dma_wait3A_397, %dma_wait3A_398] : memref<32x16x128xi32, #tpu.memory_space<hbm>> -> memref<1x16x128xi32, #tpu.memory_space<hbm>>
      %dma_wait3A_400 = tpu.memref_squeeze %dma_wait3A_399 : memref<1x16x128xi32, #tpu.memory_space<hbm>> -> memref<16x128xi32, #tpu.memory_space<hbm>>
      tpu.wait_dma2 semaphore(%run_scoped3A : memref<!tpu.dma_semaphore, #tpu.memory_space<semaphore_mem>>) src(%dma_wait3A_400 : memref<16x128xi32, #tpu.memory_space<hbm>>) dst(%arg5 : memref<16x128xi32, #tpu.memory_space<vmem>>)
      tpu.yield
    }) : () -> ()
    %mul3A_1 = arith.constant 2048 : i32
    %mul3A_2 = arith.muli %add3A, %mul3A_1 : i32
    %dma_start3A = arith.constant 0 : i32
    %dma_start3A_3 = arith.constant 0 : i32
    %dma_start3A_4 = tpu.memref_slice %arg5[%dma_start3A, %dma_start3A_3] : memref<16x128xi32, #tpu.memory_space<vmem>> -> memref<1x128xi32, #tpu.memory_space<vmem>>
    %dma_start3A_5 = tpu.memref_squeeze %dma_start3A_4 : memref<1x128xi32, #tpu.memory_space<vmem>> -> memref<128xi32, #tpu.memory_space<vmem>>
    %dma_start3A_6 = arith.constant 0 : i32
    %dma_start3A_7 = arith.constant 0 : i32
    %dma_start3A_8 = tpu.memref_slice %arg2[%dma_start3A_6, %dma_start3A_7] : memref<4096x128xf32, #tpu.memory_space<hbm>> -> memref<4096x128xf32, #tpu.memory_space<hbm>>
    tpu.enqueue_indirect_dma source(%dma_start3A_8 : memref<4096x128xf32, #tpu.memory_space<hbm>>) target(%arg6 : memref<128x128xf32, #tpu.memory_space<vmem>>) offsets(%dma_start3A_5 : memref<128xi32, #tpu.memory_space<vmem>>) semaphore(%arg10 : memref<!tpu.dma_semaphore, #tpu.memory_space<semaphore_mem>>)
    %dma_start3A_9 = arith.constant 1 : i32
    %dma_start3A_10 = arith.constant 0 : i32
    %dma_start3A_11 = tpu.memref_slice %arg5[%dma_start3A_9, %dma_start3A_10] : memref<16x128xi32, #tpu.memory_space<vmem>> -> memref<1x128xi32, #tpu.memory_space<vmem>>
    %dma_start3A_12 = tpu.memref_squeeze %dma_start3A_11 : memref<1x128xi32, #tpu.memory_space<vmem>> -> memref<128xi32, #tpu.memory_space<vmem>>
    %dma_start3A_13 = arith.constant 0 : i32
    %dma_start3A_14 = arith.constant 0 : i32
    %dma_start3A_15 = tpu.memref_slice %arg2[%dma_start3A_13, %dma_start3A_14] : memref<4096x128xf32, #tpu.memory_space<hbm>> -> memref<4096x128xf32, #tpu.memory_space<hbm>>
    tpu.enqueue_indirect_dma source(%dma_start3A_15 : memref<4096x128xf32, #tpu.memory_space<hbm>>) target(%arg7 : memref<128x128xf32, #tpu.memory_space<vmem>>) offsets(%dma_start3A_12 : memref<128xi32, #tpu.memory_space<vmem>>) semaphore(%arg11 : memref<!tpu.dma_semaphore, #tpu.memory_space<semaphore_mem>>)
    %dma_start3A_16 = arith.constant 2 : i32
    %dma_start3A_17 = arith.constant 0 : i32
    %dma_start3A_18 = tpu.memref_slice %arg5[%dma_start3A_16, %dma_start3A_17] : memref<16x128xi32, #tpu.memory_space<vmem>> -> memref<1x128xi32, #tpu.memory_space<vmem>>
    %dma_start3A_19 = tpu.memref_squeeze %dma_start3A_18 : memref<1x128xi32, #tpu.memory_space<vmem>> -> memref<128xi32, #tpu.memory_space<vmem>>
    %dma_start3A_20 = arith.constant 0 : i32
    %dma_start3A_21 = arith.constant 0 : i32
    %dma_start3A_22 = tpu.memref_slice %arg2[%dma_start3A_20, %dma_start3A_21] : memref<4096x128xf32, #tpu.memory_space<hbm>> -> memref<4096x128xf32, #tpu.memory_space<hbm>>
    tpu.enqueue_indirect_dma source(%dma_start3A_22 : memref<4096x128xf32, #tpu.memory_space<hbm>>) target(%arg8 : memref<128x128xf32, #tpu.memory_space<vmem>>) offsets(%dma_start3A_19 : memref<128xi32, #tpu.memory_space<vmem>>) semaphore(%arg12 : memref<!tpu.dma_semaphore, #tpu.memory_space<semaphore_mem>>)
    %dma_start3A_23 = arith.constant 3 : i32
    %dma_start3A_24 = arith.constant 0 : i32
    %dma_start3A_25 = tpu.memref_slice %arg5[%dma_start3A_23, %dma_start3A_24] : memref<16x128xi32, #tpu.memory_space<vmem>> -> memref<1x128xi32, #tpu.memory_space<vmem>>
    %dma_start3A_26 = tpu.memref_squeeze %dma_start3A_25 : memref<1x128xi32, #tpu.memory_space<vmem>> -> memref<128xi32, #tpu.memory_space<vmem>>
    %dma_start3A_27 = arith.constant 0 : i32
    %dma_start3A_28 = arith.constant 0 : i32
    %dma_start3A_29 = tpu.memref_slice %arg2[%dma_start3A_27, %dma_start3A_28] : memref<4096x128xf32, #tpu.memory_space<hbm>> -> memref<4096x128xf32, #tpu.memory_space<hbm>>
    tpu.enqueue_indirect_dma source(%dma_start3A_29 : memref<4096x128xf32, #tpu.memory_space<hbm>>) target(%arg9 : memref<128x128xf32, #tpu.memory_space<vmem>>) offsets(%dma_start3A_26 : memref<128xi32, #tpu.memory_space<vmem>>) semaphore(%arg13 : memref<!tpu.dma_semaphore, #tpu.memory_space<semaphore_mem>>)
    %dma_wait3A = arith.constant 0 : i32
    %dma_wait3A_30 = arith.constant 0 : i32
    %dma_wait3A_31 = tpu.memref_slice %arg5[%dma_wait3A, %dma_wait3A_30] : memref<16x128xi32, #tpu.memory_space<vmem>> -> memref<1x128xi32, #tpu.memory_space<vmem>>
    %dma_wait3A_32 = tpu.memref_squeeze %dma_wait3A_31 : memref<1x128xi32, #tpu.memory_space<vmem>> -> memref<128xi32, #tpu.memory_space<vmem>>
    %dma_wait3A_33 = arith.constant 0 : i32
    %dma_wait3A_34 = arith.constant 0 : i32
    %dma_wait3A_35 = tpu.memref_slice %arg2[%dma_wait3A_33, %dma_wait3A_34] : memref<4096x128xf32, #tpu.memory_space<hbm>> -> memref<4096x128xf32, #tpu.memory_space<hbm>>
    tpu.wait_indirect_dma semaphore(%arg10 : memref<!tpu.dma_semaphore, #tpu.memory_space<semaphore_mem>>) src(%dma_wait3A_35 : memref<4096x128xf32, #tpu.memory_space<hbm>>) dst(%arg6 : memref<128x128xf32, #tpu.memory_space<vmem>>)
    %add3A_36 = arith.constant 0 : i32
    %add3A_37 = arith.addi %mul3A_2, %add3A_36 : i32
    %dma_start3A_38 = arith.constant 0 : i32
    %dma_start3A_39 = tpu.memref_slice %arg4[%add3A_37, %dma_start3A_38] : memref<65536x128xf32, #tpu.memory_space<hbm>> -> memref<128x128xf32, #tpu.memory_space<hbm>>
    %dma_start3A_40 = arith.constant 0 : i32
    %dma_start3A_41 = tpu.memref_slice %arg4[%add3A_37, %dma_start3A_40] : memref<65536x128xf32, #tpu.memory_space<hbm>> -> memref<128x128xf32, #tpu.memory_space<hbm>>
    tpu.enqueue_dma source(%arg6 : memref<128x128xf32, #tpu.memory_space<vmem>>) target(%dma_start3A_41 : memref<128x128xf32, #tpu.memory_space<hbm>>) target_semaphore(%arg14 : memref<!tpu.dma_semaphore, #tpu.memory_space<semaphore_mem>>)
    %dma_wait3A_42 = arith.constant 0 : i32
    %dma_wait3A_43 = tpu.memref_slice %arg4[%add3A_37, %dma_wait3A_42] : memref<65536x128xf32, #tpu.memory_space<hbm>> -> memref<128x128xf32, #tpu.memory_space<hbm>>
    %dma_wait3A_44 = arith.constant 0 : i32
    %dma_wait3A_45 = tpu.memref_slice %arg4[%add3A_37, %dma_wait3A_44] : memref<65536x128xf32, #tpu.memory_space<hbm>> -> memref<128x128xf32, #tpu.memory_space<hbm>>
    tpu.wait_dma2 semaphore(%arg14 : memref<!tpu.dma_semaphore, #tpu.memory_space<semaphore_mem>>) src(%arg6 : memref<128x128xf32, #tpu.memory_space<vmem>>) dst(%dma_wait3A_45 : memref<128x128xf32, #tpu.memory_space<hbm>>)
    %dma_start3A_46 = arith.constant 4 : i32
    %dma_start3A_47 = arith.constant 0 : i32
    %dma_start3A_48 = tpu.memref_slice %arg5[%dma_start3A_46, %dma_start3A_47] : memref<16x128xi32, #tpu.memory_space<vmem>> -> memref<1x128xi32, #tpu.memory_space<vmem>>
    %dma_start3A_49 = tpu.memref_squeeze %dma_start3A_48 : memref<1x128xi32, #tpu.memory_space<vmem>> -> memref<128xi32, #tpu.memory_space<vmem>>
    %dma_start3A_50 = arith.constant 0 : i32
    %dma_start3A_51 = arith.constant 0 : i32
    %dma_start3A_52 = tpu.memref_slice %arg2[%dma_start3A_50, %dma_start3A_51] : memref<4096x128xf32, #tpu.memory_space<hbm>> -> memref<4096x128xf32, #tpu.memory_space<hbm>>
    tpu.enqueue_indirect_dma source(%dma_start3A_52 : memref<4096x128xf32, #tpu.memory_space<hbm>>) target(%arg6 : memref<128x128xf32, #tpu.memory_space<vmem>>) offsets(%dma_start3A_49 : memref<128xi32, #tpu.memory_space<vmem>>) semaphore(%arg10 : memref<!tpu.dma_semaphore, #tpu.memory_space<semaphore_mem>>)
    %dma_wait3A_53 = arith.constant 1 : i32
    %dma_wait3A_54 = arith.constant 0 : i32
    %dma_wait3A_55 = tpu.memref_slice %arg5[%dma_wait3A_53, %dma_wait3A_54] : memref<16x128xi32, #tpu.memory_space<vmem>> -> memref<1x128xi32, #tpu.memory_space<vmem>>
    %dma_wait3A_56 = tpu.memref_squeeze %dma_wait3A_55 : memref<1x128xi32, #tpu.memory_space<vmem>> -> memref<128xi32, #tpu.memory_space<vmem>>
    %dma_wait3A_57 = arith.constant 0 : i32
    %dma_wait3A_58 = arith.constant 0 : i32
    %dma_wait3A_59 = tpu.memref_slice %arg2[%dma_wait3A_57, %dma_wait3A_58] : memref<4096x128xf32, #tpu.memory_space<hbm>> -> memref<4096x128xf32, #tpu.memory_space<hbm>>
    tpu.wait_indirect_dma semaphore(%arg11 : memref<!tpu.dma_semaphore, #tpu.memory_space<semaphore_mem>>) src(%dma_wait3A_59 : memref<4096x128xf32, #tpu.memory_space<hbm>>) dst(%arg7 : memref<128x128xf32, #tpu.memory_space<vmem>>)
    %add3A_60 = arith.constant 128 : i32
    %add3A_61 = arith.addi %mul3A_2, %add3A_60 : i32
    %dma_start3A_62 = arith.constant 0 : i32
    %dma_start3A_63 = tpu.memref_slice %arg4[%add3A_61, %dma_start3A_62] : memref<65536x128xf32, #tpu.memory_space<hbm>> -> memref<128x128xf32, #tpu.memory_space<hbm>>
    %dma_start3A_64 = arith.constant 0 : i32
    %dma_start3A_65 = tpu.memref_slice %arg4[%add3A_61, %dma_start3A_64] : memref<65536x128xf32, #tpu.memory_space<hbm>> -> memref<128x128xf32, #tpu.memory_space<hbm>>
    tpu.enqueue_dma source(%arg7 : memref<128x128xf32, #tpu.memory_space<vmem>>) target(%dma_start3A_65 : memref<128x128xf32, #tpu.memory_space<hbm>>) target_semaphore(%arg15 : memref<!tpu.dma_semaphore, #tpu.memory_space<semaphore_mem>>)
    %dma_wait3A_66 = arith.constant 0 : i32
    %dma_wait3A_67 = tpu.memref_slice %arg4[%add3A_61, %dma_wait3A_66] : memref<65536x128xf32, #tpu.memory_space<hbm>> -> memref<128x128xf32, #tpu.memory_space<hbm>>
    %dma_wait3A_68 = arith.constant 0 : i32
    %dma_wait3A_69 = tpu.memref_slice %arg4[%add3A_61, %dma_wait3A_68] : memref<65536x128xf32, #tpu.memory_space<hbm>> -> memref<128x128xf32, #tpu.memory_space<hbm>>
    tpu.wait_dma2 semaphore(%arg15 : memref<!tpu.dma_semaphore, #tpu.memory_space<semaphore_mem>>) src(%arg7 : memref<128x128xf32, #tpu.memory_space<vmem>>) dst(%dma_wait3A_69 : memref<128x128xf32, #tpu.memory_space<hbm>>)
    %dma_start3A_70 = arith.constant 5 : i32
    %dma_start3A_71 = arith.constant 0 : i32
    %dma_start3A_72 = tpu.memref_slice %arg5[%dma_start3A_70, %dma_start3A_71] : memref<16x128xi32, #tpu.memory_space<vmem>> -> memref<1x128xi32, #tpu.memory_space<vmem>>
    %dma_start3A_73 = tpu.memref_squeeze %dma_start3A_72 : memref<1x128xi32, #tpu.memory_space<vmem>> -> memref<128xi32, #tpu.memory_space<vmem>>
    %dma_start3A_74 = arith.constant 0 : i32
    %dma_start3A_75 = arith.constant 0 : i32
    %dma_start3A_76 = tpu.memref_slice %arg2[%dma_start3A_74, %dma_start3A_75] : memref<4096x128xf32, #tpu.memory_space<hbm>> -> memref<4096x128xf32, #tpu.memory_space<hbm>>
    tpu.enqueue_indirect_dma source(%dma_start3A_76 : memref<4096x128xf32, #tpu.memory_space<hbm>>) target(%arg7 : memref<128x128xf32, #tpu.memory_space<vmem>>) offsets(%dma_start3A_73 : memref<128xi32, #tpu.memory_space<vmem>>) semaphore(%arg11 : memref<!tpu.dma_semaphore, #tpu.memory_space<semaphore_mem>>)
    %dma_wait3A_77 = arith.constant 2 : i32
    %dma_wait3A_78 = arith.constant 0 : i32
    %dma_wait3A_79 = tpu.memref_slice %arg5[%dma_wait3A_77, %dma_wait3A_78] : memref<16x128xi32, #tpu.memory_space<vmem>> -> memref<1x128xi32, #tpu.memory_space<vmem>>
    %dma_wait3A_80 = tpu.memref_squeeze %dma_wait3A_79 : memref<1x128xi32, #tpu.memory_space<vmem>> -> memref<128xi32, #tpu.memory_space<vmem>>
    %dma_wait3A_81 = arith.constant 0 : i32
    %dma_wait3A_82 = arith.constant 0 : i32
    %dma_wait3A_83 = tpu.memref_slice %arg2[%dma_wait3A_81, %dma_wait3A_82] : memref<4096x128xf32, #tpu.memory_space<hbm>> -> memref<4096x128xf32, #tpu.memory_space<hbm>>
    tpu.wait_indirect_dma semaphore(%arg12 : memref<!tpu.dma_semaphore, #tpu.memory_space<semaphore_mem>>) src(%dma_wait3A_83 : memref<4096x128xf32, #tpu.memory_space<hbm>>) dst(%arg8 : memref<128x128xf32, #tpu.memory_space<vmem>>)
    %add3A_84 = arith.constant 256 : i32
    %add3A_85 = arith.addi %mul3A_2, %add3A_84 : i32
    %dma_start3A_86 = arith.constant 0 : i32
    %dma_start3A_87 = tpu.memref_slice %arg4[%add3A_85, %dma_start3A_86] : memref<65536x128xf32, #tpu.memory_space<hbm>> -> memref<128x128xf32, #tpu.memory_space<hbm>>
    %dma_start3A_88 = arith.constant 0 : i32
    %dma_start3A_89 = tpu.memref_slice %arg4[%add3A_85, %dma_start3A_88] : memref<65536x128xf32, #tpu.memory_space<hbm>> -> memref<128x128xf32, #tpu.memory_space<hbm>>
    tpu.enqueue_dma source(%arg8 : memref<128x128xf32, #tpu.memory_space<vmem>>) target(%dma_start3A_89 : memref<128x128xf32, #tpu.memory_space<hbm>>) target_semaphore(%arg16 : memref<!tpu.dma_semaphore, #tpu.memory_space<semaphore_mem>>)
    %dma_wait3A_90 = arith.constant 0 : i32
    %dma_wait3A_91 = tpu.memref_slice %arg4[%add3A_85, %dma_wait3A_90] : memref<65536x128xf32, #tpu.memory_space<hbm>> -> memref<128x128xf32, #tpu.memory_space<hbm>>
    %dma_wait3A_92 = arith.constant 0 : i32
    %dma_wait3A_93 = tpu.memref_slice %arg4[%add3A_85, %dma_wait3A_92] : memref<65536x128xf32, #tpu.memory_space<hbm>> -> memref<128x128xf32, #tpu.memory_space<hbm>>
    tpu.wait_dma2 semaphore(%arg16 : memref<!tpu.dma_semaphore, #tpu.memory_space<semaphore_mem>>) src(%arg8 : memref<128x128xf32, #tpu.memory_space<vmem>>) dst(%dma_wait3A_93 : memref<128x128xf32, #tpu.memory_space<hbm>>)
    %dma_start3A_94 = arith.constant 6 : i32
    %dma_start3A_95 = arith.constant 0 : i32
    %dma_start3A_96 = tpu.memref_slice %arg5[%dma_start3A_94, %dma_start3A_95] : memref<16x128xi32, #tpu.memory_space<vmem>> -> memref<1x128xi32, #tpu.memory_space<vmem>>
    %dma_start3A_97 = tpu.memref_squeeze %dma_start3A_96 : memref<1x128xi32, #tpu.memory_space<vmem>> -> memref<128xi32, #tpu.memory_space<vmem>>
    %dma_start3A_98 = arith.constant 0 : i32
    %dma_start3A_99 = arith.constant 0 : i32
    %dma_start3A_100 = tpu.memref_slice %arg2[%dma_start3A_98, %dma_start3A_99] : memref<4096x128xf32, #tpu.memory_space<hbm>> -> memref<4096x128xf32, #tpu.memory_space<hbm>>
    tpu.enqueue_indirect_dma source(%dma_start3A_100 : memref<4096x128xf32, #tpu.memory_space<hbm>>) target(%arg8 : memref<128x128xf32, #tpu.memory_space<vmem>>) offsets(%dma_start3A_97 : memref<128xi32, #tpu.memory_space<vmem>>) semaphore(%arg12 : memref<!tpu.dma_semaphore, #tpu.memory_space<semaphore_mem>>)
    %dma_wait3A_101 = arith.constant 3 : i32
    %dma_wait3A_102 = arith.constant 0 : i32
    %dma_wait3A_103 = tpu.memref_slice %arg5[%dma_wait3A_101, %dma_wait3A_102] : memref<16x128xi32, #tpu.memory_space<vmem>> -> memref<1x128xi32, #tpu.memory_space<vmem>>
    %dma_wait3A_104 = tpu.memref_squeeze %dma_wait3A_103 : memref<1x128xi32, #tpu.memory_space<vmem>> -> memref<128xi32, #tpu.memory_space<vmem>>
    %dma_wait3A_105 = arith.constant 0 : i32
    %dma_wait3A_106 = arith.constant 0 : i32
    %dma_wait3A_107 = tpu.memref_slice %arg2[%dma_wait3A_105, %dma_wait3A_106] : memref<4096x128xf32, #tpu.memory_space<hbm>> -> memref<4096x128xf32, #tpu.memory_space<hbm>>
    tpu.wait_indirect_dma semaphore(%arg13 : memref<!tpu.dma_semaphore, #tpu.memory_space<semaphore_mem>>) src(%dma_wait3A_107 : memref<4096x128xf32, #tpu.memory_space<hbm>>) dst(%arg9 : memref<128x128xf32, #tpu.memory_space<vmem>>)
    %add3A_108 = arith.constant 384 : i32
    %add3A_109 = arith.addi %mul3A_2, %add3A_108 : i32
    %dma_start3A_110 = arith.constant 0 : i32
    %dma_start3A_111 = tpu.memref_slice %arg4[%add3A_109, %dma_start3A_110] : memref<65536x128xf32, #tpu.memory_space<hbm>> -> memref<128x128xf32, #tpu.memory_space<hbm>>
    %dma_start3A_112 = arith.constant 0 : i32
    %dma_start3A_113 = tpu.memref_slice %arg4[%add3A_109, %dma_start3A_112] : memref<65536x128xf32, #tpu.memory_space<hbm>> -> memref<128x128xf32, #tpu.memory_space<hbm>>
    tpu.enqueue_dma source(%arg9 : memref<128x128xf32, #tpu.memory_space<vmem>>) target(%dma_start3A_113 : memref<128x128xf32, #tpu.memory_space<hbm>>) target_semaphore(%arg17 : memref<!tpu.dma_semaphore, #tpu.memory_space<semaphore_mem>>)
    %dma_wait3A_114 = arith.constant 0 : i32
    %dma_wait3A_115 = tpu.memref_slice %arg4[%add3A_109, %dma_wait3A_114] : memref<65536x128xf32, #tpu.memory_space<hbm>> -> memref<128x128xf32, #tpu.memory_space<hbm>>
    %dma_wait3A_116 = arith.constant 0 : i32
    %dma_wait3A_117 = tpu.memref_slice %arg4[%add3A_109, %dma_wait3A_116] : memref<65536x128xf32, #tpu.memory_space<hbm>> -> memref<128x128xf32, #tpu.memory_space<hbm>>
    tpu.wait_dma2 semaphore(%arg17 : memref<!tpu.dma_semaphore, #tpu.memory_space<semaphore_mem>>) src(%arg9 : memref<128x128xf32, #tpu.memory_space<vmem>>) dst(%dma_wait3A_117 : memref<128x128xf32, #tpu.memory_space<hbm>>)
    %dma_start3A_118 = arith.constant 7 : i32
    %dma_start3A_119 = arith.constant 0 : i32
    %dma_start3A_120 = tpu.memref_slice %arg5[%dma_start3A_118, %dma_start3A_119] : memref<16x128xi32, #tpu.memory_space<vmem>> -> memref<1x128xi32, #tpu.memory_space<vmem>>
    %dma_start3A_121 = tpu.memref_squeeze %dma_start3A_120 : memref<1x128xi32, #tpu.memory_space<vmem>> -> memref<128xi32, #tpu.memory_space<vmem>>
    %dma_start3A_122 = arith.constant 0 : i32
    %dma_start3A_123 = arith.constant 0 : i32
    %dma_start3A_124 = tpu.memref_slice %arg2[%dma_start3A_122, %dma_start3A_123] : memref<4096x128xf32, #tpu.memory_space<hbm>> -> memref<4096x128xf32, #tpu.memory_space<hbm>>
    tpu.enqueue_indirect_dma source(%dma_start3A_124 : memref<4096x128xf32, #tpu.memory_space<hbm>>) target(%arg9 : memref<128x128xf32, #tpu.memory_space<vmem>>) offsets(%dma_start3A_121 : memref<128xi32, #tpu.memory_space<vmem>>) semaphore(%arg13 : memref<!tpu.dma_semaphore, #tpu.memory_space<semaphore_mem>>)
    %dma_wait3A_125 = arith.constant 4 : i32
    %dma_wait3A_126 = arith.constant 0 : i32
    %dma_wait3A_127 = tpu.memref_slice %arg5[%dma_wait3A_125, %dma_wait3A_126] : memref<16x128xi32, #tpu.memory_space<vmem>> -> memref<1x128xi32, #tpu.memory_space<vmem>>
    %dma_wait3A_128 = tpu.memref_squeeze %dma_wait3A_127 : memref<1x128xi32, #tpu.memory_space<vmem>> -> memref<128xi32, #tpu.memory_space<vmem>>
    %dma_wait3A_129 = arith.constant 0 : i32
    %dma_wait3A_130 = arith.constant 0 : i32
    %dma_wait3A_131 = tpu.memref_slice %arg2[%dma_wait3A_129, %dma_wait3A_130] : memref<4096x128xf32, #tpu.memory_space<hbm>> -> memref<4096x128xf32, #tpu.memory_space<hbm>>
    tpu.wait_indirect_dma semaphore(%arg10 : memref<!tpu.dma_semaphore, #tpu.memory_space<semaphore_mem>>) src(%dma_wait3A_131 : memref<4096x128xf32, #tpu.memory_space<hbm>>) dst(%arg6 : memref<128x128xf32, #tpu.memory_space<vmem>>)
    %add3A_132 = arith.constant 512 : i32
    %add3A_133 = arith.addi %mul3A_2, %add3A_132 : i32
    %dma_start3A_134 = arith.constant 0 : i32
    %dma_start3A_135 = tpu.memref_slice %arg4[%add3A_133, %dma_start3A_134] : memref<65536x128xf32, #tpu.memory_space<hbm>> -> memref<128x128xf32, #tpu.memory_space<hbm>>
    %dma_start3A_136 = arith.constant 0 : i32
    %dma_start3A_137 = tpu.memref_slice %arg4[%add3A_133, %dma_start3A_136] : memref<65536x128xf32, #tpu.memory_space<hbm>> -> memref<128x128xf32, #tpu.memory_space<hbm>>
    tpu.enqueue_dma source(%arg6 : memref<128x128xf32, #tpu.memory_space<vmem>>) target(%dma_start3A_137 : memref<128x128xf32, #tpu.memory_space<hbm>>) target_semaphore(%arg14 : memref<!tpu.dma_semaphore, #tpu.memory_space<semaphore_mem>>)
    %dma_wait3A_138 = arith.constant 0 : i32
    %dma_wait3A_139 = tpu.memref_slice %arg4[%add3A_133, %dma_wait3A_138] : memref<65536x128xf32, #tpu.memory_space<hbm>> -> memref<128x128xf32, #tpu.memory_space<hbm>>
    %dma_wait3A_140 = arith.constant 0 : i32
    %dma_wait3A_141 = tpu.memref_slice %arg4[%add3A_133, %dma_wait3A_140] : memref<65536x128xf32, #tpu.memory_space<hbm>> -> memref<128x128xf32, #tpu.memory_space<hbm>>
    tpu.wait_dma2 semaphore(%arg14 : memref<!tpu.dma_semaphore, #tpu.memory_space<semaphore_mem>>) src(%arg6 : memref<128x128xf32, #tpu.memory_space<vmem>>) dst(%dma_wait3A_141 : memref<128x128xf32, #tpu.memory_space<hbm>>)
    %dma_start3A_142 = arith.constant 8 : i32
    %dma_start3A_143 = arith.constant 0 : i32
    %dma_start3A_144 = tpu.memref_slice %arg5[%dma_start3A_142, %dma_start3A_143] : memref<16x128xi32, #tpu.memory_space<vmem>> -> memref<1x128xi32, #tpu.memory_space<vmem>>
    %dma_start3A_145 = tpu.memref_squeeze %dma_start3A_144 : memref<1x128xi32, #tpu.memory_space<vmem>> -> memref<128xi32, #tpu.memory_space<vmem>>
    %dma_start3A_146 = arith.constant 0 : i32
    %dma_start3A_147 = arith.constant 0 : i32
    %dma_start3A_148 = tpu.memref_slice %arg2[%dma_start3A_146, %dma_start3A_147] : memref<4096x128xf32, #tpu.memory_space<hbm>> -> memref<4096x128xf32, #tpu.memory_space<hbm>>
    tpu.enqueue_indirect_dma source(%dma_start3A_148 : memref<4096x128xf32, #tpu.memory_space<hbm>>) target(%arg6 : memref<128x128xf32, #tpu.memory_space<vmem>>) offsets(%dma_start3A_145 : memref<128xi32, #tpu.memory_space<vmem>>) semaphore(%arg10 : memref<!tpu.dma_semaphore, #tpu.memory_space<semaphore_mem>>)
    %dma_wait3A_149 = arith.constant 5 : i32
    %dma_wait3A_150 = arith.constant 0 : i32
    %dma_wait3A_151 = tpu.memref_slice %arg5[%dma_wait3A_149, %dma_wait3A_150] : memref<16x128xi32, #tpu.memory_space<vmem>> -> memref<1x128xi32, #tpu.memory_space<vmem>>
    %dma_wait3A_152 = tpu.memref_squeeze %dma_wait3A_151 : memref<1x128xi32, #tpu.memory_space<vmem>> -> memref<128xi32, #tpu.memory_space<vmem>>
    %dma_wait3A_153 = arith.constant 0 : i32
    %dma_wait3A_154 = arith.constant 0 : i32
    %dma_wait3A_155 = tpu.memref_slice %arg2[%dma_wait3A_153, %dma_wait3A_154] : memref<4096x128xf32, #tpu.memory_space<hbm>> -> memref<4096x128xf32, #tpu.memory_space<hbm>>
    tpu.wait_indirect_dma semaphore(%arg11 : memref<!tpu.dma_semaphore, #tpu.memory_space<semaphore_mem>>) src(%dma_wait3A_155 : memref<4096x128xf32, #tpu.memory_space<hbm>>) dst(%arg7 : memref<128x128xf32, #tpu.memory_space<vmem>>)
    %add3A_156 = arith.constant 640 : i32
    %add3A_157 = arith.addi %mul3A_2, %add3A_156 : i32
    %dma_start3A_158 = arith.constant 0 : i32
    %dma_start3A_159 = tpu.memref_slice %arg4[%add3A_157, %dma_start3A_158] : memref<65536x128xf32, #tpu.memory_space<hbm>> -> memref<128x128xf32, #tpu.memory_space<hbm>>
    %dma_start3A_160 = arith.constant 0 : i32
    %dma_start3A_161 = tpu.memref_slice %arg4[%add3A_157, %dma_start3A_160] : memref<65536x128xf32, #tpu.memory_space<hbm>> -> memref<128x128xf32, #tpu.memory_space<hbm>>
    tpu.enqueue_dma source(%arg7 : memref<128x128xf32, #tpu.memory_space<vmem>>) target(%dma_start3A_161 : memref<128x128xf32, #tpu.memory_space<hbm>>) target_semaphore(%arg15 : memref<!tpu.dma_semaphore, #tpu.memory_space<semaphore_mem>>)
    %dma_wait3A_162 = arith.constant 0 : i32
    %dma_wait3A_163 = tpu.memref_slice %arg4[%add3A_157, %dma_wait3A_162] : memref<65536x128xf32, #tpu.memory_space<hbm>> -> memref<128x128xf32, #tpu.memory_space<hbm>>
    %dma_wait3A_164 = arith.constant 0 : i32
    %dma_wait3A_165 = tpu.memref_slice %arg4[%add3A_157, %dma_wait3A_164] : memref<65536x128xf32, #tpu.memory_space<hbm>> -> memref<128x128xf32, #tpu.memory_space<hbm>>
    tpu.wait_dma2 semaphore(%arg15 : memref<!tpu.dma_semaphore, #tpu.memory_space<semaphore_mem>>) src(%arg7 : memref<128x128xf32, #tpu.memory_space<vmem>>) dst(%dma_wait3A_165 : memref<128x128xf32, #tpu.memory_space<hbm>>)
    %dma_start3A_166 = arith.constant 9 : i32
    %dma_start3A_167 = arith.constant 0 : i32
    %dma_start3A_168 = tpu.memref_slice %arg5[%dma_start3A_166, %dma_start3A_167] : memref<16x128xi32, #tpu.memory_space<vmem>> -> memref<1x128xi32, #tpu.memory_space<vmem>>
    %dma_start3A_169 = tpu.memref_squeeze %dma_start3A_168 : memref<1x128xi32, #tpu.memory_space<vmem>> -> memref<128xi32, #tpu.memory_space<vmem>>
    %dma_start3A_170 = arith.constant 0 : i32
    %dma_start3A_171 = arith.constant 0 : i32
    %dma_start3A_172 = tpu.memref_slice %arg2[%dma_start3A_170, %dma_start3A_171] : memref<4096x128xf32, #tpu.memory_space<hbm>> -> memref<4096x128xf32, #tpu.memory_space<hbm>>
    tpu.enqueue_indirect_dma source(%dma_start3A_172 : memref<4096x128xf32, #tpu.memory_space<hbm>>) target(%arg7 : memref<128x128xf32, #tpu.memory_space<vmem>>) offsets(%dma_start3A_169 : memref<128xi32, #tpu.memory_space<vmem>>) semaphore(%arg11 : memref<!tpu.dma_semaphore, #tpu.memory_space<semaphore_mem>>)
    %dma_wait3A_173 = arith.constant 6 : i32
    %dma_wait3A_174 = arith.constant 0 : i32
    %dma_wait3A_175 = tpu.memref_slice %arg5[%dma_wait3A_173, %dma_wait3A_174] : memref<16x128xi32, #tpu.memory_space<vmem>> -> memref<1x128xi32, #tpu.memory_space<vmem>>
    %dma_wait3A_176 = tpu.memref_squeeze %dma_wait3A_175 : memref<1x128xi32, #tpu.memory_space<vmem>> -> memref<128xi32, #tpu.memory_space<vmem>>
    %dma_wait3A_177 = arith.constant 0 : i32
    %dma_wait3A_178 = arith.constant 0 : i32
    %dma_wait3A_179 = tpu.memref_slice %arg2[%dma_wait3A_177, %dma_wait3A_178] : memref<4096x128xf32, #tpu.memory_space<hbm>> -> memref<4096x128xf32, #tpu.memory_space<hbm>>
    tpu.wait_indirect_dma semaphore(%arg12 : memref<!tpu.dma_semaphore, #tpu.memory_space<semaphore_mem>>) src(%dma_wait3A_179 : memref<4096x128xf32, #tpu.memory_space<hbm>>) dst(%arg8 : memref<128x128xf32, #tpu.memory_space<vmem>>)
    %add3A_180 = arith.constant 768 : i32
    %add3A_181 = arith.addi %mul3A_2, %add3A_180 : i32
    %dma_start3A_182 = arith.constant 0 : i32
    %dma_start3A_183 = tpu.memref_slice %arg4[%add3A_181, %dma_start3A_182] : memref<65536x128xf32, #tpu.memory_space<hbm>> -> memref<128x128xf32, #tpu.memory_space<hbm>>
    %dma_start3A_184 = arith.constant 0 : i32
    %dma_start3A_185 = tpu.memref_slice %arg4[%add3A_181, %dma_start3A_184] : memref<65536x128xf32, #tpu.memory_space<hbm>> -> memref<128x128xf32, #tpu.memory_space<hbm>>
    tpu.enqueue_dma source(%arg8 : memref<128x128xf32, #tpu.memory_space<vmem>>) target(%dma_start3A_185 : memref<128x128xf32, #tpu.memory_space<hbm>>) target_semaphore(%arg16 : memref<!tpu.dma_semaphore, #tpu.memory_space<semaphore_mem>>)
    %dma_wait3A_186 = arith.constant 0 : i32
    %dma_wait3A_187 = tpu.memref_slice %arg4[%add3A_181, %dma_wait3A_186] : memref<65536x128xf32, #tpu.memory_space<hbm>> -> memref<128x128xf32, #tpu.memory_space<hbm>>
    %dma_wait3A_188 = arith.constant 0 : i32
    %dma_wait3A_189 = tpu.memref_slice %arg4[%add3A_181, %dma_wait3A_188] : memref<65536x128xf32, #tpu.memory_space<hbm>> -> memref<128x128xf32, #tpu.memory_space<hbm>>
    tpu.wait_dma2 semaphore(%arg16 : memref<!tpu.dma_semaphore, #tpu.memory_space<semaphore_mem>>) src(%arg8 : memref<128x128xf32, #tpu.memory_space<vmem>>) dst(%dma_wait3A_189 : memref<128x128xf32, #tpu.memory_space<hbm>>)
    %dma_start3A_190 = arith.constant 10 : i32
    %dma_start3A_191 = arith.constant 0 : i32
    %dma_start3A_192 = tpu.memref_slice %arg5[%dma_start3A_190, %dma_start3A_191] : memref<16x128xi32, #tpu.memory_space<vmem>> -> memref<1x128xi32, #tpu.memory_space<vmem>>
    %dma_start3A_193 = tpu.memref_squeeze %dma_start3A_192 : memref<1x128xi32, #tpu.memory_space<vmem>> -> memref<128xi32, #tpu.memory_space<vmem>>
    %dma_start3A_194 = arith.constant 0 : i32
    %dma_start3A_195 = arith.constant 0 : i32
    %dma_start3A_196 = tpu.memref_slice %arg2[%dma_start3A_194, %dma_start3A_195] : memref<4096x128xf32, #tpu.memory_space<hbm>> -> memref<4096x128xf32, #tpu.memory_space<hbm>>
    tpu.enqueue_indirect_dma source(%dma_start3A_196 : memref<4096x128xf32, #tpu.memory_space<hbm>>) target(%arg8 : memref<128x128xf32, #tpu.memory_space<vmem>>) offsets(%dma_start3A_193 : memref<128xi32, #tpu.memory_space<vmem>>) semaphore(%arg12 : memref<!tpu.dma_semaphore, #tpu.memory_space<semaphore_mem>>)
    %dma_wait3A_197 = arith.constant 7 : i32
    %dma_wait3A_198 = arith.constant 0 : i32
    %dma_wait3A_199 = tpu.memref_slice %arg5[%dma_wait3A_197, %dma_wait3A_198] : memref<16x128xi32, #tpu.memory_space<vmem>> -> memref<1x128xi32, #tpu.memory_space<vmem>>
    %dma_wait3A_200 = tpu.memref_squeeze %dma_wait3A_199 : memref<1x128xi32, #tpu.memory_space<vmem>> -> memref<128xi32, #tpu.memory_space<vmem>>
    %dma_wait3A_201 = arith.constant 0 : i32
    %dma_wait3A_202 = arith.constant 0 : i32
    %dma_wait3A_203 = tpu.memref_slice %arg2[%dma_wait3A_201, %dma_wait3A_202] : memref<4096x128xf32, #tpu.memory_space<hbm>> -> memref<4096x128xf32, #tpu.memory_space<hbm>>
    tpu.wait_indirect_dma semaphore(%arg13 : memref<!tpu.dma_semaphore, #tpu.memory_space<semaphore_mem>>) src(%dma_wait3A_203 : memref<4096x128xf32, #tpu.memory_space<hbm>>) dst(%arg9 : memref<128x128xf32, #tpu.memory_space<vmem>>)
    %add3A_204 = arith.constant 896 : i32
    %add3A_205 = arith.addi %mul3A_2, %add3A_204 : i32
    %dma_start3A_206 = arith.constant 0 : i32
    %dma_start3A_207 = tpu.memref_slice %arg4[%add3A_205, %dma_start3A_206] : memref<65536x128xf32, #tpu.memory_space<hbm>> -> memref<128x128xf32, #tpu.memory_space<hbm>>
    %dma_start3A_208 = arith.constant 0 : i32
    %dma_start3A_209 = tpu.memref_slice %arg4[%add3A_205, %dma_start3A_208] : memref<65536x128xf32, #tpu.memory_space<hbm>> -> memref<128x128xf32, #tpu.memory_space<hbm>>
    tpu.enqueue_dma source(%arg9 : memref<128x128xf32, #tpu.memory_space<vmem>>) target(%dma_start3A_209 : memref<128x128xf32, #tpu.memory_space<hbm>>) target_semaphore(%arg17 : memref<!tpu.dma_semaphore, #tpu.memory_space<semaphore_mem>>)
    %dma_wait3A_210 = arith.constant 0 : i32
    %dma_wait3A_211 = tpu.memref_slice %arg4[%add3A_205, %dma_wait3A_210] : memref<65536x128xf32, #tpu.memory_space<hbm>> -> memref<128x128xf32, #tpu.memory_space<hbm>>
    %dma_wait3A_212 = arith.constant 0 : i32
    %dma_wait3A_213 = tpu.memref_slice %arg4[%add3A_205, %dma_wait3A_212] : memref<65536x128xf32, #tpu.memory_space<hbm>> -> memref<128x128xf32, #tpu.memory_space<hbm>>
    tpu.wait_dma2 semaphore(%arg17 : memref<!tpu.dma_semaphore, #tpu.memory_space<semaphore_mem>>) src(%arg9 : memref<128x128xf32, #tpu.memory_space<vmem>>) dst(%dma_wait3A_213 : memref<128x128xf32, #tpu.memory_space<hbm>>)
    %dma_start3A_214 = arith.constant 11 : i32
    %dma_start3A_215 = arith.constant 0 : i32
    %dma_start3A_216 = tpu.memref_slice %arg5[%dma_start3A_214, %dma_start3A_215] : memref<16x128xi32, #tpu.memory_space<vmem>> -> memref<1x128xi32, #tpu.memory_space<vmem>>
    %dma_start3A_217 = tpu.memref_squeeze %dma_start3A_216 : memref<1x128xi32, #tpu.memory_space<vmem>> -> memref<128xi32, #tpu.memory_space<vmem>>
    %dma_start3A_218 = arith.constant 0 : i32
    %dma_start3A_219 = arith.constant 0 : i32
    %dma_start3A_220 = tpu.memref_slice %arg2[%dma_start3A_218, %dma_start3A_219] : memref<4096x128xf32, #tpu.memory_space<hbm>> -> memref<4096x128xf32, #tpu.memory_space<hbm>>
    tpu.enqueue_indirect_dma source(%dma_start3A_220 : memref<4096x128xf32, #tpu.memory_space<hbm>>) target(%arg9 : memref<128x128xf32, #tpu.memory_space<vmem>>) offsets(%dma_start3A_217 : memref<128xi32, #tpu.memory_space<vmem>>) semaphore(%arg13 : memref<!tpu.dma_semaphore, #tpu.memory_space<semaphore_mem>>)
    %dma_wait3A_221 = arith.constant 8 : i32
    %dma_wait3A_222 = arith.constant 0 : i32
    %dma_wait3A_223 = tpu.memref_slice %arg5[%dma_wait3A_221, %dma_wait3A_222] : memref<16x128xi32, #tpu.memory_space<vmem>> -> memref<1x128xi32, #tpu.memory_space<vmem>>
    %dma_wait3A_224 = tpu.memref_squeeze %dma_wait3A_223 : memref<1x128xi32, #tpu.memory_space<vmem>> -> memref<128xi32, #tpu.memory_space<vmem>>
    %dma_wait3A_225 = arith.constant 0 : i32
    %dma_wait3A_226 = arith.constant 0 : i32
    %dma_wait3A_227 = tpu.memref_slice %arg2[%dma_wait3A_225, %dma_wait3A_226] : memref<4096x128xf32, #tpu.memory_space<hbm>> -> memref<4096x128xf32, #tpu.memory_space<hbm>>
    tpu.wait_indirect_dma semaphore(%arg10 : memref<!tpu.dma_semaphore, #tpu.memory_space<semaphore_mem>>) src(%dma_wait3A_227 : memref<4096x128xf32, #tpu.memory_space<hbm>>) dst(%arg6 : memref<128x128xf32, #tpu.memory_space<vmem>>)
    %add3A_228 = arith.constant 1024 : i32
    %add3A_229 = arith.addi %mul3A_2, %add3A_228 : i32
    %dma_start3A_230 = arith.constant 0 : i32
    %dma_start3A_231 = tpu.memref_slice %arg4[%add3A_229, %dma_start3A_230] : memref<65536x128xf32, #tpu.memory_space<hbm>> -> memref<128x128xf32, #tpu.memory_space<hbm>>
    %dma_start3A_232 = arith.constant 0 : i32
    %dma_start3A_233 = tpu.memref_slice %arg4[%add3A_229, %dma_start3A_232] : memref<65536x128xf32, #tpu.memory_space<hbm>> -> memref<128x128xf32, #tpu.memory_space<hbm>>
    tpu.enqueue_dma source(%arg6 : memref<128x128xf32, #tpu.memory_space<vmem>>) target(%dma_start3A_233 : memref<128x128xf32, #tpu.memory_space<hbm>>) target_semaphore(%arg14 : memref<!tpu.dma_semaphore, #tpu.memory_space<semaphore_mem>>)
    %dma_wait3A_234 = arith.constant 0 : i32
    %dma_wait3A_235 = tpu.memref_slice %arg4[%add3A_229, %dma_wait3A_234] : memref<65536x128xf32, #tpu.memory_space<hbm>> -> memref<128x128xf32, #tpu.memory_space<hbm>>
    %dma_wait3A_236 = arith.constant 0 : i32
    %dma_wait3A_237 = tpu.memref_slice %arg4[%add3A_229, %dma_wait3A_236] : memref<65536x128xf32, #tpu.memory_space<hbm>> -> memref<128x128xf32, #tpu.memory_space<hbm>>
    tpu.wait_dma2 semaphore(%arg14 : memref<!tpu.dma_semaphore, #tpu.memory_space<semaphore_mem>>) src(%arg6 : memref<128x128xf32, #tpu.memory_space<vmem>>) dst(%dma_wait3A_237 : memref<128x128xf32, #tpu.memory_space<hbm>>)
    %dma_start3A_238 = arith.constant 12 : i32
    %dma_start3A_239 = arith.constant 0 : i32
    %dma_start3A_240 = tpu.memref_slice %arg5[%dma_start3A_238, %dma_start3A_239] : memref<16x128xi32, #tpu.memory_space<vmem>> -> memref<1x128xi32, #tpu.memory_space<vmem>>
    %dma_start3A_241 = tpu.memref_squeeze %dma_start3A_240 : memref<1x128xi32, #tpu.memory_space<vmem>> -> memref<128xi32, #tpu.memory_space<vmem>>
    %dma_start3A_242 = arith.constant 0 : i32
    %dma_start3A_243 = arith.constant 0 : i32
    %dma_start3A_244 = tpu.memref_slice %arg2[%dma_start3A_242, %dma_start3A_243] : memref<4096x128xf32, #tpu.memory_space<hbm>> -> memref<4096x128xf32, #tpu.memory_space<hbm>>
    tpu.enqueue_indirect_dma source(%dma_start3A_244 : memref<4096x128xf32, #tpu.memory_space<hbm>>) target(%arg6 : memref<128x128xf32, #tpu.memory_space<vmem>>) offsets(%dma_start3A_241 : memref<128xi32, #tpu.memory_space<vmem>>) semaphore(%arg10 : memref<!tpu.dma_semaphore, #tpu.memory_space<semaphore_mem>>)
    %dma_wait3A_245 = arith.constant 9 : i32
    %dma_wait3A_246 = arith.constant 0 : i32
    %dma_wait3A_247 = tpu.memref_slice %arg5[%dma_wait3A_245, %dma_wait3A_246] : memref<16x128xi32, #tpu.memory_space<vmem>> -> memref<1x128xi32, #tpu.memory_space<vmem>>
    %dma_wait3A_248 = tpu.memref_squeeze %dma_wait3A_247 : memref<1x128xi32, #tpu.memory_space<vmem>> -> memref<128xi32, #tpu.memory_space<vmem>>
    %dma_wait3A_249 = arith.constant 0 : i32
    %dma_wait3A_250 = arith.constant 0 : i32
    %dma_wait3A_251 = tpu.memref_slice %arg2[%dma_wait3A_249, %dma_wait3A_250] : memref<4096x128xf32, #tpu.memory_space<hbm>> -> memref<4096x128xf32, #tpu.memory_space<hbm>>
    tpu.wait_indirect_dma semaphore(%arg11 : memref<!tpu.dma_semaphore, #tpu.memory_space<semaphore_mem>>) src(%dma_wait3A_251 : memref<4096x128xf32, #tpu.memory_space<hbm>>) dst(%arg7 : memref<128x128xf32, #tpu.memory_space<vmem>>)
    %add3A_252 = arith.constant 1152 : i32
    %add3A_253 = arith.addi %mul3A_2, %add3A_252 : i32
    %dma_start3A_254 = arith.constant 0 : i32
    %dma_start3A_255 = tpu.memref_slice %arg4[%add3A_253, %dma_start3A_254] : memref<65536x128xf32, #tpu.memory_space<hbm>> -> memref<128x128xf32, #tpu.memory_space<hbm>>
    %dma_start3A_256 = arith.constant 0 : i32
    %dma_start3A_257 = tpu.memref_slice %arg4[%add3A_253, %dma_start3A_256] : memref<65536x128xf32, #tpu.memory_space<hbm>> -> memref<128x128xf32, #tpu.memory_space<hbm>>
    tpu.enqueue_dma source(%arg7 : memref<128x128xf32, #tpu.memory_space<vmem>>) target(%dma_start3A_257 : memref<128x128xf32, #tpu.memory_space<hbm>>) target_semaphore(%arg15 : memref<!tpu.dma_semaphore, #tpu.memory_space<semaphore_mem>>)
    %dma_wait3A_258 = arith.constant 0 : i32
    %dma_wait3A_259 = tpu.memref_slice %arg4[%add3A_253, %dma_wait3A_258] : memref<65536x128xf32, #tpu.memory_space<hbm>> -> memref<128x128xf32, #tpu.memory_space<hbm>>
    %dma_wait3A_260 = arith.constant 0 : i32
    %dma_wait3A_261 = tpu.memref_slice %arg4[%add3A_253, %dma_wait3A_260] : memref<65536x128xf32, #tpu.memory_space<hbm>> -> memref<128x128xf32, #tpu.memory_space<hbm>>
    tpu.wait_dma2 semaphore(%arg15 : memref<!tpu.dma_semaphore, #tpu.memory_space<semaphore_mem>>) src(%arg7 : memref<128x128xf32, #tpu.memory_space<vmem>>) dst(%dma_wait3A_261 : memref<128x128xf32, #tpu.memory_space<hbm>>)
    %dma_start3A_262 = arith.constant 13 : i32
    %dma_start3A_263 = arith.constant 0 : i32
    %dma_start3A_264 = tpu.memref_slice %arg5[%dma_start3A_262, %dma_start3A_263] : memref<16x128xi32, #tpu.memory_space<vmem>> -> memref<1x128xi32, #tpu.memory_space<vmem>>
    %dma_start3A_265 = tpu.memref_squeeze %dma_start3A_264 : memref<1x128xi32, #tpu.memory_space<vmem>> -> memref<128xi32, #tpu.memory_space<vmem>>
    %dma_start3A_266 = arith.constant 0 : i32
    %dma_start3A_267 = arith.constant 0 : i32
    %dma_start3A_268 = tpu.memref_slice %arg2[%dma_start3A_266, %dma_start3A_267] : memref<4096x128xf32, #tpu.memory_space<hbm>> -> memref<4096x128xf32, #tpu.memory_space<hbm>>
    tpu.enqueue_indirect_dma source(%dma_start3A_268 : memref<4096x128xf32, #tpu.memory_space<hbm>>) target(%arg7 : memref<128x128xf32, #tpu.memory_space<vmem>>) offsets(%dma_start3A_265 : memref<128xi32, #tpu.memory_space<vmem>>) semaphore(%arg11 : memref<!tpu.dma_semaphore, #tpu.memory_space<semaphore_mem>>)
    %dma_wait3A_269 = arith.constant 10 : i32
    %dma_wait3A_270 = arith.constant 0 : i32
    %dma_wait3A_271 = tpu.memref_slice %arg5[%dma_wait3A_269, %dma_wait3A_270] : memref<16x128xi32, #tpu.memory_space<vmem>> -> memref<1x128xi32, #tpu.memory_space<vmem>>
    %dma_wait3A_272 = tpu.memref_squeeze %dma_wait3A_271 : memref<1x128xi32, #tpu.memory_space<vmem>> -> memref<128xi32, #tpu.memory_space<vmem>>
    %dma_wait3A_273 = arith.constant 0 : i32
    %dma_wait3A_274 = arith.constant 0 : i32
    %dma_wait3A_275 = tpu.memref_slice %arg2[%dma_wait3A_273, %dma_wait3A_274] : memref<4096x128xf32, #tpu.memory_space<hbm>> -> memref<4096x128xf32, #tpu.memory_space<hbm>>
    tpu.wait_indirect_dma semaphore(%arg12 : memref<!tpu.dma_semaphore, #tpu.memory_space<semaphore_mem>>) src(%dma_wait3A_275 : memref<4096x128xf32, #tpu.memory_space<hbm>>) dst(%arg8 : memref<128x128xf32, #tpu.memory_space<vmem>>)
    %add3A_276 = arith.constant 1280 : i32
    %add3A_277 = arith.addi %mul3A_2, %add3A_276 : i32
    %dma_start3A_278 = arith.constant 0 : i32
    %dma_start3A_279 = tpu.memref_slice %arg4[%add3A_277, %dma_start3A_278] : memref<65536x128xf32, #tpu.memory_space<hbm>> -> memref<128x128xf32, #tpu.memory_space<hbm>>
    %dma_start3A_280 = arith.constant 0 : i32
    %dma_start3A_281 = tpu.memref_slice %arg4[%add3A_277, %dma_start3A_280] : memref<65536x128xf32, #tpu.memory_space<hbm>> -> memref<128x128xf32, #tpu.memory_space<hbm>>
    tpu.enqueue_dma source(%arg8 : memref<128x128xf32, #tpu.memory_space<vmem>>) target(%dma_start3A_281 : memref<128x128xf32, #tpu.memory_space<hbm>>) target_semaphore(%arg16 : memref<!tpu.dma_semaphore, #tpu.memory_space<semaphore_mem>>)
    %dma_wait3A_282 = arith.constant 0 : i32
    %dma_wait3A_283 = tpu.memref_slice %arg4[%add3A_277, %dma_wait3A_282] : memref<65536x128xf32, #tpu.memory_space<hbm>> -> memref<128x128xf32, #tpu.memory_space<hbm>>
    %dma_wait3A_284 = arith.constant 0 : i32
    %dma_wait3A_285 = tpu.memref_slice %arg4[%add3A_277, %dma_wait3A_284] : memref<65536x128xf32, #tpu.memory_space<hbm>> -> memref<128x128xf32, #tpu.memory_space<hbm>>
    tpu.wait_dma2 semaphore(%arg16 : memref<!tpu.dma_semaphore, #tpu.memory_space<semaphore_mem>>) src(%arg8 : memref<128x128xf32, #tpu.memory_space<vmem>>) dst(%dma_wait3A_285 : memref<128x128xf32, #tpu.memory_space<hbm>>)
    %dma_start3A_286 = arith.constant 14 : i32
    %dma_start3A_287 = arith.constant 0 : i32
    %dma_start3A_288 = tpu.memref_slice %arg5[%dma_start3A_286, %dma_start3A_287] : memref<16x128xi32, #tpu.memory_space<vmem>> -> memref<1x128xi32, #tpu.memory_space<vmem>>
    %dma_start3A_289 = tpu.memref_squeeze %dma_start3A_288 : memref<1x128xi32, #tpu.memory_space<vmem>> -> memref<128xi32, #tpu.memory_space<vmem>>
    %dma_start3A_290 = arith.constant 0 : i32
    %dma_start3A_291 = arith.constant 0 : i32
    %dma_start3A_292 = tpu.memref_slice %arg2[%dma_start3A_290, %dma_start3A_291] : memref<4096x128xf32, #tpu.memory_space<hbm>> -> memref<4096x128xf32, #tpu.memory_space<hbm>>
    tpu.enqueue_indirect_dma source(%dma_start3A_292 : memref<4096x128xf32, #tpu.memory_space<hbm>>) target(%arg8 : memref<128x128xf32, #tpu.memory_space<vmem>>) offsets(%dma_start3A_289 : memref<128xi32, #tpu.memory_space<vmem>>) semaphore(%arg12 : memref<!tpu.dma_semaphore, #tpu.memory_space<semaphore_mem>>)
    %dma_wait3A_293 = arith.constant 11 : i32
    %dma_wait3A_294 = arith.constant 0 : i32
    %dma_wait3A_295 = tpu.memref_slice %arg5[%dma_wait3A_293, %dma_wait3A_294] : memref<16x128xi32, #tpu.memory_space<vmem>> -> memref<1x128xi32, #tpu.memory_space<vmem>>
    %dma_wait3A_296 = tpu.memref_squeeze %dma_wait3A_295 : memref<1x128xi32, #tpu.memory_space<vmem>> -> memref<128xi32, #tpu.memory_space<vmem>>
    %dma_wait3A_297 = arith.constant 0 : i32
    %dma_wait3A_298 = arith.constant 0 : i32
    %dma_wait3A_299 = tpu.memref_slice %arg2[%dma_wait3A_297, %dma_wait3A_298] : memref<4096x128xf32, #tpu.memory_space<hbm>> -> memref<4096x128xf32, #tpu.memory_space<hbm>>
    tpu.wait_indirect_dma semaphore(%arg13 : memref<!tpu.dma_semaphore, #tpu.memory_space<semaphore_mem>>) src(%dma_wait3A_299 : memref<4096x128xf32, #tpu.memory_space<hbm>>) dst(%arg9 : memref<128x128xf32, #tpu.memory_space<vmem>>)
    %add3A_300 = arith.constant 1408 : i32
    %add3A_301 = arith.addi %mul3A_2, %add3A_300 : i32
    %dma_start3A_302 = arith.constant 0 : i32
    %dma_start3A_303 = tpu.memref_slice %arg4[%add3A_301, %dma_start3A_302] : memref<65536x128xf32, #tpu.memory_space<hbm>> -> memref<128x128xf32, #tpu.memory_space<hbm>>
    %dma_start3A_304 = arith.constant 0 : i32
    %dma_start3A_305 = tpu.memref_slice %arg4[%add3A_301, %dma_start3A_304] : memref<65536x128xf32, #tpu.memory_space<hbm>> -> memref<128x128xf32, #tpu.memory_space<hbm>>
    tpu.enqueue_dma source(%arg9 : memref<128x128xf32, #tpu.memory_space<vmem>>) target(%dma_start3A_305 : memref<128x128xf32, #tpu.memory_space<hbm>>) target_semaphore(%arg17 : memref<!tpu.dma_semaphore, #tpu.memory_space<semaphore_mem>>)
    %dma_wait3A_306 = arith.constant 0 : i32
    %dma_wait3A_307 = tpu.memref_slice %arg4[%add3A_301, %dma_wait3A_306] : memref<65536x128xf32, #tpu.memory_space<hbm>> -> memref<128x128xf32, #tpu.memory_space<hbm>>
    %dma_wait3A_308 = arith.constant 0 : i32
    %dma_wait3A_309 = tpu.memref_slice %arg4[%add3A_301, %dma_wait3A_308] : memref<65536x128xf32, #tpu.memory_space<hbm>> -> memref<128x128xf32, #tpu.memory_space<hbm>>
    tpu.wait_dma2 semaphore(%arg17 : memref<!tpu.dma_semaphore, #tpu.memory_space<semaphore_mem>>) src(%arg9 : memref<128x128xf32, #tpu.memory_space<vmem>>) dst(%dma_wait3A_309 : memref<128x128xf32, #tpu.memory_space<hbm>>)
    %dma_start3A_310 = arith.constant 15 : i32
    %dma_start3A_311 = arith.constant 0 : i32
    %dma_start3A_312 = tpu.memref_slice %arg5[%dma_start3A_310, %dma_start3A_311] : memref<16x128xi32, #tpu.memory_space<vmem>> -> memref<1x128xi32, #tpu.memory_space<vmem>>
    %dma_start3A_313 = tpu.memref_squeeze %dma_start3A_312 : memref<1x128xi32, #tpu.memory_space<vmem>> -> memref<128xi32, #tpu.memory_space<vmem>>
    %dma_start3A_314 = arith.constant 0 : i32
    %dma_start3A_315 = arith.constant 0 : i32
    %dma_start3A_316 = tpu.memref_slice %arg2[%dma_start3A_314, %dma_start3A_315] : memref<4096x128xf32, #tpu.memory_space<hbm>> -> memref<4096x128xf32, #tpu.memory_space<hbm>>
    tpu.enqueue_indirect_dma source(%dma_start3A_316 : memref<4096x128xf32, #tpu.memory_space<hbm>>) target(%arg9 : memref<128x128xf32, #tpu.memory_space<vmem>>) offsets(%dma_start3A_313 : memref<128xi32, #tpu.memory_space<vmem>>) semaphore(%arg13 : memref<!tpu.dma_semaphore, #tpu.memory_space<semaphore_mem>>)
    %dma_wait3A_317 = arith.constant 12 : i32
    %dma_wait3A_318 = arith.constant 0 : i32
    %dma_wait3A_319 = tpu.memref_slice %arg5[%dma_wait3A_317, %dma_wait3A_318] : memref<16x128xi32, #tpu.memory_space<vmem>> -> memref<1x128xi32, #tpu.memory_space<vmem>>
    %dma_wait3A_320 = tpu.memref_squeeze %dma_wait3A_319 : memref<1x128xi32, #tpu.memory_space<vmem>> -> memref<128xi32, #tpu.memory_space<vmem>>
    %dma_wait3A_321 = arith.constant 0 : i32
    %dma_wait3A_322 = arith.constant 0 : i32
    %dma_wait3A_323 = tpu.memref_slice %arg2[%dma_wait3A_321, %dma_wait3A_322] : memref<4096x128xf32, #tpu.memory_space<hbm>> -> memref<4096x128xf32, #tpu.memory_space<hbm>>
    tpu.wait_indirect_dma semaphore(%arg10 : memref<!tpu.dma_semaphore, #tpu.memory_space<semaphore_mem>>) src(%dma_wait3A_323 : memref<4096x128xf32, #tpu.memory_space<hbm>>) dst(%arg6 : memref<128x128xf32, #tpu.memory_space<vmem>>)
    %add3A_324 = arith.constant 1536 : i32
    %add3A_325 = arith.addi %mul3A_2, %add3A_324 : i32
    %dma_start3A_326 = arith.constant 0 : i32
    %dma_start3A_327 = tpu.memref_slice %arg4[%add3A_325, %dma_start3A_326] : memref<65536x128xf32, #tpu.memory_space<hbm>> -> memref<128x128xf32, #tpu.memory_space<hbm>>
    %dma_start3A_328 = arith.constant 0 : i32
    %dma_start3A_329 = tpu.memref_slice %arg4[%add3A_325, %dma_start3A_328] : memref<65536x128xf32, #tpu.memory_space<hbm>> -> memref<128x128xf32, #tpu.memory_space<hbm>>
    tpu.enqueue_dma source(%arg6 : memref<128x128xf32, #tpu.memory_space<vmem>>) target(%dma_start3A_329 : memref<128x128xf32, #tpu.memory_space<hbm>>) target_semaphore(%arg14 : memref<!tpu.dma_semaphore, #tpu.memory_space<semaphore_mem>>)
    %dma_wait3A_330 = arith.constant 13 : i32
    %dma_wait3A_331 = arith.constant 0 : i32
    %dma_wait3A_332 = tpu.memref_slice %arg5[%dma_wait3A_330, %dma_wait3A_331] : memref<16x128xi32, #tpu.memory_space<vmem>> -> memref<1x128xi32, #tpu.memory_space<vmem>>
    %dma_wait3A_333 = tpu.memref_squeeze %dma_wait3A_332 : memref<1x128xi32, #tpu.memory_space<vmem>> -> memref<128xi32, #tpu.memory_space<vmem>>
    %dma_wait3A_334 = arith.constant 0 : i32
    %dma_wait3A_335 = arith.constant 0 : i32
    %dma_wait3A_336 = tpu.memref_slice %arg2[%dma_wait3A_334, %dma_wait3A_335] : memref<4096x128xf32, #tpu.memory_space<hbm>> -> memref<4096x128xf32, #tpu.memory_space<hbm>>
    tpu.wait_indirect_dma semaphore(%arg11 : memref<!tpu.dma_semaphore, #tpu.memory_space<semaphore_mem>>) src(%dma_wait3A_336 : memref<4096x128xf32, #tpu.memory_space<hbm>>) dst(%arg7 : memref<128x128xf32, #tpu.memory_space<vmem>>)
    %add3A_337 = arith.constant 1664 : i32
    %add3A_338 = arith.addi %mul3A_2, %add3A_337 : i32
    %dma_start3A_339 = arith.constant 0 : i32
    %dma_start3A_340 = tpu.memref_slice %arg4[%add3A_338, %dma_start3A_339] : memref<65536x128xf32, #tpu.memory_space<hbm>> -> memref<128x128xf32, #tpu.memory_space<hbm>>
    %dma_start3A_341 = arith.constant 0 : i32
    %dma_start3A_342 = tpu.memref_slice %arg4[%add3A_338, %dma_start3A_341] : memref<65536x128xf32, #tpu.memory_space<hbm>> -> memref<128x128xf32, #tpu.memory_space<hbm>>
    tpu.enqueue_dma source(%arg7 : memref<128x128xf32, #tpu.memory_space<vmem>>) target(%dma_start3A_342 : memref<128x128xf32, #tpu.memory_space<hbm>>) target_semaphore(%arg15 : memref<!tpu.dma_semaphore, #tpu.memory_space<semaphore_mem>>)
    %dma_wait3A_343 = arith.constant 14 : i32
    %dma_wait3A_344 = arith.constant 0 : i32
    %dma_wait3A_345 = tpu.memref_slice %arg5[%dma_wait3A_343, %dma_wait3A_344] : memref<16x128xi32, #tpu.memory_space<vmem>> -> memref<1x128xi32, #tpu.memory_space<vmem>>
    %dma_wait3A_346 = tpu.memref_squeeze %dma_wait3A_345 : memref<1x128xi32, #tpu.memory_space<vmem>> -> memref<128xi32, #tpu.memory_space<vmem>>
    %dma_wait3A_347 = arith.constant 0 : i32
    %dma_wait3A_348 = arith.constant 0 : i32
    %dma_wait3A_349 = tpu.memref_slice %arg2[%dma_wait3A_347, %dma_wait3A_348] : memref<4096x128xf32, #tpu.memory_space<hbm>> -> memref<4096x128xf32, #tpu.memory_space<hbm>>
    tpu.wait_indirect_dma semaphore(%arg12 : memref<!tpu.dma_semaphore, #tpu.memory_space<semaphore_mem>>) src(%dma_wait3A_349 : memref<4096x128xf32, #tpu.memory_space<hbm>>) dst(%arg8 : memref<128x128xf32, #tpu.memory_space<vmem>>)
    %add3A_350 = arith.constant 1792 : i32
    %add3A_351 = arith.addi %mul3A_2, %add3A_350 : i32
    %dma_start3A_352 = arith.constant 0 : i32
    %dma_start3A_353 = tpu.memref_slice %arg4[%add3A_351, %dma_start3A_352] : memref<65536x128xf32, #tpu.memory_space<hbm>> -> memref<128x128xf32, #tpu.memory_space<hbm>>
    %dma_start3A_354 = arith.constant 0 : i32
    %dma_start3A_355 = tpu.memref_slice %arg4[%add3A_351, %dma_start3A_354] : memref<65536x128xf32, #tpu.memory_space<hbm>> -> memref<128x128xf32, #tpu.memory_space<hbm>>
    tpu.enqueue_dma source(%arg8 : memref<128x128xf32, #tpu.memory_space<vmem>>) target(%dma_start3A_355 : memref<128x128xf32, #tpu.memory_space<hbm>>) target_semaphore(%arg16 : memref<!tpu.dma_semaphore, #tpu.memory_space<semaphore_mem>>)
    %dma_wait3A_356 = arith.constant 15 : i32
    %dma_wait3A_357 = arith.constant 0 : i32
    %dma_wait3A_358 = tpu.memref_slice %arg5[%dma_wait3A_356, %dma_wait3A_357] : memref<16x128xi32, #tpu.memory_space<vmem>> -> memref<1x128xi32, #tpu.memory_space<vmem>>
    %dma_wait3A_359 = tpu.memref_squeeze %dma_wait3A_358 : memref<1x128xi32, #tpu.memory_space<vmem>> -> memref<128xi32, #tpu.memory_space<vmem>>
    %dma_wait3A_360 = arith.constant 0 : i32
    %dma_wait3A_361 = arith.constant 0 : i32
    %dma_wait3A_362 = tpu.memref_slice %arg2[%dma_wait3A_360, %dma_wait3A_361] : memref<4096x128xf32, #tpu.memory_space<hbm>> -> memref<4096x128xf32, #tpu.memory_space<hbm>>
    tpu.wait_indirect_dma semaphore(%arg13 : memref<!tpu.dma_semaphore, #tpu.memory_space<semaphore_mem>>) src(%dma_wait3A_362 : memref<4096x128xf32, #tpu.memory_space<hbm>>) dst(%arg9 : memref<128x128xf32, #tpu.memory_space<vmem>>)
    %add3A_363 = arith.constant 1920 : i32
    %add3A_364 = arith.addi %mul3A_2, %add3A_363 : i32
    %dma_start3A_365 = arith.constant 0 : i32
    %dma_start3A_366 = tpu.memref_slice %arg4[%add3A_364, %dma_start3A_365] : memref<65536x128xf32, #tpu.memory_space<hbm>> -> memref<128x128xf32, #tpu.memory_space<hbm>>
    %dma_start3A_367 = arith.constant 0 : i32
    %dma_start3A_368 = tpu.memref_slice %arg4[%add3A_364, %dma_start3A_367] : memref<65536x128xf32, #tpu.memory_space<hbm>> -> memref<128x128xf32, #tpu.memory_space<hbm>>
    tpu.enqueue_dma source(%arg9 : memref<128x128xf32, #tpu.memory_space<vmem>>) target(%dma_start3A_368 : memref<128x128xf32, #tpu.memory_space<hbm>>) target_semaphore(%arg17 : memref<!tpu.dma_semaphore, #tpu.memory_space<semaphore_mem>>)
    %dma_wait3A_369 = arith.constant 0 : i32
    %dma_wait3A_370 = tpu.memref_slice %arg4[%add3A_325, %dma_wait3A_369] : memref<65536x128xf32, #tpu.memory_space<hbm>> -> memref<128x128xf32, #tpu.memory_space<hbm>>
    %dma_wait3A_371 = arith.constant 0 : i32
    %dma_wait3A_372 = tpu.memref_slice %arg4[%add3A_325, %dma_wait3A_371] : memref<65536x128xf32, #tpu.memory_space<hbm>> -> memref<128x128xf32, #tpu.memory_space<hbm>>
    tpu.wait_dma2 semaphore(%arg14 : memref<!tpu.dma_semaphore, #tpu.memory_space<semaphore_mem>>) src(%arg6 : memref<128x128xf32, #tpu.memory_space<vmem>>) dst(%dma_wait3A_372 : memref<128x128xf32, #tpu.memory_space<hbm>>)
    %dma_wait3A_373 = arith.constant 0 : i32
    %dma_wait3A_374 = tpu.memref_slice %arg4[%add3A_338, %dma_wait3A_373] : memref<65536x128xf32, #tpu.memory_space<hbm>> -> memref<128x128xf32, #tpu.memory_space<hbm>>
    %dma_wait3A_375 = arith.constant 0 : i32
    %dma_wait3A_376 = tpu.memref_slice %arg4[%add3A_338, %dma_wait3A_375] : memref<65536x128xf32, #tpu.memory_space<hbm>> -> memref<128x128xf32, #tpu.memory_space<hbm>>
    tpu.wait_dma2 semaphore(%arg15 : memref<!tpu.dma_semaphore, #tpu.memory_space<semaphore_mem>>) src(%arg7 : memref<128x128xf32, #tpu.memory_space<vmem>>) dst(%dma_wait3A_376 : memref<128x128xf32, #tpu.memory_space<hbm>>)
    %dma_wait3A_377 = arith.constant 0 : i32
    %dma_wait3A_378 = tpu.memref_slice %arg4[%add3A_351, %dma_wait3A_377] : memref<65536x128xf32, #tpu.memory_space<hbm>> -> memref<128x128xf32, #tpu.memory_space<hbm>>
    %dma_wait3A_379 = arith.constant 0 : i32
    %dma_wait3A_380 = tpu.memref_slice %arg4[%add3A_351, %dma_wait3A_379] : memref<65536x128xf32, #tpu.memory_space<hbm>> -> memref<128x128xf32, #tpu.memory_space<hbm>>
    tpu.wait_dma2 semaphore(%arg16 : memref<!tpu.dma_semaphore, #tpu.memory_space<semaphore_mem>>) src(%arg8 : memref<128x128xf32, #tpu.memory_space<vmem>>) dst(%dma_wait3A_380 : memref<128x128xf32, #tpu.memory_space<hbm>>)
    %dma_wait3A_381 = arith.constant 0 : i32
    %dma_wait3A_382 = tpu.memref_slice %arg4[%add3A_364, %dma_wait3A_381] : memref<65536x128xf32, #tpu.memory_space<hbm>> -> memref<128x128xf32, #tpu.memory_space<hbm>>
    %dma_wait3A_383 = arith.constant 0 : i32
    %dma_wait3A_384 = tpu.memref_slice %arg4[%add3A_364, %dma_wait3A_383] : memref<65536x128xf32, #tpu.memory_space<hbm>> -> memref<128x128xf32, #tpu.memory_space<hbm>>
    tpu.wait_dma2 semaphore(%arg17 : memref<!tpu.dma_semaphore, #tpu.memory_space<semaphore_mem>>) src(%arg9 : memref<128x128xf32, #tpu.memory_space<vmem>>) dst(%dma_wait3A_384 : memref<128x128xf32, #tpu.memory_space<hbm>>)
    return
  }
}

#map = affine_map<(d0, d1) -> (0, 0)>
#map1 = affine_map<(d0, d1) -> (0, 0, 0)>
module attributes {stable_mosaic.version = 14 : i64} {
  func.func @_gather_body(%arg0: i32, %arg1: i32, %arg2: memref<4096x128xf32, #tpu.memory_space<hbm>>, %arg3: memref<32x16x128xi32, #tpu.memory_space<hbm>>, %arg4: memref<65536x128xf32, #tpu.memory_space<hbm>>, %arg5: memref<16x128xi32, #tpu.memory_space<vmem>>, %arg6: memref<128x128xf32, #tpu.memory_space<vmem>>, %arg7: memref<128x128xf32, #tpu.memory_space<vmem>>, %arg8: memref<128x128xf32, #tpu.memory_space<vmem>>, %arg9: memref<128x128xf32, #tpu.memory_space<vmem>>, %arg10: memref<!tpu.dma_semaphore, #tpu.memory_space<semaphore_mem>>, %arg11: memref<!tpu.dma_semaphore, #tpu.memory_space<semaphore_mem>>, %arg12: memref<!tpu.dma_semaphore, #tpu.memory_space<semaphore_mem>>, %arg13: memref<!tpu.dma_semaphore, #tpu.memory_space<semaphore_mem>>, %arg14: memref<!tpu.dma_semaphore, #tpu.memory_space<semaphore_mem>>, %arg15: memref<!tpu.dma_semaphore, #tpu.memory_space<semaphore_mem>>, %arg16: memref<!tpu.dma_semaphore, #tpu.memory_space<semaphore_mem>>, %arg17: memref<!tpu.dma_semaphore, #tpu.memory_space<semaphore_mem>>) attributes {dimension_semantics = [#tpu.dimension_semantics<core_parallel>, #tpu.dimension_semantics<subcore_parallel>], iteration_bounds = array<i64: 2, 16>, scalar_prefetch = 0 : i64, scratch_operands = 13 : i64, tpu.core_type = #tpu.core_type<sc_vector_subcore>, window_params = [{transform_indices = #map}, {transform_indices = #map1}, {transform_indices = #map}]} {
    %mul3A = arith.constant 2 : i32
    %mul3A_0 = arith.muli %arg1, %mul3A : i32
    %add3A = arith.addi %mul3A_0, %arg0 : i32
    "tpu.region"() ({
      %run_scoped3A = tpu.sem_alloc : memref<!tpu.dma_semaphore, #tpu.memory_space<semaphore_mem>>
      %dma_start3A_385 = arith.constant 0 : i32
      %dma_start3A_386 = arith.constant 0 : i32
      %dma_start3A_387 = tpu.memref_slice %arg3[%add3A, %dma_start3A_385, %dma_start3A_386] : memref<32x16x128xi32, #tpu.memory_space<hbm>> -> memref<1x16x128xi32, #tpu.memory_space<hbm>>
      %dma_start3A_388 = tpu.memref_squeeze %dma_start3A_387 : memref<1x16x128xi32, #tpu.memory_space<hbm>> -> memref<16x128xi32, #tpu.memory_space<hbm>>
      %dma_start3A_389 = arith.constant 0 : i32
      %dma_start3A_390 = arith.constant 0 : i32
      %dma_start3A_391 = tpu.memref_slice %arg3[%add3A, %dma_start3A_389, %dma_start3A_390] : memref<32x16x128xi32, #tpu.memory_space<hbm>> -> memref<1x16x128xi32, #tpu.memory_space<hbm>>
      %dma_start3A_392 = tpu.memref_squeeze %dma_start3A_391 : memref<1x16x128xi32, #tpu.memory_space<hbm>> -> memref<16x128xi32, #tpu.memory_space<hbm>>
      tpu.enqueue_dma source(%dma_start3A_392 : memref<16x128xi32, #tpu.memory_space<hbm>>) target(%arg5 : memref<16x128xi32, #tpu.memory_space<vmem>>) target_semaphore(%run_scoped3A : memref<!tpu.dma_semaphore, #tpu.memory_space<semaphore_mem>>)
      %dma_wait3A_393 = arith.constant 0 : i32
      %dma_wait3A_394 = arith.constant 0 : i32
      %dma_wait3A_395 = tpu.memref_slice %arg3[%add3A, %dma_wait3A_393, %dma_wait3A_394] : memref<32x16x128xi32, #tpu.memory_space<hbm>> -> memref<1x16x128xi32, #tpu.memory_space<hbm>>
      %dma_wait3A_396 = tpu.memref_squeeze %dma_wait3A_395 : memref<1x16x128xi32, #tpu.memory_space<hbm>> -> memref<16x128xi32, #tpu.memory_space<hbm>>
      %dma_wait3A_397 = arith.constant 0 : i32
      %dma_wait3A_398 = arith.constant 0 : i32
      %dma_wait3A_399 = tpu.memref_slice %arg3[%add3A, %dma_wait3A_397, %dma_wait3A_398] : memref<32x16x128xi32, #tpu.memory_space<hbm>> -> memref<1x16x128xi32, #tpu.memory_space<hbm>>
      %dma_wait3A_400 = tpu.memref_squeeze %dma_wait3A_399 : memref<1x16x128xi32, #tpu.memory_space<hbm>> -> memref<16x128xi32, #tpu.memory_space<hbm>>
      tpu.wait_dma2 semaphore(%run_scoped3A : memref<!tpu.dma_semaphore, #tpu.memory_space<semaphore_mem>>) src(%dma_wait3A_400 : memref<16x128xi32, #tpu.memory_space<hbm>>) dst(%arg5 : memref<16x128xi32, #tpu.memory_space<vmem>>)
      tpu.yield
    }) : () -> ()
    %mul3A_1 = arith.constant 2048 : i32
    %mul3A_2 = arith.muli %add3A, %mul3A_1 : i32
    %dma_start3A = arith.constant 0 : i32
    %dma_start3A_3 = arith.constant 0 : i32
    %dma_start3A_4 = tpu.memref_slice %arg5[%dma_start3A, %dma_start3A_3] : memref<16x128xi32, #tpu.memory_space<vmem>> -> memref<1x128xi32, #tpu.memory_space<vmem>>
    %dma_start3A_5 = tpu.memref_squeeze %dma_start3A_4 : memref<1x128xi32, #tpu.memory_space<vmem>> -> memref<128xi32, #tpu.memory_space<vmem>>
    %dma_start3A_6 = arith.constant 0 : i32
    %dma_start3A_7 = arith.constant 0 : i32
    %dma_start3A_8 = tpu.memref_slice %arg2[%dma_start3A_6, %dma_start3A_7] : memref<4096x128xf32, #tpu.memory_space<hbm>> -> memref<4096x128xf32, #tpu.memory_space<hbm>>
    tpu.enqueue_indirect_dma source(%dma_start3A_8 : memref<4096x128xf32, #tpu.memory_space<hbm>>) target(%arg6 : memref<128x128xf32, #tpu.memory_space<vmem>>) offsets(%dma_start3A_5 : memref<128xi32, #tpu.memory_space<vmem>>) semaphore(%arg10 : memref<!tpu.dma_semaphore, #tpu.memory_space<semaphore_mem>>)
    %dma_start3A_9 = arith.constant 1 : i32
    %dma_start3A_10 = arith.constant 0 : i32
    %dma_start3A_11 = tpu.memref_slice %arg5[%dma_start3A_9, %dma_start3A_10] : memref<16x128xi32, #tpu.memory_space<vmem>> -> memref<1x128xi32, #tpu.memory_space<vmem>>
    %dma_start3A_12 = tpu.memref_squeeze %dma_start3A_11 : memref<1x128xi32, #tpu.memory_space<vmem>> -> memref<128xi32, #tpu.memory_space<vmem>>
    %dma_start3A_13 = arith.constant 0 : i32
    %dma_start3A_14 = arith.constant 0 : i32
    %dma_start3A_15 = tpu.memref_slice %arg2[%dma_start3A_13, %dma_start3A_14] : memref<4096x128xf32, #tpu.memory_space<hbm>> -> memref<4096x128xf32, #tpu.memory_space<hbm>>
    tpu.enqueue_indirect_dma source(%dma_start3A_15 : memref<4096x128xf32, #tpu.memory_space<hbm>>) target(%arg7 : memref<128x128xf32, #tpu.memory_space<vmem>>) offsets(%dma_start3A_12 : memref<128xi32, #tpu.memory_space<vmem>>) semaphore(%arg11 : memref<!tpu.dma_semaphore, #tpu.memory_space<semaphore_mem>>)
    %dma_start3A_16 = arith.constant 2 : i32
    %dma_start3A_17 = arith.constant 0 : i32
    %dma_start3A_18 = tpu.memref_slice %arg5[%dma_start3A_16, %dma_start3A_17] : memref<16x128xi32, #tpu.memory_space<vmem>> -> memref<1x128xi32, #tpu.memory_space<vmem>>
    %dma_start3A_19 = tpu.memref_squeeze %dma_start3A_18 : memref<1x128xi32, #tpu.memory_space<vmem>> -> memref<128xi32, #tpu.memory_space<vmem>>
    %dma_start3A_20 = arith.constant 0 : i32
    %dma_start3A_21 = arith.constant 0 : i32
    %dma_start3A_22 = tpu.memref_slice %arg2[%dma_start3A_20, %dma_start3A_21] : memref<4096x128xf32, #tpu.memory_space<hbm>> -> memref<4096x128xf32, #tpu.memory_space<hbm>>
    tpu.enqueue_indirect_dma source(%dma_start3A_22 : memref<4096x128xf32, #tpu.memory_space<hbm>>) target(%arg8 : memref<128x128xf32, #tpu.memory_space<vmem>>) offsets(%dma_start3A_19 : memref<128xi32, #tpu.memory_space<vmem>>) semaphore(%arg12 : memref<!tpu.dma_semaphore, #tpu.memory_space<semaphore_mem>>)
    %dma_start3A_23 = arith.constant 3 : i32
    %dma_start3A_24 = arith.constant 0 : i32
    %dma_start3A_25 = tpu.memref_slice %arg5[%dma_start3A_23, %dma_start3A_24] : memref<16x128xi32, #tpu.memory_space<vmem>> -> memref<1x128xi32, #tpu.memory_space<vmem>>
    %dma_start3A_26 = tpu.memref_squeeze %dma_start3A_25 : memref<1x128xi32, #tpu.memory_space<vmem>> -> memref<128xi32, #tpu.memory_space<vmem>>
    %dma_start3A_27 = arith.constant 0 : i32
    %dma_start3A_28 = arith.constant 0 : i32
    %dma_start3A_29 = tpu.memref_slice %arg2[%dma_start3A_27, %dma_start3A_28] : memref<4096x128xf32, #tpu.memory_space<hbm>> -> memref<4096x128xf32, #tpu.memory_space<hbm>>
    tpu.enqueue_indirect_dma source(%dma_start3A_29 : memref<4096x128xf32, #tpu.memory_space<hbm>>) target(%arg9 : memref<128x128xf32, #tpu.memory_space<vmem>>) offsets(%dma_start3A_26 : memref<128xi32, #tpu.memory_space<vmem>>) semaphore(%arg13 : memref<!tpu.dma_semaphore, #tpu.memory_space<semaphore_mem>>)
    %dma_wait3A = arith.constant 0 : i32
    %dma_wait3A_30 = arith.constant 0 : i32
    %dma_wait3A_31 = tpu.memref_slice %arg5[%dma_wait3A, %dma_wait3A_30] : memref<16x128xi32, #tpu.memory_space<vmem>> -> memref<1x128xi32, #tpu.memory_space<vmem>>
    %dma_wait3A_32 = tpu.memref_squeeze %dma_wait3A_31 : memref<1x128xi32, #tpu.memory_space<vmem>> -> memref<128xi32, #tpu.memory_space<vmem>>
    %dma_wait3A_33 = arith.constant 0 : i32
    %dma_wait3A_34 = arith.constant 0 : i32
    %dma_wait3A_35 = tpu.memref_slice %arg2[%dma_wait3A_33, %dma_wait3A_34] : memref<4096x128xf32, #tpu.memory_space<hbm>> -> memref<4096x128xf32, #tpu.memory_space<hbm>>
    tpu.wait_indirect_dma semaphore(%arg10 : memref<!tpu.dma_semaphore, #tpu.memory_space<semaphore_mem>>) src(%dma_wait3A_35 : memref<4096x128xf32, #tpu.memory_space<hbm>>) dst(%arg6 : memref<128x128xf32, #tpu.memory_space<vmem>>)
    %add3A_36 = arith.constant 0 : i32
    %add3A_37 = arith.addi %mul3A_2, %add3A_36 : i32
    %dma_start3A_38 = arith.constant 0 : i32
    %dma_start3A_39 = tpu.memref_slice %arg4[%add3A_37, %dma_start3A_38] : memref<65536x128xf32, #tpu.memory_space<hbm>> -> memref<128x128xf32, #tpu.memory_space<hbm>>
    %dma_start3A_40 = arith.constant 0 : i32
    %dma_start3A_41 = tpu.memref_slice %arg4[%add3A_37, %dma_start3A_40] : memref<65536x128xf32, #tpu.memory_space<hbm>> -> memref<128x128xf32, #tpu.memory_space<hbm>>
    tpu.enqueue_dma source(%arg6 : memref<128x128xf32, #tpu.memory_space<vmem>>) target(%dma_start3A_41 : memref<128x128xf32, #tpu.memory_space<hbm>>) target_semaphore(%arg14 : memref<!tpu.dma_semaphore, #tpu.memory_space<semaphore_mem>>)
    %dma_wait3A_42 = arith.constant 0 : i32
    %dma_wait3A_43 = tpu.memref_slice %arg4[%add3A_37, %dma_wait3A_42] : memref<65536x128xf32, #tpu.memory_space<hbm>> -> memref<128x128xf32, #tpu.memory_space<hbm>>
    %dma_wait3A_44 = arith.constant 0 : i32
    %dma_wait3A_45 = tpu.memref_slice %arg4[%add3A_37, %dma_wait3A_44] : memref<65536x128xf32, #tpu.memory_space<hbm>> -> memref<128x128xf32, #tpu.memory_space<hbm>>
    tpu.wait_dma2 semaphore(%arg14 : memref<!tpu.dma_semaphore, #tpu.memory_space<semaphore_mem>>) src(%arg6 : memref<128x128xf32, #tpu.memory_space<vmem>>) dst(%dma_wait3A_45 : memref<128x128xf32, #tpu.memory_space<hbm>>)
    %dma_start3A_46 = arith.constant 4 : i32
    %dma_start3A_47 = arith.constant 0 : i32
    %dma_start3A_48 = tpu.memref_slice %arg5[%dma_start3A_46, %dma_start3A_47] : memref<16x128xi32, #tpu.memory_space<vmem>> -> memref<1x128xi32, #tpu.memory_space<vmem>>
    %dma_start3A_49 = tpu.memref_squeeze %dma_start3A_48 : memref<1x128xi32, #tpu.memory_space<vmem>> -> memref<128xi32, #tpu.memory_space<vmem>>
    %dma_start3A_50 = arith.constant 0 : i32
    %dma_start3A_51 = arith.constant 0 : i32
    %dma_start3A_52 = tpu.memref_slice %arg2[%dma_start3A_50, %dma_start3A_51] : memref<4096x128xf32, #tpu.memory_space<hbm>> -> memref<4096x128xf32, #tpu.memory_space<hbm>>
    tpu.enqueue_indirect_dma source(%dma_start3A_52 : memref<4096x128xf32, #tpu.memory_space<hbm>>) target(%arg6 : memref<128x128xf32, #tpu.memory_space<vmem>>) offsets(%dma_start3A_49 : memref<128xi32, #tpu.memory_space<vmem>>) semaphore(%arg10 : memref<!tpu.dma_semaphore, #tpu.memory_space<semaphore_mem>>)
    %dma_wait3A_53 = arith.constant 1 : i32
    %dma_wait3A_54 = arith.constant 0 : i32
    %dma_wait3A_55 = tpu.memref_slice %arg5[%dma_wait3A_53, %dma_wait3A_54] : memref<16x128xi32, #tpu.memory_space<vmem>> -> memref<1x128xi32, #tpu.memory_space<vmem>>
    %dma_wait3A_56 = tpu.memref_squeeze %dma_wait3A_55 : memref<1x128xi32, #tpu.memory_space<vmem>> -> memref<128xi32, #tpu.memory_space<vmem>>
    %dma_wait3A_57 = arith.constant 0 : i32
    %dma_wait3A_58 = arith.constant 0 : i32
    %dma_wait3A_59 = tpu.memref_slice %arg2[%dma_wait3A_57, %dma_wait3A_58] : memref<4096x128xf32, #tpu.memory_space<hbm>> -> memref<4096x128xf32, #tpu.memory_space<hbm>>
    tpu.wait_indirect_dma semaphore(%arg11 : memref<!tpu.dma_semaphore, #tpu.memory_space<semaphore_mem>>) src(%dma_wait3A_59 : memref<4096x128xf32, #tpu.memory_space<hbm>>) dst(%arg7 : memref<128x128xf32, #tpu.memory_space<vmem>>)
    %add3A_60 = arith.constant 128 : i32
    %add3A_61 = arith.addi %mul3A_2, %add3A_60 : i32
    %dma_start3A_62 = arith.constant 0 : i32
    %dma_start3A_63 = tpu.memref_slice %arg4[%add3A_61, %dma_start3A_62] : memref<65536x128xf32, #tpu.memory_space<hbm>> -> memref<128x128xf32, #tpu.memory_space<hbm>>
    %dma_start3A_64 = arith.constant 0 : i32
    %dma_start3A_65 = tpu.memref_slice %arg4[%add3A_61, %dma_start3A_64] : memref<65536x128xf32, #tpu.memory_space<hbm>> -> memref<128x128xf32, #tpu.memory_space<hbm>>
    tpu.enqueue_dma source(%arg7 : memref<128x128xf32, #tpu.memory_space<vmem>>) target(%dma_start3A_65 : memref<128x128xf32, #tpu.memory_space<hbm>>) target_semaphore(%arg15 : memref<!tpu.dma_semaphore, #tpu.memory_space<semaphore_mem>>)
    %dma_wait3A_66 = arith.constant 0 : i32
    %dma_wait3A_67 = tpu.memref_slice %arg4[%add3A_61, %dma_wait3A_66] : memref<65536x128xf32, #tpu.memory_space<hbm>> -> memref<128x128xf32, #tpu.memory_space<hbm>>
    %dma_wait3A_68 = arith.constant 0 : i32
    %dma_wait3A_69 = tpu.memref_slice %arg4[%add3A_61, %dma_wait3A_68] : memref<65536x128xf32, #tpu.memory_space<hbm>> -> memref<128x128xf32, #tpu.memory_space<hbm>>
    tpu.wait_dma2 semaphore(%arg15 : memref<!tpu.dma_semaphore, #tpu.memory_space<semaphore_mem>>) src(%arg7 : memref<128x128xf32, #tpu.memory_space<vmem>>) dst(%dma_wait3A_69 : memref<128x128xf32, #tpu.memory_space<hbm>>)
    %dma_start3A_70 = arith.constant 5 : i32
    %dma_start3A_71 = arith.constant 0 : i32
    %dma_start3A_72 = tpu.memref_slice %arg5[%dma_start3A_70, %dma_start3A_71] : memref<16x128xi32, #tpu.memory_space<vmem>> -> memref<1x128xi32, #tpu.memory_space<vmem>>
    %dma_start3A_73 = tpu.memref_squeeze %dma_start3A_72 : memref<1x128xi32, #tpu.memory_space<vmem>> -> memref<128xi32, #tpu.memory_space<vmem>>
    %dma_start3A_74 = arith.constant 0 : i32
    %dma_start3A_75 = arith.constant 0 : i32
    %dma_start3A_76 = tpu.memref_slice %arg2[%dma_start3A_74, %dma_start3A_75] : memref<4096x128xf32, #tpu.memory_space<hbm>> -> memref<4096x128xf32, #tpu.memory_space<hbm>>
    tpu.enqueue_indirect_dma source(%dma_start3A_76 : memref<4096x128xf32, #tpu.memory_space<hbm>>) target(%arg7 : memref<128x128xf32, #tpu.memory_space<vmem>>) offsets(%dma_start3A_73 : memref<128xi32, #tpu.memory_space<vmem>>) semaphore(%arg11 : memref<!tpu.dma_semaphore, #tpu.memory_space<semaphore_mem>>)
    %dma_wait3A_77 = arith.constant 2 : i32
    %dma_wait3A_78 = arith.constant 0 : i32
    %dma_wait3A_79 = tpu.memref_slice %arg5[%dma_wait3A_77, %dma_wait3A_78] : memref<16x128xi32, #tpu.memory_space<vmem>> -> memref<1x128xi32, #tpu.memory_space<vmem>>
    %dma_wait3A_80 = tpu.memref_squeeze %dma_wait3A_79 : memref<1x128xi32, #tpu.memory_space<vmem>> -> memref<128xi32, #tpu.memory_space<vmem>>
    %dma_wait3A_81 = arith.constant 0 : i32
    %dma_wait3A_82 = arith.constant 0 : i32
    %dma_wait3A_83 = tpu.memref_slice %arg2[%dma_wait3A_81, %dma_wait3A_82] : memref<4096x128xf32, #tpu.memory_space<hbm>> -> memref<4096x128xf32, #tpu.memory_space<hbm>>
    tpu.wait_indirect_dma semaphore(%arg12 : memref<!tpu.dma_semaphore, #tpu.memory_space<semaphore_mem>>) src(%dma_wait3A_83 : memref<4096x128xf32, #tpu.memory_space<hbm>>) dst(%arg8 : memref<128x128xf32, #tpu.memory_space<vmem>>)
    %add3A_84 = arith.constant 256 : i32
    %add3A_85 = arith.addi %mul3A_2, %add3A_84 : i32
    %dma_start3A_86 = arith.constant 0 : i32
    %dma_start3A_87 = tpu.memref_slice %arg4[%add3A_85, %dma_start3A_86] : memref<65536x128xf32, #tpu.memory_space<hbm>> -> memref<128x128xf32, #tpu.memory_space<hbm>>
    %dma_start3A_88 = arith.constant 0 : i32
    %dma_start3A_89 = tpu.memref_slice %arg4[%add3A_85, %dma_start3A_88] : memref<65536x128xf32, #tpu.memory_space<hbm>> -> memref<128x128xf32, #tpu.memory_space<hbm>>
    tpu.enqueue_dma source(%arg8 : memref<128x128xf32, #tpu.memory_space<vmem>>) target(%dma_start3A_89 : memref<128x128xf32, #tpu.memory_space<hbm>>) target_semaphore(%arg16 : memref<!tpu.dma_semaphore, #tpu.memory_space<semaphore_mem>>)
    %dma_wait3A_90 = arith.constant 0 : i32
    %dma_wait3A_91 = tpu.memref_slice %arg4[%add3A_85, %dma_wait3A_90] : memref<65536x128xf32, #tpu.memory_space<hbm>> -> memref<128x128xf32, #tpu.memory_space<hbm>>
    %dma_wait3A_92 = arith.constant 0 : i32
    %dma_wait3A_93 = tpu.memref_slice %arg4[%add3A_85, %dma_wait3A_92] : memref<65536x128xf32, #tpu.memory_space<hbm>> -> memref<128x128xf32, #tpu.memory_space<hbm>>
    tpu.wait_dma2 semaphore(%arg16 : memref<!tpu.dma_semaphore, #tpu.memory_space<semaphore_mem>>) src(%arg8 : memref<128x128xf32, #tpu.memory_space<vmem>>) dst(%dma_wait3A_93 : memref<128x128xf32, #tpu.memory_space<hbm>>)
    %dma_start3A_94 = arith.constant 6 : i32
    %dma_start3A_95 = arith.constant 0 : i32
    %dma_start3A_96 = tpu.memref_slice %arg5[%dma_start3A_94, %dma_start3A_95] : memref<16x128xi32, #tpu.memory_space<vmem>> -> memref<1x128xi32, #tpu.memory_space<vmem>>
    %dma_start3A_97 = tpu.memref_squeeze %dma_start3A_96 : memref<1x128xi32, #tpu.memory_space<vmem>> -> memref<128xi32, #tpu.memory_space<vmem>>
    %dma_start3A_98 = arith.constant 0 : i32
    %dma_start3A_99 = arith.constant 0 : i32
    %dma_start3A_100 = tpu.memref_slice %arg2[%dma_start3A_98, %dma_start3A_99] : memref<4096x128xf32, #tpu.memory_space<hbm>> -> memref<4096x128xf32, #tpu.memory_space<hbm>>
    tpu.enqueue_indirect_dma source(%dma_start3A_100 : memref<4096x128xf32, #tpu.memory_space<hbm>>) target(%arg8 : memref<128x128xf32, #tpu.memory_space<vmem>>) offsets(%dma_start3A_97 : memref<128xi32, #tpu.memory_space<vmem>>) semaphore(%arg12 : memref<!tpu.dma_semaphore, #tpu.memory_space<semaphore_mem>>)
    %dma_wait3A_101 = arith.constant 3 : i32
    %dma_wait3A_102 = arith.constant 0 : i32
    %dma_wait3A_103 = tpu.memref_slice %arg5[%dma_wait3A_101, %dma_wait3A_102] : memref<16x128xi32, #tpu.memory_space<vmem>> -> memref<1x128xi32, #tpu.memory_space<vmem>>
    %dma_wait3A_104 = tpu.memref_squeeze %dma_wait3A_103 : memref<1x128xi32, #tpu.memory_space<vmem>> -> memref<128xi32, #tpu.memory_space<vmem>>
    %dma_wait3A_105 = arith.constant 0 : i32
    %dma_wait3A_106 = arith.constant 0 : i32
    %dma_wait3A_107 = tpu.memref_slice %arg2[%dma_wait3A_105, %dma_wait3A_106] : memref<4096x128xf32, #tpu.memory_space<hbm>> -> memref<4096x128xf32, #tpu.memory_space<hbm>>
    tpu.wait_indirect_dma semaphore(%arg13 : memref<!tpu.dma_semaphore, #tpu.memory_space<semaphore_mem>>) src(%dma_wait3A_107 : memref<4096x128xf32, #tpu.memory_space<hbm>>) dst(%arg9 : memref<128x128xf32, #tpu.memory_space<vmem>>)
    %add3A_108 = arith.constant 384 : i32
    %add3A_109 = arith.addi %mul3A_2, %add3A_108 : i32
    %dma_start3A_110 = arith.constant 0 : i32
    %dma_start3A_111 = tpu.memref_slice %arg4[%add3A_109, %dma_start3A_110] : memref<65536x128xf32, #tpu.memory_space<hbm>> -> memref<128x128xf32, #tpu.memory_space<hbm>>
    %dma_start3A_112 = arith.constant 0 : i32
    %dma_start3A_113 = tpu.memref_slice %arg4[%add3A_109, %dma_start3A_112] : memref<65536x128xf32, #tpu.memory_space<hbm>> -> memref<128x128xf32, #tpu.memory_space<hbm>>
    tpu.enqueue_dma source(%arg9 : memref<128x128xf32, #tpu.memory_space<vmem>>) target(%dma_start3A_113 : memref<128x128xf32, #tpu.memory_space<hbm>>) target_semaphore(%arg17 : memref<!tpu.dma_semaphore, #tpu.memory_space<semaphore_mem>>)
    %dma_wait3A_114 = arith.constant 0 : i32
    %dma_wait3A_115 = tpu.memref_slice %arg4[%add3A_109, %dma_wait3A_114] : memref<65536x128xf32, #tpu.memory_space<hbm>> -> memref<128x128xf32, #tpu.memory_space<hbm>>
    %dma_wait3A_116 = arith.constant 0 : i32
    %dma_wait3A_117 = tpu.memref_slice %arg4[%add3A_109, %dma_wait3A_116] : memref<65536x128xf32, #tpu.memory_space<hbm>> -> memref<128x128xf32, #tpu.memory_space<hbm>>
    tpu.wait_dma2 semaphore(%arg17 : memref<!tpu.dma_semaphore, #tpu.memory_space<semaphore_mem>>) src(%arg9 : memref<128x128xf32, #tpu.memory_space<vmem>>) dst(%dma_wait3A_117 : memref<128x128xf32, #tpu.memory_space<hbm>>)
    %dma_start3A_118 = arith.constant 7 : i32
    %dma_start3A_119 = arith.constant 0 : i32
    %dma_start3A_120 = tpu.memref_slice %arg5[%dma_start3A_118, %dma_start3A_119] : memref<16x128xi32, #tpu.memory_space<vmem>> -> memref<1x128xi32, #tpu.memory_space<vmem>>
    %dma_start3A_121 = tpu.memref_squeeze %dma_start3A_120 : memref<1x128xi32, #tpu.memory_space<vmem>> -> memref<128xi32, #tpu.memory_space<vmem>>
    %dma_start3A_122 = arith.constant 0 : i32
    %dma_start3A_123 = arith.constant 0 : i32
    %dma_start3A_124 = tpu.memref_slice %arg2[%dma_start3A_122, %dma_start3A_123] : memref<4096x128xf32, #tpu.memory_space<hbm>> -> memref<4096x128xf32, #tpu.memory_space<hbm>>
    tpu.enqueue_indirect_dma source(%dma_start3A_124 : memref<4096x128xf32, #tpu.memory_space<hbm>>) target(%arg9 : memref<128x128xf32, #tpu.memory_space<vmem>>) offsets(%dma_start3A_121 : memref<128xi32, #tpu.memory_space<vmem>>) semaphore(%arg13 : memref<!tpu.dma_semaphore, #tpu.memory_space<semaphore_mem>>)
    %dma_wait3A_125 = arith.constant 4 : i32
    %dma_wait3A_126 = arith.constant 0 : i32
    %dma_wait3A_127 = tpu.memref_slice %arg5[%dma_wait3A_125, %dma_wait3A_126] : memref<16x128xi32, #tpu.memory_space<vmem>> -> memref<1x128xi32, #tpu.memory_space<vmem>>
    %dma_wait3A_128 = tpu.memref_squeeze %dma_wait3A_127 : memref<1x128xi32, #tpu.memory_space<vmem>> -> memref<128xi32, #tpu.memory_space<vmem>>
    %dma_wait3A_129 = arith.constant 0 : i32
    %dma_wait3A_130 = arith.constant 0 : i32
    %dma_wait3A_131 = tpu.memref_slice %arg2[%dma_wait3A_129, %dma_wait3A_130] : memref<4096x128xf32, #tpu.memory_space<hbm>> -> memref<4096x128xf32, #tpu.memory_space<hbm>>
    tpu.wait_indirect_dma semaphore(%arg10 : memref<!tpu.dma_semaphore, #tpu.memory_space<semaphore_mem>>) src(%dma_wait3A_131 : memref<4096x128xf32, #tpu.memory_space<hbm>>) dst(%arg6 : memref<128x128xf32, #tpu.memory_space<vmem>>)
    %add3A_132 = arith.constant 512 : i32
    %add3A_133 = arith.addi %mul3A_2, %add3A_132 : i32
    %dma_start3A_134 = arith.constant 0 : i32
    %dma_start3A_135 = tpu.memref_slice %arg4[%add3A_133, %dma_start3A_134] : memref<65536x128xf32, #tpu.memory_space<hbm>> -> memref<128x128xf32, #tpu.memory_space<hbm>>
    %dma_start3A_136 = arith.constant 0 : i32
    %dma_start3A_137 = tpu.memref_slice %arg4[%add3A_133, %dma_start3A_136] : memref<65536x128xf32, #tpu.memory_space<hbm>> -> memref<128x128xf32, #tpu.memory_space<hbm>>
    tpu.enqueue_dma source(%arg6 : memref<128x128xf32, #tpu.memory_space<vmem>>) target(%dma_start3A_137 : memref<128x128xf32, #tpu.memory_space<hbm>>) target_semaphore(%arg14 : memref<!tpu.dma_semaphore, #tpu.memory_space<semaphore_mem>>)
    %dma_wait3A_138 = arith.constant 0 : i32
    %dma_wait3A_139 = tpu.memref_slice %arg4[%add3A_133, %dma_wait3A_138] : memref<65536x128xf32, #tpu.memory_space<hbm>> -> memref<128x128xf32, #tpu.memory_space<hbm>>
    %dma_wait3A_140 = arith.constant 0 : i32
    %dma_wait3A_141 = tpu.memref_slice %arg4[%add3A_133, %dma_wait3A_140] : memref<65536x128xf32, #tpu.memory_space<hbm>> -> memref<128x128xf32, #tpu.memory_space<hbm>>
    tpu.wait_dma2 semaphore(%arg14 : memref<!tpu.dma_semaphore, #tpu.memory_space<semaphore_mem>>) src(%arg6 : memref<128x128xf32, #tpu.memory_space<vmem>>) dst(%dma_wait3A_141 : memref<128x128xf32, #tpu.memory_space<hbm>>)
    %dma_start3A_142 = arith.constant 8 : i32
    %dma_start3A_143 = arith.constant 0 : i32
    %dma_start3A_144 = tpu.memref_slice %arg5[%dma_start3A_142, %dma_start3A_143] : memref<16x128xi32, #tpu.memory_space<vmem>> -> memref<1x128xi32, #tpu.memory_space<vmem>>
    %dma_start3A_145 = tpu.memref_squeeze %dma_start3A_144 : memref<1x128xi32, #tpu.memory_space<vmem>> -> memref<128xi32, #tpu.memory_space<vmem>>
    %dma_start3A_146 = arith.constant 0 : i32
    %dma_start3A_147 = arith.constant 0 : i32
    %dma_start3A_148 = tpu.memref_slice %arg2[%dma_start3A_146, %dma_start3A_147] : memref<4096x128xf32, #tpu.memory_space<hbm>> -> memref<4096x128xf32, #tpu.memory_space<hbm>>
    tpu.enqueue_indirect_dma source(%dma_start3A_148 : memref<4096x128xf32, #tpu.memory_space<hbm>>) target(%arg6 : memref<128x128xf32, #tpu.memory_space<vmem>>) offsets(%dma_start3A_145 : memref<128xi32, #tpu.memory_space<vmem>>) semaphore(%arg10 : memref<!tpu.dma_semaphore, #tpu.memory_space<semaphore_mem>>)
    %dma_wait3A_149 = arith.constant 5 : i32
    %dma_wait3A_150 = arith.constant 0 : i32
    %dma_wait3A_151 = tpu.memref_slice %arg5[%dma_wait3A_149, %dma_wait3A_150] : memref<16x128xi32, #tpu.memory_space<vmem>> -> memref<1x128xi32, #tpu.memory_space<vmem>>
    %dma_wait3A_152 = tpu.memref_squeeze %dma_wait3A_151 : memref<1x128xi32, #tpu.memory_space<vmem>> -> memref<128xi32, #tpu.memory_space<vmem>>
    %dma_wait3A_153 = arith.constant 0 : i32
    %dma_wait3A_154 = arith.constant 0 : i32
    %dma_wait3A_155 = tpu.memref_slice %arg2[%dma_wait3A_153, %dma_wait3A_154] : memref<4096x128xf32, #tpu.memory_space<hbm>> -> memref<4096x128xf32, #tpu.memory_space<hbm>>
    tpu.wait_indirect_dma semaphore(%arg11 : memref<!tpu.dma_semaphore, #tpu.memory_space<semaphore_mem>>) src(%dma_wait3A_155 : memref<4096x128xf32, #tpu.memory_space<hbm>>) dst(%arg7 : memref<128x128xf32, #tpu.memory_space<vmem>>)
    %add3A_156 = arith.constant 640 : i32
    %add3A_157 = arith.addi %mul3A_2, %add3A_156 : i32
    %dma_start3A_158 = arith.constant 0 : i32
    %dma_start3A_159 = tpu.memref_slice %arg4[%add3A_157, %dma_start3A_158] : memref<65536x128xf32, #tpu.memory_space<hbm>> -> memref<128x128xf32, #tpu.memory_space<hbm>>
    %dma_start3A_160 = arith.constant 0 : i32
    %dma_start3A_161 = tpu.memref_slice %arg4[%add3A_157, %dma_start3A_160] : memref<65536x128xf32, #tpu.memory_space<hbm>> -> memref<128x128xf32, #tpu.memory_space<hbm>>
    tpu.enqueue_dma source(%arg7 : memref<128x128xf32, #tpu.memory_space<vmem>>) target(%dma_start3A_161 : memref<128x128xf32, #tpu.memory_space<hbm>>) target_semaphore(%arg15 : memref<!tpu.dma_semaphore, #tpu.memory_space<semaphore_mem>>)
    %dma_wait3A_162 = arith.constant 0 : i32
    %dma_wait3A_163 = tpu.memref_slice %arg4[%add3A_157, %dma_wait3A_162] : memref<65536x128xf32, #tpu.memory_space<hbm>> -> memref<128x128xf32, #tpu.memory_space<hbm>>
    %dma_wait3A_164 = arith.constant 0 : i32
    %dma_wait3A_165 = tpu.memref_slice %arg4[%add3A_157, %dma_wait3A_164] : memref<65536x128xf32, #tpu.memory_space<hbm>> -> memref<128x128xf32, #tpu.memory_space<hbm>>
    tpu.wait_dma2 semaphore(%arg15 : memref<!tpu.dma_semaphore, #tpu.memory_space<semaphore_mem>>) src(%arg7 : memref<128x128xf32, #tpu.memory_space<vmem>>) dst(%dma_wait3A_165 : memref<128x128xf32, #tpu.memory_space<hbm>>)
    %dma_start3A_166 = arith.constant 9 : i32
    %dma_start3A_167 = arith.constant 0 : i32
    %dma_start3A_168 = tpu.memref_slice %arg5[%dma_start3A_166, %dma_start3A_167] : memref<16x128xi32, #tpu.memory_space<vmem>> -> memref<1x128xi32, #tpu.memory_space<vmem>>
    %dma_start3A_169 = tpu.memref_squeeze %dma_start3A_168 : memref<1x128xi32, #tpu.memory_space<vmem>> -> memref<128xi32, #tpu.memory_space<vmem>>
    %dma_start3A_170 = arith.constant 0 : i32
    %dma_start3A_171 = arith.constant 0 : i32
    %dma_start3A_172 = tpu.memref_slice %arg2[%dma_start3A_170, %dma_start3A_171] : memref<4096x128xf32, #tpu.memory_space<hbm>> -> memref<4096x128xf32, #tpu.memory_space<hbm>>
    tpu.enqueue_indirect_dma source(%dma_start3A_172 : memref<4096x128xf32, #tpu.memory_space<hbm>>) target(%arg7 : memref<128x128xf32, #tpu.memory_space<vmem>>) offsets(%dma_start3A_169 : memref<128xi32, #tpu.memory_space<vmem>>) semaphore(%arg11 : memref<!tpu.dma_semaphore, #tpu.memory_space<semaphore_mem>>)
    %dma_wait3A_173 = arith.constant 6 : i32
    %dma_wait3A_174 = arith.constant 0 : i32
    %dma_wait3A_175 = tpu.memref_slice %arg5[%dma_wait3A_173, %dma_wait3A_174] : memref<16x128xi32, #tpu.memory_space<vmem>> -> memref<1x128xi32, #tpu.memory_space<vmem>>
    %dma_wait3A_176 = tpu.memref_squeeze %dma_wait3A_175 : memref<1x128xi32, #tpu.memory_space<vmem>> -> memref<128xi32, #tpu.memory_space<vmem>>
    %dma_wait3A_177 = arith.constant 0 : i32
    %dma_wait3A_178 = arith.constant 0 : i32
    %dma_wait3A_179 = tpu.memref_slice %arg2[%dma_wait3A_177, %dma_wait3A_178] : memref<4096x128xf32, #tpu.memory_space<hbm>> -> memref<4096x128xf32, #tpu.memory_space<hbm>>
    tpu.wait_indirect_dma semaphore(%arg12 : memref<!tpu.dma_semaphore, #tpu.memory_space<semaphore_mem>>) src(%dma_wait3A_179 : memref<4096x128xf32, #tpu.memory_space<hbm>>) dst(%arg8 : memref<128x128xf32, #tpu.memory_space<vmem>>)
    %add3A_180 = arith.constant 768 : i32
    %add3A_181 = arith.addi %mul3A_2, %add3A_180 : i32
    %dma_start3A_182 = arith.constant 0 : i32
    %dma_start3A_183 = tpu.memref_slice %arg4[%add3A_181, %dma_start3A_182] : memref<65536x128xf32, #tpu.memory_space<hbm>> -> memref<128x128xf32, #tpu.memory_space<hbm>>
    %dma_start3A_184 = arith.constant 0 : i32
    %dma_start3A_185 = tpu.memref_slice %arg4[%add3A_181, %dma_start3A_184] : memref<65536x128xf32, #tpu.memory_space<hbm>> -> memref<128x128xf32, #tpu.memory_space<hbm>>
    tpu.enqueue_dma source(%arg8 : memref<128x128xf32, #tpu.memory_space<vmem>>) target(%dma_start3A_185 : memref<128x128xf32, #tpu.memory_space<hbm>>) target_semaphore(%arg16 : memref<!tpu.dma_semaphore, #tpu.memory_space<semaphore_mem>>)
    %dma_wait3A_186 = arith.constant 0 : i32
    %dma_wait3A_187 = tpu.memref_slice %arg4[%add3A_181, %dma_wait3A_186] : memref<65536x128xf32, #tpu.memory_space<hbm>> -> memref<128x128xf32, #tpu.memory_space<hbm>>
    %dma_wait3A_188 = arith.constant 0 : i32
    %dma_wait3A_189 = tpu.memref_slice %arg4[%add3A_181, %dma_wait3A_188] : memref<65536x128xf32, #tpu.memory_space<hbm>> -> memref<128x128xf32, #tpu.memory_space<hbm>>
    tpu.wait_dma2 semaphore(%arg16 : memref<!tpu.dma_semaphore, #tpu.memory_space<semaphore_mem>>) src(%arg8 : memref<128x128xf32, #tpu.memory_space<vmem>>) dst(%dma_wait3A_189 : memref<128x128xf32, #tpu.memory_space<hbm>>)
    %dma_start3A_190 = arith.constant 10 : i32
    %dma_start3A_191 = arith.constant 0 : i32
    %dma_start3A_192 = tpu.memref_slice %arg5[%dma_start3A_190, %dma_start3A_191] : memref<16x128xi32, #tpu.memory_space<vmem>> -> memref<1x128xi32, #tpu.memory_space<vmem>>
    %dma_start3A_193 = tpu.memref_squeeze %dma_start3A_192 : memref<1x128xi32, #tpu.memory_space<vmem>> -> memref<128xi32, #tpu.memory_space<vmem>>
    %dma_start3A_194 = arith.constant 0 : i32
    %dma_start3A_195 = arith.constant 0 : i32
    %dma_start3A_196 = tpu.memref_slice %arg2[%dma_start3A_194, %dma_start3A_195] : memref<4096x128xf32, #tpu.memory_space<hbm>> -> memref<4096x128xf32, #tpu.memory_space<hbm>>
    tpu.enqueue_indirect_dma source(%dma_start3A_196 : memref<4096x128xf32, #tpu.memory_space<hbm>>) target(%arg8 : memref<128x128xf32, #tpu.memory_space<vmem>>) offsets(%dma_start3A_193 : memref<128xi32, #tpu.memory_space<vmem>>) semaphore(%arg12 : memref<!tpu.dma_semaphore, #tpu.memory_space<semaphore_mem>>)
    %dma_wait3A_197 = arith.constant 7 : i32
    %dma_wait3A_198 = arith.constant 0 : i32
    %dma_wait3A_199 = tpu.memref_slice %arg5[%dma_wait3A_197, %dma_wait3A_198] : memref<16x128xi32, #tpu.memory_space<vmem>> -> memref<1x128xi32, #tpu.memory_space<vmem>>
    %dma_wait3A_200 = tpu.memref_squeeze %dma_wait3A_199 : memref<1x128xi32, #tpu.memory_space<vmem>> -> memref<128xi32, #tpu.memory_space<vmem>>
    %dma_wait3A_201 = arith.constant 0 : i32
    %dma_wait3A_202 = arith.constant 0 : i32
    %dma_wait3A_203 = tpu.memref_slice %arg2[%dma_wait3A_201, %dma_wait3A_202] : memref<4096x128xf32, #tpu.memory_space<hbm>> -> memref<4096x128xf32, #tpu.memory_space<hbm>>
    tpu.wait_indirect_dma semaphore(%arg13 : memref<!tpu.dma_semaphore, #tpu.memory_space<semaphore_mem>>) src(%dma_wait3A_203 : memref<4096x128xf32, #tpu.memory_space<hbm>>) dst(%arg9 : memref<128x128xf32, #tpu.memory_space<vmem>>)
    %add3A_204 = arith.constant 896 : i32
    %add3A_205 = arith.addi %mul3A_2, %add3A_204 : i32
    %dma_start3A_206 = arith.constant 0 : i32
    %dma_start3A_207 = tpu.memref_slice %arg4[%add3A_205, %dma_start3A_206] : memref<65536x128xf32, #tpu.memory_space<hbm>> -> memref<128x128xf32, #tpu.memory_space<hbm>>
    %dma_start3A_208 = arith.constant 0 : i32
    %dma_start3A_209 = tpu.memref_slice %arg4[%add3A_205, %dma_start3A_208] : memref<65536x128xf32, #tpu.memory_space<hbm>> -> memref<128x128xf32, #tpu.memory_space<hbm>>
    tpu.enqueue_dma source(%arg9 : memref<128x128xf32, #tpu.memory_space<vmem>>) target(%dma_start3A_209 : memref<128x128xf32, #tpu.memory_space<hbm>>) target_semaphore(%arg17 : memref<!tpu.dma_semaphore, #tpu.memory_space<semaphore_mem>>)
    %dma_wait3A_210 = arith.constant 0 : i32
    %dma_wait3A_211 = tpu.memref_slice %arg4[%add3A_205, %dma_wait3A_210] : memref<65536x128xf32, #tpu.memory_space<hbm>> -> memref<128x128xf32, #tpu.memory_space<hbm>>
    %dma_wait3A_212 = arith.constant 0 : i32
    %dma_wait3A_213 = tpu.memref_slice %arg4[%add3A_205, %dma_wait3A_212] : memref<65536x128xf32, #tpu.memory_space<hbm>> -> memref<128x128xf32, #tpu.memory_space<hbm>>
    tpu.wait_dma2 semaphore(%arg17 : memref<!tpu.dma_semaphore, #tpu.memory_space<semaphore_mem>>) src(%arg9 : memref<128x128xf32, #tpu.memory_space<vmem>>) dst(%dma_wait3A_213 : memref<128x128xf32, #tpu.memory_space<hbm>>)
    %dma_start3A_214 = arith.constant 11 : i32
    %dma_start3A_215 = arith.constant 0 : i32
    %dma_start3A_216 = tpu.memref_slice %arg5[%dma_start3A_214, %dma_start3A_215] : memref<16x128xi32, #tpu.memory_space<vmem>> -> memref<1x128xi32, #tpu.memory_space<vmem>>
    %dma_start3A_217 = tpu.memref_squeeze %dma_start3A_216 : memref<1x128xi32, #tpu.memory_space<vmem>> -> memref<128xi32, #tpu.memory_space<vmem>>
    %dma_start3A_218 = arith.constant 0 : i32
    %dma_start3A_219 = arith.constant 0 : i32
    %dma_start3A_220 = tpu.memref_slice %arg2[%dma_start3A_218, %dma_start3A_219] : memref<4096x128xf32, #tpu.memory_space<hbm>> -> memref<4096x128xf32, #tpu.memory_space<hbm>>
    tpu.enqueue_indirect_dma source(%dma_start3A_220 : memref<4096x128xf32, #tpu.memory_space<hbm>>) target(%arg9 : memref<128x128xf32, #tpu.memory_space<vmem>>) offsets(%dma_start3A_217 : memref<128xi32, #tpu.memory_space<vmem>>) semaphore(%arg13 : memref<!tpu.dma_semaphore, #tpu.memory_space<semaphore_mem>>)
    %dma_wait3A_221 = arith.constant 8 : i32
    %dma_wait3A_222 = arith.constant 0 : i32
    %dma_wait3A_223 = tpu.memref_slice %arg5[%dma_wait3A_221, %dma_wait3A_222] : memref<16x128xi32, #tpu.memory_space<vmem>> -> memref<1x128xi32, #tpu.memory_space<vmem>>
    %dma_wait3A_224 = tpu.memref_squeeze %dma_wait3A_223 : memref<1x128xi32, #tpu.memory_space<vmem>> -> memref<128xi32, #tpu.memory_space<vmem>>
    %dma_wait3A_225 = arith.constant 0 : i32
    %dma_wait3A_226 = arith.constant 0 : i32
    %dma_wait3A_227 = tpu.memref_slice %arg2[%dma_wait3A_225, %dma_wait3A_226] : memref<4096x128xf32, #tpu.memory_space<hbm>> -> memref<4096x128xf32, #tpu.memory_space<hbm>>
    tpu.wait_indirect_dma semaphore(%arg10 : memref<!tpu.dma_semaphore, #tpu.memory_space<semaphore_mem>>) src(%dma_wait3A_227 : memref<4096x128xf32, #tpu.memory_space<hbm>>) dst(%arg6 : memref<128x128xf32, #tpu.memory_space<vmem>>)
    %add3A_228 = arith.constant 1024 : i32
    %add3A_229 = arith.addi %mul3A_2, %add3A_228 : i32
    %dma_start3A_230 = arith.constant 0 : i32
    %dma_start3A_231 = tpu.memref_slice %arg4[%add3A_229, %dma_start3A_230] : memref<65536x128xf32, #tpu.memory_space<hbm>> -> memref<128x128xf32, #tpu.memory_space<hbm>>
    %dma_start3A_232 = arith.constant 0 : i32
    %dma_start3A_233 = tpu.memref_slice %arg4[%add3A_229, %dma_start3A_232] : memref<65536x128xf32, #tpu.memory_space<hbm>> -> memref<128x128xf32, #tpu.memory_space<hbm>>
    tpu.enqueue_dma source(%arg6 : memref<128x128xf32, #tpu.memory_space<vmem>>) target(%dma_start3A_233 : memref<128x128xf32, #tpu.memory_space<hbm>>) target_semaphore(%arg14 : memref<!tpu.dma_semaphore, #tpu.memory_space<semaphore_mem>>)
    %dma_wait3A_234 = arith.constant 0 : i32
    %dma_wait3A_235 = tpu.memref_slice %arg4[%add3A_229, %dma_wait3A_234] : memref<65536x128xf32, #tpu.memory_space<hbm>> -> memref<128x128xf32, #tpu.memory_space<hbm>>
    %dma_wait3A_236 = arith.constant 0 : i32
    %dma_wait3A_237 = tpu.memref_slice %arg4[%add3A_229, %dma_wait3A_236] : memref<65536x128xf32, #tpu.memory_space<hbm>> -> memref<128x128xf32, #tpu.memory_space<hbm>>
    tpu.wait_dma2 semaphore(%arg14 : memref<!tpu.dma_semaphore, #tpu.memory_space<semaphore_mem>>) src(%arg6 : memref<128x128xf32, #tpu.memory_space<vmem>>) dst(%dma_wait3A_237 : memref<128x128xf32, #tpu.memory_space<hbm>>)
    %dma_start3A_238 = arith.constant 12 : i32
    %dma_start3A_239 = arith.constant 0 : i32
    %dma_start3A_240 = tpu.memref_slice %arg5[%dma_start3A_238, %dma_start3A_239] : memref<16x128xi32, #tpu.memory_space<vmem>> -> memref<1x128xi32, #tpu.memory_space<vmem>>
    %dma_start3A_241 = tpu.memref_squeeze %dma_start3A_240 : memref<1x128xi32, #tpu.memory_space<vmem>> -> memref<128xi32, #tpu.memory_space<vmem>>
    %dma_start3A_242 = arith.constant 0 : i32
    %dma_start3A_243 = arith.constant 0 : i32
    %dma_start3A_244 = tpu.memref_slice %arg2[%dma_start3A_242, %dma_start3A_243] : memref<4096x128xf32, #tpu.memory_space<hbm>> -> memref<4096x128xf32, #tpu.memory_space<hbm>>
    tpu.enqueue_indirect_dma source(%dma_start3A_244 : memref<4096x128xf32, #tpu.memory_space<hbm>>) target(%arg6 : memref<128x128xf32, #tpu.memory_space<vmem>>) offsets(%dma_start3A_241 : memref<128xi32, #tpu.memory_space<vmem>>) semaphore(%arg10 : memref<!tpu.dma_semaphore, #tpu.memory_space<semaphore_mem>>)
    %dma_wait3A_245 = arith.constant 9 : i32
    %dma_wait3A_246 = arith.constant 0 : i32
    %dma_wait3A_247 = tpu.memref_slice %arg5[%dma_wait3A_245, %dma_wait3A_246] : memref<16x128xi32, #tpu.memory_space<vmem>> -> memref<1x128xi32, #tpu.memory_space<vmem>>
    %dma_wait3A_248 = tpu.memref_squeeze %dma_wait3A_247 : memref<1x128xi32, #tpu.memory_space<vmem>> -> memref<128xi32, #tpu.memory_space<vmem>>
    %dma_wait3A_249 = arith.constant 0 : i32
    %dma_wait3A_250 = arith.constant 0 : i32
    %dma_wait3A_251 = tpu.memref_slice %arg2[%dma_wait3A_249, %dma_wait3A_250] : memref<4096x128xf32, #tpu.memory_space<hbm>> -> memref<4096x128xf32, #tpu.memory_space<hbm>>
    tpu.wait_indirect_dma semaphore(%arg11 : memref<!tpu.dma_semaphore, #tpu.memory_space<semaphore_mem>>) src(%dma_wait3A_251 : memref<4096x128xf32, #tpu.memory_space<hbm>>) dst(%arg7 : memref<128x128xf32, #tpu.memory_space<vmem>>)
    %add3A_252 = arith.constant 1152 : i32
    %add3A_253 = arith.addi %mul3A_2, %add3A_252 : i32
    %dma_start3A_254 = arith.constant 0 : i32
    %dma_start3A_255 = tpu.memref_slice %arg4[%add3A_253, %dma_start3A_254] : memref<65536x128xf32, #tpu.memory_space<hbm>> -> memref<128x128xf32, #tpu.memory_space<hbm>>
    %dma_start3A_256 = arith.constant 0 : i32
    %dma_start3A_257 = tpu.memref_slice %arg4[%add3A_253, %dma_start3A_256] : memref<65536x128xf32, #tpu.memory_space<hbm>> -> memref<128x128xf32, #tpu.memory_space<hbm>>
    tpu.enqueue_dma source(%arg7 : memref<128x128xf32, #tpu.memory_space<vmem>>) target(%dma_start3A_257 : memref<128x128xf32, #tpu.memory_space<hbm>>) target_semaphore(%arg15 : memref<!tpu.dma_semaphore, #tpu.memory_space<semaphore_mem>>)
    %dma_wait3A_258 = arith.constant 0 : i32
    %dma_wait3A_259 = tpu.memref_slice %arg4[%add3A_253, %dma_wait3A_258] : memref<65536x128xf32, #tpu.memory_space<hbm>> -> memref<128x128xf32, #tpu.memory_space<hbm>>
    %dma_wait3A_260 = arith.constant 0 : i32
    %dma_wait3A_261 = tpu.memref_slice %arg4[%add3A_253, %dma_wait3A_260] : memref<65536x128xf32, #tpu.memory_space<hbm>> -> memref<128x128xf32, #tpu.memory_space<hbm>>
    tpu.wait_dma2 semaphore(%arg15 : memref<!tpu.dma_semaphore, #tpu.memory_space<semaphore_mem>>) src(%arg7 : memref<128x128xf32, #tpu.memory_space<vmem>>) dst(%dma_wait3A_261 : memref<128x128xf32, #tpu.memory_space<hbm>>)
    %dma_start3A_262 = arith.constant 13 : i32
    %dma_start3A_263 = arith.constant 0 : i32
    %dma_start3A_264 = tpu.memref_slice %arg5[%dma_start3A_262, %dma_start3A_263] : memref<16x128xi32, #tpu.memory_space<vmem>> -> memref<1x128xi32, #tpu.memory_space<vmem>>
    %dma_start3A_265 = tpu.memref_squeeze %dma_start3A_264 : memref<1x128xi32, #tpu.memory_space<vmem>> -> memref<128xi32, #tpu.memory_space<vmem>>
    %dma_start3A_266 = arith.constant 0 : i32
    %dma_start3A_267 = arith.constant 0 : i32
    %dma_start3A_268 = tpu.memref_slice %arg2[%dma_start3A_266, %dma_start3A_267] : memref<4096x128xf32, #tpu.memory_space<hbm>> -> memref<4096x128xf32, #tpu.memory_space<hbm>>
    tpu.enqueue_indirect_dma source(%dma_start3A_268 : memref<4096x128xf32, #tpu.memory_space<hbm>>) target(%arg7 : memref<128x128xf32, #tpu.memory_space<vmem>>) offsets(%dma_start3A_265 : memref<128xi32, #tpu.memory_space<vmem>>) semaphore(%arg11 : memref<!tpu.dma_semaphore, #tpu.memory_space<semaphore_mem>>)
    %dma_wait3A_269 = arith.constant 10 : i32
    %dma_wait3A_270 = arith.constant 0 : i32
    %dma_wait3A_271 = tpu.memref_slice %arg5[%dma_wait3A_269, %dma_wait3A_270] : memref<16x128xi32, #tpu.memory_space<vmem>> -> memref<1x128xi32, #tpu.memory_space<vmem>>
    %dma_wait3A_272 = tpu.memref_squeeze %dma_wait3A_271 : memref<1x128xi32, #tpu.memory_space<vmem>> -> memref<128xi32, #tpu.memory_space<vmem>>
    %dma_wait3A_273 = arith.constant 0 : i32
    %dma_wait3A_274 = arith.constant 0 : i32
    %dma_wait3A_275 = tpu.memref_slice %arg2[%dma_wait3A_273, %dma_wait3A_274] : memref<4096x128xf32, #tpu.memory_space<hbm>> -> memref<4096x128xf32, #tpu.memory_space<hbm>>
    tpu.wait_indirect_dma semaphore(%arg12 : memref<!tpu.dma_semaphore, #tpu.memory_space<semaphore_mem>>) src(%dma_wait3A_275 : memref<4096x128xf32, #tpu.memory_space<hbm>>) dst(%arg8 : memref<128x128xf32, #tpu.memory_space<vmem>>)
    %add3A_276 = arith.constant 1280 : i32
    %add3A_277 = arith.addi %mul3A_2, %add3A_276 : i32
    %dma_start3A_278 = arith.constant 0 : i32
    %dma_start3A_279 = tpu.memref_slice %arg4[%add3A_277, %dma_start3A_278] : memref<65536x128xf32, #tpu.memory_space<hbm>> -> memref<128x128xf32, #tpu.memory_space<hbm>>
    %dma_start3A_280 = arith.constant 0 : i32
    %dma_start3A_281 = tpu.memref_slice %arg4[%add3A_277, %dma_start3A_280] : memref<65536x128xf32, #tpu.memory_space<hbm>> -> memref<128x128xf32, #tpu.memory_space<hbm>>
    tpu.enqueue_dma source(%arg8 : memref<128x128xf32, #tpu.memory_space<vmem>>) target(%dma_start3A_281 : memref<128x128xf32, #tpu.memory_space<hbm>>) target_semaphore(%arg16 : memref<!tpu.dma_semaphore, #tpu.memory_space<semaphore_mem>>)
    %dma_wait3A_282 = arith.constant 0 : i32
    %dma_wait3A_283 = tpu.memref_slice %arg4[%add3A_277, %dma_wait3A_282] : memref<65536x128xf32, #tpu.memory_space<hbm>> -> memref<128x128xf32, #tpu.memory_space<hbm>>
    %dma_wait3A_284 = arith.constant 0 : i32
    %dma_wait3A_285 = tpu.memref_slice %arg4[%add3A_277, %dma_wait3A_284] : memref<65536x128xf32, #tpu.memory_space<hbm>> -> memref<128x128xf32, #tpu.memory_space<hbm>>
    tpu.wait_dma2 semaphore(%arg16 : memref<!tpu.dma_semaphore, #tpu.memory_space<semaphore_mem>>) src(%arg8 : memref<128x128xf32, #tpu.memory_space<vmem>>) dst(%dma_wait3A_285 : memref<128x128xf32, #tpu.memory_space<hbm>>)
    %dma_start3A_286 = arith.constant 14 : i32
    %dma_start3A_287 = arith.constant 0 : i32
    %dma_start3A_288 = tpu.memref_slice %arg5[%dma_start3A_286, %dma_start3A_287] : memref<16x128xi32, #tpu.memory_space<vmem>> -> memref<1x128xi32, #tpu.memory_space<vmem>>
    %dma_start3A_289 = tpu.memref_squeeze %dma_start3A_288 : memref<1x128xi32, #tpu.memory_space<vmem>> -> memref<128xi32, #tpu.memory_space<vmem>>
    %dma_start3A_290 = arith.constant 0 : i32
    %dma_start3A_291 = arith.constant 0 : i32
    %dma_start3A_292 = tpu.memref_slice %arg2[%dma_start3A_290, %dma_start3A_291] : memref<4096x128xf32, #tpu.memory_space<hbm>> -> memref<4096x128xf32, #tpu.memory_space<hbm>>
    tpu.enqueue_indirect_dma source(%dma_start3A_292 : memref<4096x128xf32, #tpu.memory_space<hbm>>) target(%arg8 : memref<128x128xf32, #tpu.memory_space<vmem>>) offsets(%dma_start3A_289 : memref<128xi32, #tpu.memory_space<vmem>>) semaphore(%arg12 : memref<!tpu.dma_semaphore, #tpu.memory_space<semaphore_mem>>)
    %dma_wait3A_293 = arith.constant 11 : i32
    %dma_wait3A_294 = arith.constant 0 : i32
    %dma_wait3A_295 = tpu.memref_slice %arg5[%dma_wait3A_293, %dma_wait3A_294] : memref<16x128xi32, #tpu.memory_space<vmem>> -> memref<1x128xi32, #tpu.memory_space<vmem>>
    %dma_wait3A_296 = tpu.memref_squeeze %dma_wait3A_295 : memref<1x128xi32, #tpu.memory_space<vmem>> -> memref<128xi32, #tpu.memory_space<vmem>>
    %dma_wait3A_297 = arith.constant 0 : i32
    %dma_wait3A_298 = arith.constant 0 : i32
    %dma_wait3A_299 = tpu.memref_slice %arg2[%dma_wait3A_297, %dma_wait3A_298] : memref<4096x128xf32, #tpu.memory_space<hbm>> -> memref<4096x128xf32, #tpu.memory_space<hbm>>
    tpu.wait_indirect_dma semaphore(%arg13 : memref<!tpu.dma_semaphore, #tpu.memory_space<semaphore_mem>>) src(%dma_wait3A_299 : memref<4096x128xf32, #tpu.memory_space<hbm>>) dst(%arg9 : memref<128x128xf32, #tpu.memory_space<vmem>>)
    %add3A_300 = arith.constant 1408 : i32
    %add3A_301 = arith.addi %mul3A_2, %add3A_300 : i32
    %dma_start3A_302 = arith.constant 0 : i32
    %dma_start3A_303 = tpu.memref_slice %arg4[%add3A_301, %dma_start3A_302] : memref<65536x128xf32, #tpu.memory_space<hbm>> -> memref<128x128xf32, #tpu.memory_space<hbm>>
    %dma_start3A_304 = arith.constant 0 : i32
    %dma_start3A_305 = tpu.memref_slice %arg4[%add3A_301, %dma_start3A_304] : memref<65536x128xf32, #tpu.memory_space<hbm>> -> memref<128x128xf32, #tpu.memory_space<hbm>>
    tpu.enqueue_dma source(%arg9 : memref<128x128xf32, #tpu.memory_space<vmem>>) target(%dma_start3A_305 : memref<128x128xf32, #tpu.memory_space<hbm>>) target_semaphore(%arg17 : memref<!tpu.dma_semaphore, #tpu.memory_space<semaphore_mem>>)
    %dma_wait3A_306 = arith.constant 0 : i32
    %dma_wait3A_307 = tpu.memref_slice %arg4[%add3A_301, %dma_wait3A_306] : memref<65536x128xf32, #tpu.memory_space<hbm>> -> memref<128x128xf32, #tpu.memory_space<hbm>>
    %dma_wait3A_308 = arith.constant 0 : i32
    %dma_wait3A_309 = tpu.memref_slice %arg4[%add3A_301, %dma_wait3A_308] : memref<65536x128xf32, #tpu.memory_space<hbm>> -> memref<128x128xf32, #tpu.memory_space<hbm>>
    tpu.wait_dma2 semaphore(%arg17 : memref<!tpu.dma_semaphore, #tpu.memory_space<semaphore_mem>>) src(%arg9 : memref<128x128xf32, #tpu.memory_space<vmem>>) dst(%dma_wait3A_309 : memref<128x128xf32, #tpu.memory_space<hbm>>)
    %dma_start3A_310 = arith.constant 15 : i32
    %dma_start3A_311 = arith.constant 0 : i32
    %dma_start3A_312 = tpu.memref_slice %arg5[%dma_start3A_310, %dma_start3A_311] : memref<16x128xi32, #tpu.memory_space<vmem>> -> memref<1x128xi32, #tpu.memory_space<vmem>>
    %dma_start3A_313 = tpu.memref_squeeze %dma_start3A_312 : memref<1x128xi32, #tpu.memory_space<vmem>> -> memref<128xi32, #tpu.memory_space<vmem>>
    %dma_start3A_314 = arith.constant 0 : i32
    %dma_start3A_315 = arith.constant 0 : i32
    %dma_start3A_316 = tpu.memref_slice %arg2[%dma_start3A_314, %dma_start3A_315] : memref<4096x128xf32, #tpu.memory_space<hbm>> -> memref<4096x128xf32, #tpu.memory_space<hbm>>
    tpu.enqueue_indirect_dma source(%dma_start3A_316 : memref<4096x128xf32, #tpu.memory_space<hbm>>) target(%arg9 : memref<128x128xf32, #tpu.memory_space<vmem>>) offsets(%dma_start3A_313 : memref<128xi32, #tpu.memory_space<vmem>>) semaphore(%arg13 : memref<!tpu.dma_semaphore, #tpu.memory_space<semaphore_mem>>)
    %dma_wait3A_317 = arith.constant 12 : i32
    %dma_wait3A_318 = arith.constant 0 : i32
    %dma_wait3A_319 = tpu.memref_slice %arg5[%dma_wait3A_317, %dma_wait3A_318] : memref<16x128xi32, #tpu.memory_space<vmem>> -> memref<1x128xi32, #tpu.memory_space<vmem>>
    %dma_wait3A_320 = tpu.memref_squeeze %dma_wait3A_319 : memref<1x128xi32, #tpu.memory_space<vmem>> -> memref<128xi32, #tpu.memory_space<vmem>>
    %dma_wait3A_321 = arith.constant 0 : i32
    %dma_wait3A_322 = arith.constant 0 : i32
    %dma_wait3A_323 = tpu.memref_slice %arg2[%dma_wait3A_321, %dma_wait3A_322] : memref<4096x128xf32, #tpu.memory_space<hbm>> -> memref<4096x128xf32, #tpu.memory_space<hbm>>
    tpu.wait_indirect_dma semaphore(%arg10 : memref<!tpu.dma_semaphore, #tpu.memory_space<semaphore_mem>>) src(%dma_wait3A_323 : memref<4096x128xf32, #tpu.memory_space<hbm>>) dst(%arg6 : memref<128x128xf32, #tpu.memory_space<vmem>>)
    %add3A_324 = arith.constant 1536 : i32
    %add3A_325 = arith.addi %mul3A_2, %add3A_324 : i32
    %dma_start3A_326 = arith.constant 0 : i32
    %dma_start3A_327 = tpu.memref_slice %arg4[%add3A_325, %dma_start3A_326] : memref<65536x128xf32, #tpu.memory_space<hbm>> -> memref<128x128xf32, #tpu.memory_space<hbm>>
    %dma_start3A_328 = arith.constant 0 : i32
    %dma_start3A_329 = tpu.memref_slice %arg4[%add3A_325, %dma_start3A_328] : memref<65536x128xf32, #tpu.memory_space<hbm>> -> memref<128x128xf32, #tpu.memory_space<hbm>>
    tpu.enqueue_dma source(%arg6 : memref<128x128xf32, #tpu.memory_space<vmem>>) target(%dma_start3A_329 : memref<128x128xf32, #tpu.memory_space<hbm>>) target_semaphore(%arg14 : memref<!tpu.dma_semaphore, #tpu.memory_space<semaphore_mem>>)
    %dma_wait3A_330 = arith.constant 13 : i32
    %dma_wait3A_331 = arith.constant 0 : i32
    %dma_wait3A_332 = tpu.memref_slice %arg5[%dma_wait3A_330, %dma_wait3A_331] : memref<16x128xi32, #tpu.memory_space<vmem>> -> memref<1x128xi32, #tpu.memory_space<vmem>>
    %dma_wait3A_333 = tpu.memref_squeeze %dma_wait3A_332 : memref<1x128xi32, #tpu.memory_space<vmem>> -> memref<128xi32, #tpu.memory_space<vmem>>
    %dma_wait3A_334 = arith.constant 0 : i32
    %dma_wait3A_335 = arith.constant 0 : i32
    %dma_wait3A_336 = tpu.memref_slice %arg2[%dma_wait3A_334, %dma_wait3A_335] : memref<4096x128xf32, #tpu.memory_space<hbm>> -> memref<4096x128xf32, #tpu.memory_space<hbm>>
    tpu.wait_indirect_dma semaphore(%arg11 : memref<!tpu.dma_semaphore, #tpu.memory_space<semaphore_mem>>) src(%dma_wait3A_336 : memref<4096x128xf32, #tpu.memory_space<hbm>>) dst(%arg7 : memref<128x128xf32, #tpu.memory_space<vmem>>)
    %add3A_337 = arith.constant 1664 : i32
    %add3A_338 = arith.addi %mul3A_2, %add3A_337 : i32
    %dma_start3A_339 = arith.constant 0 : i32
    %dma_start3A_340 = tpu.memref_slice %arg4[%add3A_338, %dma_start3A_339] : memref<65536x128xf32, #tpu.memory_space<hbm>> -> memref<128x128xf32, #tpu.memory_space<hbm>>
    %dma_start3A_341 = arith.constant 0 : i32
    %dma_start3A_342 = tpu.memref_slice %arg4[%add3A_338, %dma_start3A_341] : memref<65536x128xf32, #tpu.memory_space<hbm>> -> memref<128x128xf32, #tpu.memory_space<hbm>>
    tpu.enqueue_dma source(%arg7 : memref<128x128xf32, #tpu.memory_space<vmem>>) target(%dma_start3A_342 : memref<128x128xf32, #tpu.memory_space<hbm>>) target_semaphore(%arg15 : memref<!tpu.dma_semaphore, #tpu.memory_space<semaphore_mem>>)
    %dma_wait3A_343 = arith.constant 14 : i32
    %dma_wait3A_344 = arith.constant 0 : i32
    %dma_wait3A_345 = tpu.memref_slice %arg5[%dma_wait3A_343, %dma_wait3A_344] : memref<16x128xi32, #tpu.memory_space<vmem>> -> memref<1x128xi32, #tpu.memory_space<vmem>>
    %dma_wait3A_346 = tpu.memref_squeeze %dma_wait3A_345 : memref<1x128xi32, #tpu.memory_space<vmem>> -> memref<128xi32, #tpu.memory_space<vmem>>
    %dma_wait3A_347 = arith.constant 0 : i32
    %dma_wait3A_348 = arith.constant 0 : i32
    %dma_wait3A_349 = tpu.memref_slice %arg2[%dma_wait3A_347, %dma_wait3A_348] : memref<4096x128xf32, #tpu.memory_space<hbm>> -> memref<4096x128xf32, #tpu.memory_space<hbm>>
    tpu.wait_indirect_dma semaphore(%arg12 : memref<!tpu.dma_semaphore, #tpu.memory_space<semaphore_mem>>) src(%dma_wait3A_349 : memref<4096x128xf32, #tpu.memory_space<hbm>>) dst(%arg8 : memref<128x128xf32, #tpu.memory_space<vmem>>)
    %add3A_350 = arith.constant 1792 : i32
    %add3A_351 = arith.addi %mul3A_2, %add3A_350 : i32
    %dma_start3A_352 = arith.constant 0 : i32
    %dma_start3A_353 = tpu.memref_slice %arg4[%add3A_351, %dma_start3A_352] : memref<65536x128xf32, #tpu.memory_space<hbm>> -> memref<128x128xf32, #tpu.memory_space<hbm>>
    %dma_start3A_354 = arith.constant 0 : i32
    %dma_start3A_355 = tpu.memref_slice %arg4[%add3A_351, %dma_start3A_354] : memref<65536x128xf32, #tpu.memory_space<hbm>> -> memref<128x128xf32, #tpu.memory_space<hbm>>
    tpu.enqueue_dma source(%arg8 : memref<128x128xf32, #tpu.memory_space<vmem>>) target(%dma_start3A_355 : memref<128x128xf32, #tpu.memory_space<hbm>>) target_semaphore(%arg16 : memref<!tpu.dma_semaphore, #tpu.memory_space<semaphore_mem>>)
    %dma_wait3A_356 = arith.constant 15 : i32
    %dma_wait3A_357 = arith.constant 0 : i32
    %dma_wait3A_358 = tpu.memref_slice %arg5[%dma_wait3A_356, %dma_wait3A_357] : memref<16x128xi32, #tpu.memory_space<vmem>> -> memref<1x128xi32, #tpu.memory_space<vmem>>
    %dma_wait3A_359 = tpu.memref_squeeze %dma_wait3A_358 : memref<1x128xi32, #tpu.memory_space<vmem>> -> memref<128xi32, #tpu.memory_space<vmem>>
    %dma_wait3A_360 = arith.constant 0 : i32
    %dma_wait3A_361 = arith.constant 0 : i32
    %dma_wait3A_362 = tpu.memref_slice %arg2[%dma_wait3A_360, %dma_wait3A_361] : memref<4096x128xf32, #tpu.memory_space<hbm>> -> memref<4096x128xf32, #tpu.memory_space<hbm>>
    tpu.wait_indirect_dma semaphore(%arg13 : memref<!tpu.dma_semaphore, #tpu.memory_space<semaphore_mem>>) src(%dma_wait3A_362 : memref<4096x128xf32, #tpu.memory_space<hbm>>) dst(%arg9 : memref<128x128xf32, #tpu.memory_space<vmem>>)
    %add3A_363 = arith.constant 1920 : i32
    %add3A_364 = arith.addi %mul3A_2, %add3A_363 : i32
    %dma_start3A_365 = arith.constant 0 : i32
    %dma_start3A_366 = tpu.memref_slice %arg4[%add3A_364, %dma_start3A_365] : memref<65536x128xf32, #tpu.memory_space<hbm>> -> memref<128x128xf32, #tpu.memory_space<hbm>>
    %dma_start3A_367 = arith.constant 0 : i32
    %dma_start3A_368 = tpu.memref_slice %arg4[%add3A_364, %dma_start3A_367] : memref<65536x128xf32, #tpu.memory_space<hbm>> -> memref<128x128xf32, #tpu.memory_space<hbm>>
    tpu.enqueue_dma source(%arg9 : memref<128x128xf32, #tpu.memory_space<vmem>>) target(%dma_start3A_368 : memref<128x128xf32, #tpu.memory_space<hbm>>) target_semaphore(%arg17 : memref<!tpu.dma_semaphore, #tpu.memory_space<semaphore_mem>>)
    %dma_wait3A_369 = arith.constant 0 : i32
    %dma_wait3A_370 = tpu.memref_slice %arg4[%add3A_325, %dma_wait3A_369] : memref<65536x128xf32, #tpu.memory_space<hbm>> -> memref<128x128xf32, #tpu.memory_space<hbm>>
    %dma_wait3A_371 = arith.constant 0 : i32
    %dma_wait3A_372 = tpu.memref_slice %arg4[%add3A_325, %dma_wait3A_371] : memref<65536x128xf32, #tpu.memory_space<hbm>> -> memref<128x128xf32, #tpu.memory_space<hbm>>
    tpu.wait_dma2 semaphore(%arg14 : memref<!tpu.dma_semaphore, #tpu.memory_space<semaphore_mem>>) src(%arg6 : memref<128x128xf32, #tpu.memory_space<vmem>>) dst(%dma_wait3A_372 : memref<128x128xf32, #tpu.memory_space<hbm>>)
    %dma_wait3A_373 = arith.constant 0 : i32
    %dma_wait3A_374 = tpu.memref_slice %arg4[%add3A_338, %dma_wait3A_373] : memref<65536x128xf32, #tpu.memory_space<hbm>> -> memref<128x128xf32, #tpu.memory_space<hbm>>
    %dma_wait3A_375 = arith.constant 0 : i32
    %dma_wait3A_376 = tpu.memref_slice %arg4[%add3A_338, %dma_wait3A_375] : memref<65536x128xf32, #tpu.memory_space<hbm>> -> memref<128x128xf32, #tpu.memory_space<hbm>>
    tpu.wait_dma2 semaphore(%arg15 : memref<!tpu.dma_semaphore, #tpu.memory_space<semaphore_mem>>) src(%arg7 : memref<128x128xf32, #tpu.memory_space<vmem>>) dst(%dma_wait3A_376 : memref<128x128xf32, #tpu.memory_space<hbm>>)
    %dma_wait3A_377 = arith.constant 0 : i32
    %dma_wait3A_378 = tpu.memref_slice %arg4[%add3A_351, %dma_wait3A_377] : memref<65536x128xf32, #tpu.memory_space<hbm>> -> memref<128x128xf32, #tpu.memory_space<hbm>>
    %dma_wait3A_379 = arith.constant 0 : i32
    %dma_wait3A_380 = tpu.memref_slice %arg4[%add3A_351, %dma_wait3A_379] : memref<65536x128xf32, #tpu.memory_space<hbm>> -> memref<128x128xf32, #tpu.memory_space<hbm>>
    tpu.wait_dma2 semaphore(%arg16 : memref<!tpu.dma_semaphore, #tpu.memory_space<semaphore_mem>>) src(%arg8 : memref<128x128xf32, #tpu.memory_space<vmem>>) dst(%dma_wait3A_380 : memref<128x128xf32, #tpu.memory_space<hbm>>)
    %dma_wait3A_381 = arith.constant 0 : i32
    %dma_wait3A_382 = tpu.memref_slice %arg4[%add3A_364, %dma_wait3A_381] : memref<65536x128xf32, #tpu.memory_space<hbm>> -> memref<128x128xf32, #tpu.memory_space<hbm>>
    %dma_wait3A_383 = arith.constant 0 : i32
    %dma_wait3A_384 = tpu.memref_slice %arg4[%add3A_364, %dma_wait3A_383] : memref<65536x128xf32, #tpu.memory_space<hbm>> -> memref<128x128xf32, #tpu.memory_space<hbm>>
    tpu.wait_dma2 semaphore(%arg17 : memref<!tpu.dma_semaphore, #tpu.memory_space<semaphore_mem>>) src(%arg9 : memref<128x128xf32, #tpu.memory_space<vmem>>) dst(%dma_wait3A_384 : memref<128x128xf32, #tpu.memory_space<hbm>>)
    return
  }
}

module attributes {stable_mosaic.version = 14 : i64} {
  func.func @_knn_body(%arg0: i32, %arg1: memref<1024x3xf32, #tpu.memory_space<vmem>>, %arg2: memref<3x4096xf32, #tpu.memory_space<vmem>>, %arg3: memref<1024x16xi32, #tpu.memory_space<vmem>>) attributes {dimension_semantics = [#tpu.dimension_semantics<arbitrary>], iteration_bounds = array<i64: 4>, scalar_prefetch = 0 : i64, scratch_operands = 0 : i64, tpu.core_type = #tpu.core_type<tc>, window_params = [{transform_indices = @transform_0, window_bounds = array<i64: 1024, 3>}, {pipeline_mode = #tpu.pipeline_mode<synchronous>, transform_indices = @transform_1, window_bounds = array<i64: 3, 4096>}, {transform_indices = @transform_2, window_bounds = array<i64: 1024, 16>}]} {
    %get3A = arith.constant 0 : index
    %get3A_0 = arith.constant 0 : index
    %get3A_1 = vector.load %arg1[%get3A, %get3A_0] : memref<1024x3xf32, #tpu.memory_space<vmem>>, vector<1024x3xf32>
    %get3A_2 = arith.constant 0 : index
    %get3A_3 = arith.constant 0 : index
    %get3A_4 = vector.load %arg2[%get3A_2, %get3A_3] : memref<3x4096xf32, #tpu.memory_space<vmem>>, vector<3x4096xf32>
    %mul3A = arith.mulf %get3A_1, %get3A_1 : vector<1024x3xf32>
    %reduce_sum3A = arith.constant dense<0.000000e+00> : vector<1024xf32>
    %reduce_sum3A_5 = vector.multi_reduction <add>, %mul3A, %reduce_sum3A [1] : vector<1024x3xf32> to vector<1024xf32>
    %broadcast_in_dim3A = vector.shape_cast %reduce_sum3A_5 : vector<1024xf32> to vector<1024x1xf32>
    %mul3A_6 = arith.mulf %get3A_4, %get3A_4 : vector<3x4096xf32>
    %reduce_sum3A_7 = arith.constant dense<0.000000e+00> : vector<4096xf32>
    %reduce_sum3A_8 = vector.multi_reduction <add>, %mul3A_6, %reduce_sum3A_7 [0] : vector<3x4096xf32> to vector<4096xf32>
    %broadcast_in_dim3A_9 = vector.shape_cast %reduce_sum3A_8 : vector<4096xf32> to vector<1x4096xf32>
    %dot_general3A = arith.constant dense<0.000000e+00> : vector<1024x4096xf32>
    %dot_general3A_10 = tpu.matmul %get3A_1, %get3A_4, %dot_general3A {dimension_numbers = #tpu.dot_dimension_numbers<[1], [0], [0], [1], [0, 0, 1, 1], [], []>, transpose_lhs_hint = false} : vector<1024x3xf32>, vector<3x4096xf32>, vector<1024x4096xf32> -> vector<1024x4096xf32>
    %add3A = vector.broadcast %broadcast_in_dim3A : vector<1024x1xf32> to vector<1024x4096xf32>
    %add3A_11 = vector.broadcast %broadcast_in_dim3A_9 : vector<1x4096xf32> to vector<1024x4096xf32>
    %add3A_12 = arith.addf %add3A, %add3A_11 : vector<1024x4096xf32>
    %mul3A_13 = arith.constant 2.000000e+00 : f32
    %mul3A_14 = vector.broadcast %mul3A_13 : f32 to vector<1024x4096xf32>
    %mul3A_15 = arith.mulf %mul3A_14, %dot_general3A_10 : vector<1024x4096xf32>
    %sub3A = arith.subf %add3A_12, %mul3A_15 : vector<1024x4096xf32>
    %max3A = arith.constant 0.000000e+00 : f32
    %max3A_16 = vector.broadcast %max3A : f32 to vector<1024x4096xf32>
    %max3A_17 = arith.maximumf %sub3A, %max3A_16 : vector<1024x4096xf32>
    %bitcast_convert_type3A = tpu.bitcast %max3A_17 : vector<1024x4096xf32> -> vector<1024x4096xi32>
    %iota3A = tpu.iota {dimensions = array<i32: 1>} : vector<1x4096xi32>
    %shift_right_arithmetic3A = arith.constant 7 : i32
    %shift_right_arithmetic3A_18 = vector.broadcast %shift_right_arithmetic3A : i32 to vector<1x4096xi32>
    %shift_right_arithmetic3A_19 = arith.shrsi %iota3A, %shift_right_arithmetic3A_18 : vector<1x4096xi32>
    %and3A = arith.constant -32 : i32
    %and3A_20 = vector.broadcast %and3A : i32 to vector<1024x4096xi32>
    %and3A_21 = arith.andi %bitcast_convert_type3A, %and3A_20 : vector<1024x4096xi32>
    %or3A = vector.broadcast %shift_right_arithmetic3A_19 : vector<1x4096xi32> to vector<1024x4096xi32>
    %or3A_22 = arith.ori %and3A_21, %or3A : vector<1024x4096xi32>
    %broadcast_in_dim3A_23 = arith.constant 2147483647 : i32
    %broadcast_in_dim3A_24 = vector.broadcast %broadcast_in_dim3A_23 : i32 to vector<1024x128xi32>
    %slice3A = vector.extract_strided_slice %or3A_22 {offsets = [0, 0], sizes = [1024, 128], strides = [1, 1]} : vector<1024x4096xi32> to vector<1024x128xi32>
    %min3A = arith.minsi %broadcast_in_dim3A_24, %slice3A : vector<1024x128xi32>
    %max3A_25 = arith.maxsi %broadcast_in_dim3A_24, %slice3A : vector<1024x128xi32>
    %min3A_26 = arith.minsi %broadcast_in_dim3A_24, %max3A_25 : vector<1024x128xi32>
    %max3A_27 = arith.maxsi %broadcast_in_dim3A_24, %max3A_25 : vector<1024x128xi32>
    %min3A_28 = arith.minsi %broadcast_in_dim3A_24, %max3A_27 : vector<1024x128xi32>
    %max3A_29 = arith.maxsi %broadcast_in_dim3A_24, %max3A_27 : vector<1024x128xi32>
    %min3A_30 = arith.minsi %broadcast_in_dim3A_24, %max3A_29 : vector<1024x128xi32>
    %slice3A_31 = vector.extract_strided_slice %or3A_22 {offsets = [0, 128], sizes = [1024, 128], strides = [1, 1]} : vector<1024x4096xi32> to vector<1024x128xi32>
    %min3A_32 = arith.minsi %min3A, %slice3A_31 : vector<1024x128xi32>
    %max3A_33 = arith.maxsi %min3A, %slice3A_31 : vector<1024x128xi32>
    %min3A_34 = arith.minsi %min3A_26, %max3A_33 : vector<1024x128xi32>
    %max3A_35 = arith.maxsi %min3A_26, %max3A_33 : vector<1024x128xi32>
    %min3A_36 = arith.minsi %min3A_28, %max3A_35 : vector<1024x128xi32>
    %max3A_37 = arith.maxsi %min3A_28, %max3A_35 : vector<1024x128xi32>
    %min3A_38 = arith.minsi %min3A_30, %max3A_37 : vector<1024x128xi32>
    %slice3A_39 = vector.extract_strided_slice %or3A_22 {offsets = [0, 256], sizes = [1024, 128], strides = [1, 1]} : vector<1024x4096xi32> to vector<1024x128xi32>
    %min3A_40 = arith.minsi %min3A_32, %slice3A_39 : vector<1024x128xi32>
    %max3A_41 = arith.maxsi %min3A_32, %slice3A_39 : vector<1024x128xi32>
    %min3A_42 = arith.minsi %min3A_34, %max3A_41 : vector<1024x128xi32>
    %max3A_43 = arith.maxsi %min3A_34, %max3A_41 : vector<1024x128xi32>
    %min3A_44 = arith.minsi %min3A_36, %max3A_43 : vector<1024x128xi32>
    %max3A_45 = arith.maxsi %min3A_36, %max3A_43 : vector<1024x128xi32>
    %min3A_46 = arith.minsi %min3A_38, %max3A_45 : vector<1024x128xi32>
    %slice3A_47 = vector.extract_strided_slice %or3A_22 {offsets = [0, 384], sizes = [1024, 128], strides = [1, 1]} : vector<1024x4096xi32> to vector<1024x128xi32>
    %min3A_48 = arith.minsi %min3A_40, %slice3A_47 : vector<1024x128xi32>
    %max3A_49 = arith.maxsi %min3A_40, %slice3A_47 : vector<1024x128xi32>
    %min3A_50 = arith.minsi %min3A_42, %max3A_49 : vector<1024x128xi32>
    %max3A_51 = arith.maxsi %min3A_42, %max3A_49 : vector<1024x128xi32>
    %min3A_52 = arith.minsi %min3A_44, %max3A_51 : vector<1024x128xi32>
    %max3A_53 = arith.maxsi %min3A_44, %max3A_51 : vector<1024x128xi32>
    %min3A_54 = arith.minsi %min3A_46, %max3A_53 : vector<1024x128xi32>
    %slice3A_55 = vector.extract_strided_slice %or3A_22 {offsets = [0, 512], sizes = [1024, 128], strides = [1, 1]} : vector<1024x4096xi32> to vector<1024x128xi32>
    %min3A_56 = arith.minsi %min3A_48, %slice3A_55 : vector<1024x128xi32>
    %max3A_57 = arith.maxsi %min3A_48, %slice3A_55 : vector<1024x128xi32>
    %min3A_58 = arith.minsi %min3A_50, %max3A_57 : vector<1024x128xi32>
    %max3A_59 = arith.maxsi %min3A_50, %max3A_57 : vector<1024x128xi32>
    %min3A_60 = arith.minsi %min3A_52, %max3A_59 : vector<1024x128xi32>
    %max3A_61 = arith.maxsi %min3A_52, %max3A_59 : vector<1024x128xi32>
    %min3A_62 = arith.minsi %min3A_54, %max3A_61 : vector<1024x128xi32>
    %slice3A_63 = vector.extract_strided_slice %or3A_22 {offsets = [0, 640], sizes = [1024, 128], strides = [1, 1]} : vector<1024x4096xi32> to vector<1024x128xi32>
    %min3A_64 = arith.minsi %min3A_56, %slice3A_63 : vector<1024x128xi32>
    %max3A_65 = arith.maxsi %min3A_56, %slice3A_63 : vector<1024x128xi32>
    %min3A_66 = arith.minsi %min3A_58, %max3A_65 : vector<1024x128xi32>
    %max3A_67 = arith.maxsi %min3A_58, %max3A_65 : vector<1024x128xi32>
    %min3A_68 = arith.minsi %min3A_60, %max3A_67 : vector<1024x128xi32>
    %max3A_69 = arith.maxsi %min3A_60, %max3A_67 : vector<1024x128xi32>
    %min3A_70 = arith.minsi %min3A_62, %max3A_69 : vector<1024x128xi32>
    %slice3A_71 = vector.extract_strided_slice %or3A_22 {offsets = [0, 768], sizes = [1024, 128], strides = [1, 1]} : vector<1024x4096xi32> to vector<1024x128xi32>
    %min3A_72 = arith.minsi %min3A_64, %slice3A_71 : vector<1024x128xi32>
    %max3A_73 = arith.maxsi %min3A_64, %slice3A_71 : vector<1024x128xi32>
    %min3A_74 = arith.minsi %min3A_66, %max3A_73 : vector<1024x128xi32>
    %max3A_75 = arith.maxsi %min3A_66, %max3A_73 : vector<1024x128xi32>
    %min3A_76 = arith.minsi %min3A_68, %max3A_75 : vector<1024x128xi32>
    %max3A_77 = arith.maxsi %min3A_68, %max3A_75 : vector<1024x128xi32>
    %min3A_78 = arith.minsi %min3A_70, %max3A_77 : vector<1024x128xi32>
    %slice3A_79 = vector.extract_strided_slice %or3A_22 {offsets = [0, 896], sizes = [1024, 128], strides = [1, 1]} : vector<1024x4096xi32> to vector<1024x128xi32>
    %min3A_80 = arith.minsi %min3A_72, %slice3A_79 : vector<1024x128xi32>
    %max3A_81 = arith.maxsi %min3A_72, %slice3A_79 : vector<1024x128xi32>
    %min3A_82 = arith.minsi %min3A_74, %max3A_81 : vector<1024x128xi32>
    %max3A_83 = arith.maxsi %min3A_74, %max3A_81 : vector<1024x128xi32>
    %min3A_84 = arith.minsi %min3A_76, %max3A_83 : vector<1024x128xi32>
    %max3A_85 = arith.maxsi %min3A_76, %max3A_83 : vector<1024x128xi32>
    %min3A_86 = arith.minsi %min3A_78, %max3A_85 : vector<1024x128xi32>
    %slice3A_87 = vector.extract_strided_slice %or3A_22 {offsets = [0, 1024], sizes = [1024, 128], strides = [1, 1]} : vector<1024x4096xi32> to vector<1024x128xi32>
    %min3A_88 = arith.minsi %min3A_80, %slice3A_87 : vector<1024x128xi32>
    %max3A_89 = arith.maxsi %min3A_80, %slice3A_87 : vector<1024x128xi32>
    %min3A_90 = arith.minsi %min3A_82, %max3A_89 : vector<1024x128xi32>
    %max3A_91 = arith.maxsi %min3A_82, %max3A_89 : vector<1024x128xi32>
    %min3A_92 = arith.minsi %min3A_84, %max3A_91 : vector<1024x128xi32>
    %max3A_93 = arith.maxsi %min3A_84, %max3A_91 : vector<1024x128xi32>
    %min3A_94 = arith.minsi %min3A_86, %max3A_93 : vector<1024x128xi32>
    %slice3A_95 = vector.extract_strided_slice %or3A_22 {offsets = [0, 1152], sizes = [1024, 128], strides = [1, 1]} : vector<1024x4096xi32> to vector<1024x128xi32>
    %min3A_96 = arith.minsi %min3A_88, %slice3A_95 : vector<1024x128xi32>
    %max3A_97 = arith.maxsi %min3A_88, %slice3A_95 : vector<1024x128xi32>
    %min3A_98 = arith.minsi %min3A_90, %max3A_97 : vector<1024x128xi32>
    %max3A_99 = arith.maxsi %min3A_90, %max3A_97 : vector<1024x128xi32>
    %min3A_100 = arith.minsi %min3A_92, %max3A_99 : vector<1024x128xi32>
    %max3A_101 = arith.maxsi %min3A_92, %max3A_99 : vector<1024x128xi32>
    %min3A_102 = arith.minsi %min3A_94, %max3A_101 : vector<1024x128xi32>
    %slice3A_103 = vector.extract_strided_slice %or3A_22 {offsets = [0, 1280], sizes = [1024, 128], strides = [1, 1]} : vector<1024x4096xi32> to vector<1024x128xi32>
    %min3A_104 = arith.minsi %min3A_96, %slice3A_103 : vector<1024x128xi32>
    %max3A_105 = arith.maxsi %min3A_96, %slice3A_103 : vector<1024x128xi32>
    %min3A_106 = arith.minsi %min3A_98, %max3A_105 : vector<1024x128xi32>
    %max3A_107 = arith.maxsi %min3A_98, %max3A_105 : vector<1024x128xi32>
    %min3A_108 = arith.minsi %min3A_100, %max3A_107 : vector<1024x128xi32>
    %max3A_109 = arith.maxsi %min3A_100, %max3A_107 : vector<1024x128xi32>
    %min3A_110 = arith.minsi %min3A_102, %max3A_109 : vector<1024x128xi32>
    %slice3A_111 = vector.extract_strided_slice %or3A_22 {offsets = [0, 1408], sizes = [1024, 128], strides = [1, 1]} : vector<1024x4096xi32> to vector<1024x128xi32>
    %min3A_112 = arith.minsi %min3A_104, %slice3A_111 : vector<1024x128xi32>
    %max3A_113 = arith.maxsi %min3A_104, %slice3A_111 : vector<1024x128xi32>
    %min3A_114 = arith.minsi %min3A_106, %max3A_113 : vector<1024x128xi32>
    %max3A_115 = arith.maxsi %min3A_106, %max3A_113 : vector<1024x128xi32>
    %min3A_116 = arith.minsi %min3A_108, %max3A_115 : vector<1024x128xi32>
    %max3A_117 = arith.maxsi %min3A_108, %max3A_115 : vector<1024x128xi32>
    %min3A_118 = arith.minsi %min3A_110, %max3A_117 : vector<1024x128xi32>
    %slice3A_119 = vector.extract_strided_slice %or3A_22 {offsets = [0, 1536], sizes = [1024, 128], strides = [1, 1]} : vector<1024x4096xi32> to vector<1024x128xi32>
    %min3A_120 = arith.minsi %min3A_112, %slice3A_119 : vector<1024x128xi32>
    %max3A_121 = arith.maxsi %min3A_112, %slice3A_119 : vector<1024x128xi32>
    %min3A_122 = arith.minsi %min3A_114, %max3A_121 : vector<1024x128xi32>
    %max3A_123 = arith.maxsi %min3A_114, %max3A_121 : vector<1024x128xi32>
    %min3A_124 = arith.minsi %min3A_116, %max3A_123 : vector<1024x128xi32>
    %max3A_125 = arith.maxsi %min3A_116, %max3A_123 : vector<1024x128xi32>
    %min3A_126 = arith.minsi %min3A_118, %max3A_125 : vector<1024x128xi32>
    %slice3A_127 = vector.extract_strided_slice %or3A_22 {offsets = [0, 1664], sizes = [1024, 128], strides = [1, 1]} : vector<1024x4096xi32> to vector<1024x128xi32>
    %min3A_128 = arith.minsi %min3A_120, %slice3A_127 : vector<1024x128xi32>
    %max3A_129 = arith.maxsi %min3A_120, %slice3A_127 : vector<1024x128xi32>
    %min3A_130 = arith.minsi %min3A_122, %max3A_129 : vector<1024x128xi32>
    %max3A_131 = arith.maxsi %min3A_122, %max3A_129 : vector<1024x128xi32>
    %min3A_132 = arith.minsi %min3A_124, %max3A_131 : vector<1024x128xi32>
    %max3A_133 = arith.maxsi %min3A_124, %max3A_131 : vector<1024x128xi32>
    %min3A_134 = arith.minsi %min3A_126, %max3A_133 : vector<1024x128xi32>
    %slice3A_135 = vector.extract_strided_slice %or3A_22 {offsets = [0, 1792], sizes = [1024, 128], strides = [1, 1]} : vector<1024x4096xi32> to vector<1024x128xi32>
    %min3A_136 = arith.minsi %min3A_128, %slice3A_135 : vector<1024x128xi32>
    %max3A_137 = arith.maxsi %min3A_128, %slice3A_135 : vector<1024x128xi32>
    %min3A_138 = arith.minsi %min3A_130, %max3A_137 : vector<1024x128xi32>
    %max3A_139 = arith.maxsi %min3A_130, %max3A_137 : vector<1024x128xi32>
    %min3A_140 = arith.minsi %min3A_132, %max3A_139 : vector<1024x128xi32>
    %max3A_141 = arith.maxsi %min3A_132, %max3A_139 : vector<1024x128xi32>
    %min3A_142 = arith.minsi %min3A_134, %max3A_141 : vector<1024x128xi32>
    %slice3A_143 = vector.extract_strided_slice %or3A_22 {offsets = [0, 1920], sizes = [1024, 128], strides = [1, 1]} : vector<1024x4096xi32> to vector<1024x128xi32>
    %min3A_144 = arith.minsi %min3A_136, %slice3A_143 : vector<1024x128xi32>
    %max3A_145 = arith.maxsi %min3A_136, %slice3A_143 : vector<1024x128xi32>
    %min3A_146 = arith.minsi %min3A_138, %max3A_145 : vector<1024x128xi32>
    %max3A_147 = arith.maxsi %min3A_138, %max3A_145 : vector<1024x128xi32>
    %min3A_148 = arith.minsi %min3A_140, %max3A_147 : vector<1024x128xi32>
    %max3A_149 = arith.maxsi %min3A_140, %max3A_147 : vector<1024x128xi32>
    %min3A_150 = arith.minsi %min3A_142, %max3A_149 : vector<1024x128xi32>
    %slice3A_151 = vector.extract_strided_slice %or3A_22 {offsets = [0, 2048], sizes = [1024, 128], strides = [1, 1]} : vector<1024x4096xi32> to vector<1024x128xi32>
    %min3A_152 = arith.minsi %min3A_144, %slice3A_151 : vector<1024x128xi32>
    %max3A_153 = arith.maxsi %min3A_144, %slice3A_151 : vector<1024x128xi32>
    %min3A_154 = arith.minsi %min3A_146, %max3A_153 : vector<1024x128xi32>
    %max3A_155 = arith.maxsi %min3A_146, %max3A_153 : vector<1024x128xi32>
    %min3A_156 = arith.minsi %min3A_148, %max3A_155 : vector<1024x128xi32>
    %max3A_157 = arith.maxsi %min3A_148, %max3A_155 : vector<1024x128xi32>
    %min3A_158 = arith.minsi %min3A_150, %max3A_157 : vector<1024x128xi32>
    %slice3A_159 = vector.extract_strided_slice %or3A_22 {offsets = [0, 2176], sizes = [1024, 128], strides = [1, 1]} : vector<1024x4096xi32> to vector<1024x128xi32>
    %min3A_160 = arith.minsi %min3A_152, %slice3A_159 : vector<1024x128xi32>
    %max3A_161 = arith.maxsi %min3A_152, %slice3A_159 : vector<1024x128xi32>
    %min3A_162 = arith.minsi %min3A_154, %max3A_161 : vector<1024x128xi32>
    %max3A_163 = arith.maxsi %min3A_154, %max3A_161 : vector<1024x128xi32>
    %min3A_164 = arith.minsi %min3A_156, %max3A_163 : vector<1024x128xi32>
    %max3A_165 = arith.maxsi %min3A_156, %max3A_163 : vector<1024x128xi32>
    %min3A_166 = arith.minsi %min3A_158, %max3A_165 : vector<1024x128xi32>
    %slice3A_167 = vector.extract_strided_slice %or3A_22 {offsets = [0, 2304], sizes = [1024, 128], strides = [1, 1]} : vector<1024x4096xi32> to vector<1024x128xi32>
    %min3A_168 = arith.minsi %min3A_160, %slice3A_167 : vector<1024x128xi32>
    %max3A_169 = arith.maxsi %min3A_160, %slice3A_167 : vector<1024x128xi32>
    %min3A_170 = arith.minsi %min3A_162, %max3A_169 : vector<1024x128xi32>
    %max3A_171 = arith.maxsi %min3A_162, %max3A_169 : vector<1024x128xi32>
    %min3A_172 = arith.minsi %min3A_164, %max3A_171 : vector<1024x128xi32>
    %max3A_173 = arith.maxsi %min3A_164, %max3A_171 : vector<1024x128xi32>
    %min3A_174 = arith.minsi %min3A_166, %max3A_173 : vector<1024x128xi32>
    %slice3A_175 = vector.extract_strided_slice %or3A_22 {offsets = [0, 2432], sizes = [1024, 128], strides = [1, 1]} : vector<1024x4096xi32> to vector<1024x128xi32>
    %min3A_176 = arith.minsi %min3A_168, %slice3A_175 : vector<1024x128xi32>
    %max3A_177 = arith.maxsi %min3A_168, %slice3A_175 : vector<1024x128xi32>
    %min3A_178 = arith.minsi %min3A_170, %max3A_177 : vector<1024x128xi32>
    %max3A_179 = arith.maxsi %min3A_170, %max3A_177 : vector<1024x128xi32>
    %min3A_180 = arith.minsi %min3A_172, %max3A_179 : vector<1024x128xi32>
    %max3A_181 = arith.maxsi %min3A_172, %max3A_179 : vector<1024x128xi32>
    %min3A_182 = arith.minsi %min3A_174, %max3A_181 : vector<1024x128xi32>
    %slice3A_183 = vector.extract_strided_slice %or3A_22 {offsets = [0, 2560], sizes = [1024, 128], strides = [1, 1]} : vector<1024x4096xi32> to vector<1024x128xi32>
    %min3A_184 = arith.minsi %min3A_176, %slice3A_183 : vector<1024x128xi32>
    %max3A_185 = arith.maxsi %min3A_176, %slice3A_183 : vector<1024x128xi32>
    %min3A_186 = arith.minsi %min3A_178, %max3A_185 : vector<1024x128xi32>
    %max3A_187 = arith.maxsi %min3A_178, %max3A_185 : vector<1024x128xi32>
    %min3A_188 = arith.minsi %min3A_180, %max3A_187 : vector<1024x128xi32>
    %max3A_189 = arith.maxsi %min3A_180, %max3A_187 : vector<1024x128xi32>
    %min3A_190 = arith.minsi %min3A_182, %max3A_189 : vector<1024x128xi32>
    %slice3A_191 = vector.extract_strided_slice %or3A_22 {offsets = [0, 2688], sizes = [1024, 128], strides = [1, 1]} : vector<1024x4096xi32> to vector<1024x128xi32>
    %min3A_192 = arith.minsi %min3A_184, %slice3A_191 : vector<1024x128xi32>
    %max3A_193 = arith.maxsi %min3A_184, %slice3A_191 : vector<1024x128xi32>
    %min3A_194 = arith.minsi %min3A_186, %max3A_193 : vector<1024x128xi32>
    %max3A_195 = arith.maxsi %min3A_186, %max3A_193 : vector<1024x128xi32>
    %min3A_196 = arith.minsi %min3A_188, %max3A_195 : vector<1024x128xi32>
    %max3A_197 = arith.maxsi %min3A_188, %max3A_195 : vector<1024x128xi32>
    %min3A_198 = arith.minsi %min3A_190, %max3A_197 : vector<1024x128xi32>
    %slice3A_199 = vector.extract_strided_slice %or3A_22 {offsets = [0, 2816], sizes = [1024, 128], strides = [1, 1]} : vector<1024x4096xi32> to vector<1024x128xi32>
    %min3A_200 = arith.minsi %min3A_192, %slice3A_199 : vector<1024x128xi32>
    %max3A_201 = arith.maxsi %min3A_192, %slice3A_199 : vector<1024x128xi32>
    %min3A_202 = arith.minsi %min3A_194, %max3A_201 : vector<1024x128xi32>
    %max3A_203 = arith.maxsi %min3A_194, %max3A_201 : vector<1024x128xi32>
    %min3A_204 = arith.minsi %min3A_196, %max3A_203 : vector<1024x128xi32>
    %max3A_205 = arith.maxsi %min3A_196, %max3A_203 : vector<1024x128xi32>
    %min3A_206 = arith.minsi %min3A_198, %max3A_205 : vector<1024x128xi32>
    %slice3A_207 = vector.extract_strided_slice %or3A_22 {offsets = [0, 2944], sizes = [1024, 128], strides = [1, 1]} : vector<1024x4096xi32> to vector<1024x128xi32>
    %min3A_208 = arith.minsi %min3A_200, %slice3A_207 : vector<1024x128xi32>
    %max3A_209 = arith.maxsi %min3A_200, %slice3A_207 : vector<1024x128xi32>
    %min3A_210 = arith.minsi %min3A_202, %max3A_209 : vector<1024x128xi32>
    %max3A_211 = arith.maxsi %min3A_202, %max3A_209 : vector<1024x128xi32>
    %min3A_212 = arith.minsi %min3A_204, %max3A_211 : vector<1024x128xi32>
    %max3A_213 = arith.maxsi %min3A_204, %max3A_211 : vector<1024x128xi32>
    %min3A_214 = arith.minsi %min3A_206, %max3A_213 : vector<1024x128xi32>
    %slice3A_215 = vector.extract_strided_slice %or3A_22 {offsets = [0, 3072], sizes = [1024, 128], strides = [1, 1]} : vector<1024x4096xi32> to vector<1024x128xi32>
    %min3A_216 = arith.minsi %min3A_208, %slice3A_215 : vector<1024x128xi32>
    %max3A_217 = arith.maxsi %min3A_208, %slice3A_215 : vector<1024x128xi32>
    %min3A_218 = arith.minsi %min3A_210, %max3A_217 : vector<1024x128xi32>
    %max3A_219 = arith.maxsi %min3A_210, %max3A_217 : vector<1024x128xi32>
    %min3A_220 = arith.minsi %min3A_212, %max3A_219 : vector<1024x128xi32>
    %max3A_221 = arith.maxsi %min3A_212, %max3A_219 : vector<1024x128xi32>
    %min3A_222 = arith.minsi %min3A_214, %max3A_221 : vector<1024x128xi32>
    %slice3A_223 = vector.extract_strided_slice %or3A_22 {offsets = [0, 3200], sizes = [1024, 128], strides = [1, 1]} : vector<1024x4096xi32> to vector<1024x128xi32>
    %min3A_224 = arith.minsi %min3A_216, %slice3A_223 : vector<1024x128xi32>
    %max3A_225 = arith.maxsi %min3A_216, %slice3A_223 : vector<1024x128xi32>
    %min3A_226 = arith.minsi %min3A_218, %max3A_225 : vector<1024x128xi32>
    %max3A_227 = arith.maxsi %min3A_218, %max3A_225 : vector<1024x128xi32>
    %min3A_228 = arith.minsi %min3A_220, %max3A_227 : vector<1024x128xi32>
    %max3A_229 = arith.maxsi %min3A_220, %max3A_227 : vector<1024x128xi32>
    %min3A_230 = arith.minsi %min3A_222, %max3A_229 : vector<1024x128xi32>
    %slice3A_231 = vector.extract_strided_slice %or3A_22 {offsets = [0, 3328], sizes = [1024, 128], strides = [1, 1]} : vector<1024x4096xi32> to vector<1024x128xi32>
    %min3A_232 = arith.minsi %min3A_224, %slice3A_231 : vector<1024x128xi32>
    %max3A_233 = arith.maxsi %min3A_224, %slice3A_231 : vector<1024x128xi32>
    %min3A_234 = arith.minsi %min3A_226, %max3A_233 : vector<1024x128xi32>
    %max3A_235 = arith.maxsi %min3A_226, %max3A_233 : vector<1024x128xi32>
    %min3A_236 = arith.minsi %min3A_228, %max3A_235 : vector<1024x128xi32>
    %max3A_237 = arith.maxsi %min3A_228, %max3A_235 : vector<1024x128xi32>
    %min3A_238 = arith.minsi %min3A_230, %max3A_237 : vector<1024x128xi32>
    %slice3A_239 = vector.extract_strided_slice %or3A_22 {offsets = [0, 3456], sizes = [1024, 128], strides = [1, 1]} : vector<1024x4096xi32> to vector<1024x128xi32>
    %min3A_240 = arith.minsi %min3A_232, %slice3A_239 : vector<1024x128xi32>
    %max3A_241 = arith.maxsi %min3A_232, %slice3A_239 : vector<1024x128xi32>
    %min3A_242 = arith.minsi %min3A_234, %max3A_241 : vector<1024x128xi32>
    %max3A_243 = arith.maxsi %min3A_234, %max3A_241 : vector<1024x128xi32>
    %min3A_244 = arith.minsi %min3A_236, %max3A_243 : vector<1024x128xi32>
    %max3A_245 = arith.maxsi %min3A_236, %max3A_243 : vector<1024x128xi32>
    %min3A_246 = arith.minsi %min3A_238, %max3A_245 : vector<1024x128xi32>
    %slice3A_247 = vector.extract_strided_slice %or3A_22 {offsets = [0, 3584], sizes = [1024, 128], strides = [1, 1]} : vector<1024x4096xi32> to vector<1024x128xi32>
    %min3A_248 = arith.minsi %min3A_240, %slice3A_247 : vector<1024x128xi32>
    %max3A_249 = arith.maxsi %min3A_240, %slice3A_247 : vector<1024x128xi32>
    %min3A_250 = arith.minsi %min3A_242, %max3A_249 : vector<1024x128xi32>
    %max3A_251 = arith.maxsi %min3A_242, %max3A_249 : vector<1024x128xi32>
    %min3A_252 = arith.minsi %min3A_244, %max3A_251 : vector<1024x128xi32>
    %max3A_253 = arith.maxsi %min3A_244, %max3A_251 : vector<1024x128xi32>
    %min3A_254 = arith.minsi %min3A_246, %max3A_253 : vector<1024x128xi32>
    %slice3A_255 = vector.extract_strided_slice %or3A_22 {offsets = [0, 3712], sizes = [1024, 128], strides = [1, 1]} : vector<1024x4096xi32> to vector<1024x128xi32>
    %min3A_256 = arith.minsi %min3A_248, %slice3A_255 : vector<1024x128xi32>
    %max3A_257 = arith.maxsi %min3A_248, %slice3A_255 : vector<1024x128xi32>
    %min3A_258 = arith.minsi %min3A_250, %max3A_257 : vector<1024x128xi32>
    %max3A_259 = arith.maxsi %min3A_250, %max3A_257 : vector<1024x128xi32>
    %min3A_260 = arith.minsi %min3A_252, %max3A_259 : vector<1024x128xi32>
    %max3A_261 = arith.maxsi %min3A_252, %max3A_259 : vector<1024x128xi32>
    %min3A_262 = arith.minsi %min3A_254, %max3A_261 : vector<1024x128xi32>
    %slice3A_263 = vector.extract_strided_slice %or3A_22 {offsets = [0, 3840], sizes = [1024, 128], strides = [1, 1]} : vector<1024x4096xi32> to vector<1024x128xi32>
    %min3A_264 = arith.minsi %min3A_256, %slice3A_263 : vector<1024x128xi32>
    %max3A_265 = arith.maxsi %min3A_256, %slice3A_263 : vector<1024x128xi32>
    %min3A_266 = arith.minsi %min3A_258, %max3A_265 : vector<1024x128xi32>
    %max3A_267 = arith.maxsi %min3A_258, %max3A_265 : vector<1024x128xi32>
    %min3A_268 = arith.minsi %min3A_260, %max3A_267 : vector<1024x128xi32>
    %max3A_269 = arith.maxsi %min3A_260, %max3A_267 : vector<1024x128xi32>
    %min3A_270 = arith.minsi %min3A_262, %max3A_269 : vector<1024x128xi32>
    %slice3A_271 = vector.extract_strided_slice %or3A_22 {offsets = [0, 3968], sizes = [1024, 128], strides = [1, 1]} : vector<1024x4096xi32> to vector<1024x128xi32>
    %min3A_272 = arith.minsi %min3A_264, %slice3A_271 : vector<1024x128xi32>
    %max3A_273 = arith.maxsi %min3A_264, %slice3A_271 : vector<1024x128xi32>
    %min3A_274 = arith.minsi %min3A_266, %max3A_273 : vector<1024x128xi32>
    %max3A_275 = arith.maxsi %min3A_266, %max3A_273 : vector<1024x128xi32>
    %min3A_276 = arith.minsi %min3A_268, %max3A_275 : vector<1024x128xi32>
    %max3A_277 = arith.maxsi %min3A_268, %max3A_275 : vector<1024x128xi32>
    %min3A_278 = arith.minsi %min3A_270, %max3A_277 : vector<1024x128xi32>
    %iota3A_279 = tpu.iota {dimensions = array<i32: 1>} : vector<1x128xi32>
    %reduce_min3A = arith.constant dense<2147483647> : vector<1024xi32>
    %reduce_min3A_280 = vector.multi_reduction <minsi>, %min3A_272, %reduce_min3A [1] : vector<1024x128xi32> to vector<1024xi32>
    %broadcast_in_dim3A_281 = vector.shape_cast %reduce_min3A_280 : vector<1024xi32> to vector<1024x1xi32>
    %eq3A = vector.broadcast %broadcast_in_dim3A_281 : vector<1024x1xi32> to vector<1024x128xi32>
    %eq3A_282 = arith.cmpi eq, %min3A_272, %eq3A : vector<1024x128xi32>
    %jit3A = arith.constant 4096 : i32
    %broadcast_in_dim3A_283 = vector.shape_cast %iota3A_279 : vector<1x128xi32> to vector<1x128xi32>
    %broadcast_in_dim3A_284 = vector.broadcast %broadcast_in_dim3A_283 : vector<1x128xi32> to vector<1024x128xi32>
    %broadcast_in_dim3A_285 = vector.broadcast %jit3A : i32 to vector<1024x128xi32>
    %select_n3A = arith.select %eq3A_282, %broadcast_in_dim3A_284, %broadcast_in_dim3A_285 : vector<1024x128xi1>, vector<1024x128xi32>
    %reduce_min3A_286 = arith.constant dense<2147483647> : vector<1024xi32>
    %reduce_min3A_287 = vector.multi_reduction <minsi>, %select_n3A, %reduce_min3A_286 [1] : vector<1024x128xi32> to vector<1024xi32>
    %broadcast_in_dim3A_288 = vector.shape_cast %reduce_min3A_287 : vector<1024xi32> to vector<1024x1xi32>
    %eq3A_289 = vector.broadcast %iota3A_279 : vector<1x128xi32> to vector<1024x128xi32>
    %eq3A_290 = vector.broadcast %broadcast_in_dim3A_288 : vector<1024x1xi32> to vector<1024x128xi32>
    %eq3A_291 = arith.cmpi eq, %eq3A_289, %eq3A_290 : vector<1024x128xi32>
    %and3A_292 = arith.constant 31 : i32
    %and3A_293 = vector.broadcast %and3A_292 : i32 to vector<1024x1xi32>
    %and3A_294 = arith.andi %broadcast_in_dim3A_281, %and3A_293 : vector<1024x1xi32>
    %mul3A_295 = arith.constant 128 : i32
    %mul3A_296 = vector.broadcast %mul3A_295 : i32 to vector<1024x1xi32>
    %mul3A_297 = arith.muli %and3A_294, %mul3A_296 : vector<1024x1xi32>
    %add3A_298 = arith.addi %mul3A_297, %broadcast_in_dim3A_288 : vector<1024x1xi32>
    %select_n3A_299 = arith.select %eq3A_291, %min3A_274, %min3A_272 : vector<1024x128xi1>, vector<1024x128xi32>
    %select_n3A_300 = arith.select %eq3A_291, %min3A_276, %min3A_274 : vector<1024x128xi1>, vector<1024x128xi32>
    %select_n3A_301 = arith.select %eq3A_291, %min3A_278, %min3A_276 : vector<1024x128xi1>, vector<1024x128xi32>
    %jit3A_302 = arith.constant 2147483647 : i32
    %broadcast_in_dim3A_303 = vector.broadcast %jit3A_302 : i32 to vector<1024x128xi32>
    %select_n3A_304 = arith.select %eq3A_291, %broadcast_in_dim3A_303, %min3A_278 : vector<1024x128xi1>, vector<1024x128xi32>
    %reduce_min3A_305 = arith.constant dense<2147483647> : vector<1024xi32>
    %reduce_min3A_306 = vector.multi_reduction <minsi>, %select_n3A_299, %reduce_min3A_305 [1] : vector<1024x128xi32> to vector<1024xi32>
    %broadcast_in_dim3A_307 = vector.shape_cast %reduce_min3A_306 : vector<1024xi32> to vector<1024x1xi32>
    %eq3A_308 = vector.broadcast %broadcast_in_dim3A_307 : vector<1024x1xi32> to vector<1024x128xi32>
    %eq3A_309 = arith.cmpi eq, %select_n3A_299, %eq3A_308 : vector<1024x128xi32>
    %jit3A_310 = arith.constant 4096 : i32
    %broadcast_in_dim3A_311 = vector.shape_cast %iota3A_279 : vector<1x128xi32> to vector<1x128xi32>
    %broadcast_in_dim3A_312 = vector.broadcast %broadcast_in_dim3A_311 : vector<1x128xi32> to vector<1024x128xi32>
    %broadcast_in_dim3A_313 = vector.broadcast %jit3A_310 : i32 to vector<1024x128xi32>
    %select_n3A_314 = arith.select %eq3A_309, %broadcast_in_dim3A_312, %broadcast_in_dim3A_313 : vector<1024x128xi1>, vector<1024x128xi32>
    %reduce_min3A_315 = arith.constant dense<2147483647> : vector<1024xi32>
    %reduce_min3A_316 = vector.multi_reduction <minsi>, %select_n3A_314, %reduce_min3A_315 [1] : vector<1024x128xi32> to vector<1024xi32>
    %broadcast_in_dim3A_317 = vector.shape_cast %reduce_min3A_316 : vector<1024xi32> to vector<1024x1xi32>
    %eq3A_318 = vector.broadcast %iota3A_279 : vector<1x128xi32> to vector<1024x128xi32>
    %eq3A_319 = vector.broadcast %broadcast_in_dim3A_317 : vector<1024x1xi32> to vector<1024x128xi32>
    %eq3A_320 = arith.cmpi eq, %eq3A_318, %eq3A_319 : vector<1024x128xi32>
    %and3A_321 = arith.constant 31 : i32
    %and3A_322 = vector.broadcast %and3A_321 : i32 to vector<1024x1xi32>
    %and3A_323 = arith.andi %broadcast_in_dim3A_307, %and3A_322 : vector<1024x1xi32>
    %mul3A_324 = arith.constant 128 : i32
    %mul3A_325 = vector.broadcast %mul3A_324 : i32 to vector<1024x1xi32>
    %mul3A_326 = arith.muli %and3A_323, %mul3A_325 : vector<1024x1xi32>
    %add3A_327 = arith.addi %mul3A_326, %broadcast_in_dim3A_317 : vector<1024x1xi32>
    %select_n3A_328 = arith.select %eq3A_320, %select_n3A_300, %select_n3A_299 : vector<1024x128xi1>, vector<1024x128xi32>
    %select_n3A_329 = arith.select %eq3A_320, %select_n3A_301, %select_n3A_300 : vector<1024x128xi1>, vector<1024x128xi32>
    %select_n3A_330 = arith.select %eq3A_320, %select_n3A_304, %select_n3A_301 : vector<1024x128xi1>, vector<1024x128xi32>
    %jit3A_331 = arith.constant 2147483647 : i32
    %broadcast_in_dim3A_332 = vector.broadcast %jit3A_331 : i32 to vector<1024x128xi32>
    %select_n3A_333 = arith.select %eq3A_320, %broadcast_in_dim3A_332, %select_n3A_304 : vector<1024x128xi1>, vector<1024x128xi32>
    %reduce_min3A_334 = arith.constant dense<2147483647> : vector<1024xi32>
    %reduce_min3A_335 = vector.multi_reduction <minsi>, %select_n3A_328, %reduce_min3A_334 [1] : vector<1024x128xi32> to vector<1024xi32>
    %broadcast_in_dim3A_336 = vector.shape_cast %reduce_min3A_335 : vector<1024xi32> to vector<1024x1xi32>
    %eq3A_337 = vector.broadcast %broadcast_in_dim3A_336 : vector<1024x1xi32> to vector<1024x128xi32>
    %eq3A_338 = arith.cmpi eq, %select_n3A_328, %eq3A_337 : vector<1024x128xi32>
    %jit3A_339 = arith.constant 4096 : i32
    %broadcast_in_dim3A_340 = vector.shape_cast %iota3A_279 : vector<1x128xi32> to vector<1x128xi32>
    %broadcast_in_dim3A_341 = vector.broadcast %broadcast_in_dim3A_340 : vector<1x128xi32> to vector<1024x128xi32>
    %broadcast_in_dim3A_342 = vector.broadcast %jit3A_339 : i32 to vector<1024x128xi32>
    %select_n3A_343 = arith.select %eq3A_338, %broadcast_in_dim3A_341, %broadcast_in_dim3A_342 : vector<1024x128xi1>, vector<1024x128xi32>
    %reduce_min3A_344 = arith.constant dense<2147483647> : vector<1024xi32>
    %reduce_min3A_345 = vector.multi_reduction <minsi>, %select_n3A_343, %reduce_min3A_344 [1] : vector<1024x128xi32> to vector<1024xi32>
    %broadcast_in_dim3A_346 = vector.shape_cast %reduce_min3A_345 : vector<1024xi32> to vector<1024x1xi32>
    %eq3A_347 = vector.broadcast %iota3A_279 : vector<1x128xi32> to vector<1024x128xi32>
    %eq3A_348 = vector.broadcast %broadcast_in_dim3A_346 : vector<1024x1xi32> to vector<1024x128xi32>
    %eq3A_349 = arith.cmpi eq, %eq3A_347, %eq3A_348 : vector<1024x128xi32>
    %and3A_350 = arith.constant 31 : i32
    %and3A_351 = vector.broadcast %and3A_350 : i32 to vector<1024x1xi32>
    %and3A_352 = arith.andi %broadcast_in_dim3A_336, %and3A_351 : vector<1024x1xi32>
    %mul3A_353 = arith.constant 128 : i32
    %mul3A_354 = vector.broadcast %mul3A_353 : i32 to vector<1024x1xi32>
    %mul3A_355 = arith.muli %and3A_352, %mul3A_354 : vector<1024x1xi32>
    %add3A_356 = arith.addi %mul3A_355, %broadcast_in_dim3A_346 : vector<1024x1xi32>
    %select_n3A_357 = arith.select %eq3A_349, %select_n3A_329, %select_n3A_328 : vector<1024x128xi1>, vector<1024x128xi32>
    %select_n3A_358 = arith.select %eq3A_349, %select_n3A_330, %select_n3A_329 : vector<1024x128xi1>, vector<1024x128xi32>
    %select_n3A_359 = arith.select %eq3A_349, %select_n3A_333, %select_n3A_330 : vector<1024x128xi1>, vector<1024x128xi32>
    %jit3A_360 = arith.constant 2147483647 : i32
    %broadcast_in_dim3A_361 = vector.broadcast %jit3A_360 : i32 to vector<1024x128xi32>
    %select_n3A_362 = arith.select %eq3A_349, %broadcast_in_dim3A_361, %select_n3A_333 : vector<1024x128xi1>, vector<1024x128xi32>
    %reduce_min3A_363 = arith.constant dense<2147483647> : vector<1024xi32>
    %reduce_min3A_364 = vector.multi_reduction <minsi>, %select_n3A_357, %reduce_min3A_363 [1] : vector<1024x128xi32> to vector<1024xi32>
    %broadcast_in_dim3A_365 = vector.shape_cast %reduce_min3A_364 : vector<1024xi32> to vector<1024x1xi32>
    %eq3A_366 = vector.broadcast %broadcast_in_dim3A_365 : vector<1024x1xi32> to vector<1024x128xi32>
    %eq3A_367 = arith.cmpi eq, %select_n3A_357, %eq3A_366 : vector<1024x128xi32>
    %jit3A_368 = arith.constant 4096 : i32
    %broadcast_in_dim3A_369 = vector.shape_cast %iota3A_279 : vector<1x128xi32> to vector<1x128xi32>
    %broadcast_in_dim3A_370 = vector.broadcast %broadcast_in_dim3A_369 : vector<1x128xi32> to vector<1024x128xi32>
    %broadcast_in_dim3A_371 = vector.broadcast %jit3A_368 : i32 to vector<1024x128xi32>
    %select_n3A_372 = arith.select %eq3A_367, %broadcast_in_dim3A_370, %broadcast_in_dim3A_371 : vector<1024x128xi1>, vector<1024x128xi32>
    %reduce_min3A_373 = arith.constant dense<2147483647> : vector<1024xi32>
    %reduce_min3A_374 = vector.multi_reduction <minsi>, %select_n3A_372, %reduce_min3A_373 [1] : vector<1024x128xi32> to vector<1024xi32>
    %broadcast_in_dim3A_375 = vector.shape_cast %reduce_min3A_374 : vector<1024xi32> to vector<1024x1xi32>
    %eq3A_376 = vector.broadcast %iota3A_279 : vector<1x128xi32> to vector<1024x128xi32>
    %eq3A_377 = vector.broadcast %broadcast_in_dim3A_375 : vector<1024x1xi32> to vector<1024x128xi32>
    %eq3A_378 = arith.cmpi eq, %eq3A_376, %eq3A_377 : vector<1024x128xi32>
    %and3A_379 = arith.constant 31 : i32
    %and3A_380 = vector.broadcast %and3A_379 : i32 to vector<1024x1xi32>
    %and3A_381 = arith.andi %broadcast_in_dim3A_365, %and3A_380 : vector<1024x1xi32>
    %mul3A_382 = arith.constant 128 : i32
    %mul3A_383 = vector.broadcast %mul3A_382 : i32 to vector<1024x1xi32>
    %mul3A_384 = arith.muli %and3A_381, %mul3A_383 : vector<1024x1xi32>
    %add3A_385 = arith.addi %mul3A_384, %broadcast_in_dim3A_375 : vector<1024x1xi32>
    %select_n3A_386 = arith.select %eq3A_378, %select_n3A_358, %select_n3A_357 : vector<1024x128xi1>, vector<1024x128xi32>
    %select_n3A_387 = arith.select %eq3A_378, %select_n3A_359, %select_n3A_358 : vector<1024x128xi1>, vector<1024x128xi32>
    %select_n3A_388 = arith.select %eq3A_378, %select_n3A_362, %select_n3A_359 : vector<1024x128xi1>, vector<1024x128xi32>
    %jit3A_389 = arith.constant 2147483647 : i32
    %broadcast_in_dim3A_390 = vector.broadcast %jit3A_389 : i32 to vector<1024x128xi32>
    %select_n3A_391 = arith.select %eq3A_378, %broadcast_in_dim3A_390, %select_n3A_362 : vector<1024x128xi1>, vector<1024x128xi32>
    %reduce_min3A_392 = arith.constant dense<2147483647> : vector<1024xi32>
    %reduce_min3A_393 = vector.multi_reduction <minsi>, %select_n3A_386, %reduce_min3A_392 [1] : vector<1024x128xi32> to vector<1024xi32>
    %broadcast_in_dim3A_394 = vector.shape_cast %reduce_min3A_393 : vector<1024xi32> to vector<1024x1xi32>
    %eq3A_395 = vector.broadcast %broadcast_in_dim3A_394 : vector<1024x1xi32> to vector<1024x128xi32>
    %eq3A_396 = arith.cmpi eq, %select_n3A_386, %eq3A_395 : vector<1024x128xi32>
    %jit3A_397 = arith.constant 4096 : i32
    %broadcast_in_dim3A_398 = vector.shape_cast %iota3A_279 : vector<1x128xi32> to vector<1x128xi32>
    %broadcast_in_dim3A_399 = vector.broadcast %broadcast_in_dim3A_398 : vector<1x128xi32> to vector<1024x128xi32>
    %broadcast_in_dim3A_400 = vector.broadcast %jit3A_397 : i32 to vector<1024x128xi32>
    %select_n3A_401 = arith.select %eq3A_396, %broadcast_in_dim3A_399, %broadcast_in_dim3A_400 : vector<1024x128xi1>, vector<1024x128xi32>
    %reduce_min3A_402 = arith.constant dense<2147483647> : vector<1024xi32>
    %reduce_min3A_403 = vector.multi_reduction <minsi>, %select_n3A_401, %reduce_min3A_402 [1] : vector<1024x128xi32> to vector<1024xi32>
    %broadcast_in_dim3A_404 = vector.shape_cast %reduce_min3A_403 : vector<1024xi32> to vector<1024x1xi32>
    %eq3A_405 = vector.broadcast %iota3A_279 : vector<1x128xi32> to vector<1024x128xi32>
    %eq3A_406 = vector.broadcast %broadcast_in_dim3A_404 : vector<1024x1xi32> to vector<1024x128xi32>
    %eq3A_407 = arith.cmpi eq, %eq3A_405, %eq3A_406 : vector<1024x128xi32>
    %and3A_408 = arith.constant 31 : i32
    %and3A_409 = vector.broadcast %and3A_408 : i32 to vector<1024x1xi32>
    %and3A_410 = arith.andi %broadcast_in_dim3A_394, %and3A_409 : vector<1024x1xi32>
    %mul3A_411 = arith.constant 128 : i32
    %mul3A_412 = vector.broadcast %mul3A_411 : i32 to vector<1024x1xi32>
    %mul3A_413 = arith.muli %and3A_410, %mul3A_412 : vector<1024x1xi32>
    %add3A_414 = arith.addi %mul3A_413, %broadcast_in_dim3A_404 : vector<1024x1xi32>
    %select_n3A_415 = arith.select %eq3A_407, %select_n3A_387, %select_n3A_386 : vector<1024x128xi1>, vector<1024x128xi32>
    %select_n3A_416 = arith.select %eq3A_407, %select_n3A_388, %select_n3A_387 : vector<1024x128xi1>, vector<1024x128xi32>
    %select_n3A_417 = arith.select %eq3A_407, %select_n3A_391, %select_n3A_388 : vector<1024x128xi1>, vector<1024x128xi32>
    %jit3A_418 = arith.constant 2147483647 : i32
    %broadcast_in_dim3A_419 = vector.broadcast %jit3A_418 : i32 to vector<1024x128xi32>
    %select_n3A_420 = arith.select %eq3A_407, %broadcast_in_dim3A_419, %select_n3A_391 : vector<1024x128xi1>, vector<1024x128xi32>
    %reduce_min3A_421 = arith.constant dense<2147483647> : vector<1024xi32>
    %reduce_min3A_422 = vector.multi_reduction <minsi>, %select_n3A_415, %reduce_min3A_421 [1] : vector<1024x128xi32> to vector<1024xi32>
    %broadcast_in_dim3A_423 = vector.shape_cast %reduce_min3A_422 : vector<1024xi32> to vector<1024x1xi32>
    %eq3A_424 = vector.broadcast %broadcast_in_dim3A_423 : vector<1024x1xi32> to vector<1024x128xi32>
    %eq3A_425 = arith.cmpi eq, %select_n3A_415, %eq3A_424 : vector<1024x128xi32>
    %jit3A_426 = arith.constant 4096 : i32
    %broadcast_in_dim3A_427 = vector.shape_cast %iota3A_279 : vector<1x128xi32> to vector<1x128xi32>
    %broadcast_in_dim3A_428 = vector.broadcast %broadcast_in_dim3A_427 : vector<1x128xi32> to vector<1024x128xi32>
    %broadcast_in_dim3A_429 = vector.broadcast %jit3A_426 : i32 to vector<1024x128xi32>
    %select_n3A_430 = arith.select %eq3A_425, %broadcast_in_dim3A_428, %broadcast_in_dim3A_429 : vector<1024x128xi1>, vector<1024x128xi32>
    %reduce_min3A_431 = arith.constant dense<2147483647> : vector<1024xi32>
    %reduce_min3A_432 = vector.multi_reduction <minsi>, %select_n3A_430, %reduce_min3A_431 [1] : vector<1024x128xi32> to vector<1024xi32>
    %broadcast_in_dim3A_433 = vector.shape_cast %reduce_min3A_432 : vector<1024xi32> to vector<1024x1xi32>
    %eq3A_434 = vector.broadcast %iota3A_279 : vector<1x128xi32> to vector<1024x128xi32>
    %eq3A_435 = vector.broadcast %broadcast_in_dim3A_433 : vector<1024x1xi32> to vector<1024x128xi32>
    %eq3A_436 = arith.cmpi eq, %eq3A_434, %eq3A_435 : vector<1024x128xi32>
    %and3A_437 = arith.constant 31 : i32
    %and3A_438 = vector.broadcast %and3A_437 : i32 to vector<1024x1xi32>
    %and3A_439 = arith.andi %broadcast_in_dim3A_423, %and3A_438 : vector<1024x1xi32>
    %mul3A_440 = arith.constant 128 : i32
    %mul3A_441 = vector.broadcast %mul3A_440 : i32 to vector<1024x1xi32>
    %mul3A_442 = arith.muli %and3A_439, %mul3A_441 : vector<1024x1xi32>
    %add3A_443 = arith.addi %mul3A_442, %broadcast_in_dim3A_433 : vector<1024x1xi32>
    %select_n3A_444 = arith.select %eq3A_436, %select_n3A_416, %select_n3A_415 : vector<1024x128xi1>, vector<1024x128xi32>
    %select_n3A_445 = arith.select %eq3A_436, %select_n3A_417, %select_n3A_416 : vector<1024x128xi1>, vector<1024x128xi32>
    %select_n3A_446 = arith.select %eq3A_436, %select_n3A_420, %select_n3A_417 : vector<1024x128xi1>, vector<1024x128xi32>
    %jit3A_447 = arith.constant 2147483647 : i32
    %broadcast_in_dim3A_448 = vector.broadcast %jit3A_447 : i32 to vector<1024x128xi32>
    %select_n3A_449 = arith.select %eq3A_436, %broadcast_in_dim3A_448, %select_n3A_420 : vector<1024x128xi1>, vector<1024x128xi32>
    %reduce_min3A_450 = arith.constant dense<2147483647> : vector<1024xi32>
    %reduce_min3A_451 = vector.multi_reduction <minsi>, %select_n3A_444, %reduce_min3A_450 [1] : vector<1024x128xi32> to vector<1024xi32>
    %broadcast_in_dim3A_452 = vector.shape_cast %reduce_min3A_451 : vector<1024xi32> to vector<1024x1xi32>
    %eq3A_453 = vector.broadcast %broadcast_in_dim3A_452 : vector<1024x1xi32> to vector<1024x128xi32>
    %eq3A_454 = arith.cmpi eq, %select_n3A_444, %eq3A_453 : vector<1024x128xi32>
    %jit3A_455 = arith.constant 4096 : i32
    %broadcast_in_dim3A_456 = vector.shape_cast %iota3A_279 : vector<1x128xi32> to vector<1x128xi32>
    %broadcast_in_dim3A_457 = vector.broadcast %broadcast_in_dim3A_456 : vector<1x128xi32> to vector<1024x128xi32>
    %broadcast_in_dim3A_458 = vector.broadcast %jit3A_455 : i32 to vector<1024x128xi32>
    %select_n3A_459 = arith.select %eq3A_454, %broadcast_in_dim3A_457, %broadcast_in_dim3A_458 : vector<1024x128xi1>, vector<1024x128xi32>
    %reduce_min3A_460 = arith.constant dense<2147483647> : vector<1024xi32>
    %reduce_min3A_461 = vector.multi_reduction <minsi>, %select_n3A_459, %reduce_min3A_460 [1] : vector<1024x128xi32> to vector<1024xi32>
    %broadcast_in_dim3A_462 = vector.shape_cast %reduce_min3A_461 : vector<1024xi32> to vector<1024x1xi32>
    %eq3A_463 = vector.broadcast %iota3A_279 : vector<1x128xi32> to vector<1024x128xi32>
    %eq3A_464 = vector.broadcast %broadcast_in_dim3A_462 : vector<1024x1xi32> to vector<1024x128xi32>
    %eq3A_465 = arith.cmpi eq, %eq3A_463, %eq3A_464 : vector<1024x128xi32>
    %and3A_466 = arith.constant 31 : i32
    %and3A_467 = vector.broadcast %and3A_466 : i32 to vector<1024x1xi32>
    %and3A_468 = arith.andi %broadcast_in_dim3A_452, %and3A_467 : vector<1024x1xi32>
    %mul3A_469 = arith.constant 128 : i32
    %mul3A_470 = vector.broadcast %mul3A_469 : i32 to vector<1024x1xi32>
    %mul3A_471 = arith.muli %and3A_468, %mul3A_470 : vector<1024x1xi32>
    %add3A_472 = arith.addi %mul3A_471, %broadcast_in_dim3A_462 : vector<1024x1xi32>
    %select_n3A_473 = arith.select %eq3A_465, %select_n3A_445, %select_n3A_444 : vector<1024x128xi1>, vector<1024x128xi32>
    %select_n3A_474 = arith.select %eq3A_465, %select_n3A_446, %select_n3A_445 : vector<1024x128xi1>, vector<1024x128xi32>
    %select_n3A_475 = arith.select %eq3A_465, %select_n3A_449, %select_n3A_446 : vector<1024x128xi1>, vector<1024x128xi32>
    %jit3A_476 = arith.constant 2147483647 : i32
    %broadcast_in_dim3A_477 = vector.broadcast %jit3A_476 : i32 to vector<1024x128xi32>
    %select_n3A_478 = arith.select %eq3A_465, %broadcast_in_dim3A_477, %select_n3A_449 : vector<1024x128xi1>, vector<1024x128xi32>
    %reduce_min3A_479 = arith.constant dense<2147483647> : vector<1024xi32>
    %reduce_min3A_480 = vector.multi_reduction <minsi>, %select_n3A_473, %reduce_min3A_479 [1] : vector<1024x128xi32> to vector<1024xi32>
    %broadcast_in_dim3A_481 = vector.shape_cast %reduce_min3A_480 : vector<1024xi32> to vector<1024x1xi32>
    %eq3A_482 = vector.broadcast %broadcast_in_dim3A_481 : vector<1024x1xi32> to vector<1024x128xi32>
    %eq3A_483 = arith.cmpi eq, %select_n3A_473, %eq3A_482 : vector<1024x128xi32>
    %jit3A_484 = arith.constant 4096 : i32
    %broadcast_in_dim3A_485 = vector.shape_cast %iota3A_279 : vector<1x128xi32> to vector<1x128xi32>
    %broadcast_in_dim3A_486 = vector.broadcast %broadcast_in_dim3A_485 : vector<1x128xi32> to vector<1024x128xi32>
    %broadcast_in_dim3A_487 = vector.broadcast %jit3A_484 : i32 to vector<1024x128xi32>
    %select_n3A_488 = arith.select %eq3A_483, %broadcast_in_dim3A_486, %broadcast_in_dim3A_487 : vector<1024x128xi1>, vector<1024x128xi32>
    %reduce_min3A_489 = arith.constant dense<2147483647> : vector<1024xi32>
    %reduce_min3A_490 = vector.multi_reduction <minsi>, %select_n3A_488, %reduce_min3A_489 [1] : vector<1024x128xi32> to vector<1024xi32>
    %broadcast_in_dim3A_491 = vector.shape_cast %reduce_min3A_490 : vector<1024xi32> to vector<1024x1xi32>
    %eq3A_492 = vector.broadcast %iota3A_279 : vector<1x128xi32> to vector<1024x128xi32>
    %eq3A_493 = vector.broadcast %broadcast_in_dim3A_491 : vector<1024x1xi32> to vector<1024x128xi32>
    %eq3A_494 = arith.cmpi eq, %eq3A_492, %eq3A_493 : vector<1024x128xi32>
    %and3A_495 = arith.constant 31 : i32
    %and3A_496 = vector.broadcast %and3A_495 : i32 to vector<1024x1xi32>
    %and3A_497 = arith.andi %broadcast_in_dim3A_481, %and3A_496 : vector<1024x1xi32>
    %mul3A_498 = arith.constant 128 : i32
    %mul3A_499 = vector.broadcast %mul3A_498 : i32 to vector<1024x1xi32>
    %mul3A_500 = arith.muli %and3A_497, %mul3A_499 : vector<1024x1xi32>
    %add3A_501 = arith.addi %mul3A_500, %broadcast_in_dim3A_491 : vector<1024x1xi32>
    %select_n3A_502 = arith.select %eq3A_494, %select_n3A_474, %select_n3A_473 : vector<1024x128xi1>, vector<1024x128xi32>
    %select_n3A_503 = arith.select %eq3A_494, %select_n3A_475, %select_n3A_474 : vector<1024x128xi1>, vector<1024x128xi32>
    %select_n3A_504 = arith.select %eq3A_494, %select_n3A_478, %select_n3A_475 : vector<1024x128xi1>, vector<1024x128xi32>
    %jit3A_505 = arith.constant 2147483647 : i32
    %broadcast_in_dim3A_506 = vector.broadcast %jit3A_505 : i32 to vector<1024x128xi32>
    %select_n3A_507 = arith.select %eq3A_494, %broadcast_in_dim3A_506, %select_n3A_478 : vector<1024x128xi1>, vector<1024x128xi32>
    %reduce_min3A_508 = arith.constant dense<2147483647> : vector<1024xi32>
    %reduce_min3A_509 = vector.multi_reduction <minsi>, %select_n3A_502, %reduce_min3A_508 [1] : vector<1024x128xi32> to vector<1024xi32>
    %broadcast_in_dim3A_510 = vector.shape_cast %reduce_min3A_509 : vector<1024xi32> to vector<1024x1xi32>
    %eq3A_511 = vector.broadcast %broadcast_in_dim3A_510 : vector<1024x1xi32> to vector<1024x128xi32>
    %eq3A_512 = arith.cmpi eq, %select_n3A_502, %eq3A_511 : vector<1024x128xi32>
    %jit3A_513 = arith.constant 4096 : i32
    %broadcast_in_dim3A_514 = vector.shape_cast %iota3A_279 : vector<1x128xi32> to vector<1x128xi32>
    %broadcast_in_dim3A_515 = vector.broadcast %broadcast_in_dim3A_514 : vector<1x128xi32> to vector<1024x128xi32>
    %broadcast_in_dim3A_516 = vector.broadcast %jit3A_513 : i32 to vector<1024x128xi32>
    %select_n3A_517 = arith.select %eq3A_512, %broadcast_in_dim3A_515, %broadcast_in_dim3A_516 : vector<1024x128xi1>, vector<1024x128xi32>
    %reduce_min3A_518 = arith.constant dense<2147483647> : vector<1024xi32>
    %reduce_min3A_519 = vector.multi_reduction <minsi>, %select_n3A_517, %reduce_min3A_518 [1] : vector<1024x128xi32> to vector<1024xi32>
    %broadcast_in_dim3A_520 = vector.shape_cast %reduce_min3A_519 : vector<1024xi32> to vector<1024x1xi32>
    %eq3A_521 = vector.broadcast %iota3A_279 : vector<1x128xi32> to vector<1024x128xi32>
    %eq3A_522 = vector.broadcast %broadcast_in_dim3A_520 : vector<1024x1xi32> to vector<1024x128xi32>
    %eq3A_523 = arith.cmpi eq, %eq3A_521, %eq3A_522 : vector<1024x128xi32>
    %and3A_524 = arith.constant 31 : i32
    %and3A_525 = vector.broadcast %and3A_524 : i32 to vector<1024x1xi32>
    %and3A_526 = arith.andi %broadcast_in_dim3A_510, %and3A_525 : vector<1024x1xi32>
    %mul3A_527 = arith.constant 128 : i32
    %mul3A_528 = vector.broadcast %mul3A_527 : i32 to vector<1024x1xi32>
    %mul3A_529 = arith.muli %and3A_526, %mul3A_528 : vector<1024x1xi32>
    %add3A_530 = arith.addi %mul3A_529, %broadcast_in_dim3A_520 : vector<1024x1xi32>
    %select_n3A_531 = arith.select %eq3A_523, %select_n3A_503, %select_n3A_502 : vector<1024x128xi1>, vector<1024x128xi32>
    %select_n3A_532 = arith.select %eq3A_523, %select_n3A_504, %select_n3A_503 : vector<1024x128xi1>, vector<1024x128xi32>
    %select_n3A_533 = arith.select %eq3A_523, %select_n3A_507, %select_n3A_504 : vector<1024x128xi1>, vector<1024x128xi32>
    %jit3A_534 = arith.constant 2147483647 : i32
    %broadcast_in_dim3A_535 = vector.broadcast %jit3A_534 : i32 to vector<1024x128xi32>
    %select_n3A_536 = arith.select %eq3A_523, %broadcast_in_dim3A_535, %select_n3A_507 : vector<1024x128xi1>, vector<1024x128xi32>
    %reduce_min3A_537 = arith.constant dense<2147483647> : vector<1024xi32>
    %reduce_min3A_538 = vector.multi_reduction <minsi>, %select_n3A_531, %reduce_min3A_537 [1] : vector<1024x128xi32> to vector<1024xi32>
    %broadcast_in_dim3A_539 = vector.shape_cast %reduce_min3A_538 : vector<1024xi32> to vector<1024x1xi32>
    %eq3A_540 = vector.broadcast %broadcast_in_dim3A_539 : vector<1024x1xi32> to vector<1024x128xi32>
    %eq3A_541 = arith.cmpi eq, %select_n3A_531, %eq3A_540 : vector<1024x128xi32>
    %jit3A_542 = arith.constant 4096 : i32
    %broadcast_in_dim3A_543 = vector.shape_cast %iota3A_279 : vector<1x128xi32> to vector<1x128xi32>
    %broadcast_in_dim3A_544 = vector.broadcast %broadcast_in_dim3A_543 : vector<1x128xi32> to vector<1024x128xi32>
    %broadcast_in_dim3A_545 = vector.broadcast %jit3A_542 : i32 to vector<1024x128xi32>
    %select_n3A_546 = arith.select %eq3A_541, %broadcast_in_dim3A_544, %broadcast_in_dim3A_545 : vector<1024x128xi1>, vector<1024x128xi32>
    %reduce_min3A_547 = arith.constant dense<2147483647> : vector<1024xi32>
    %reduce_min3A_548 = vector.multi_reduction <minsi>, %select_n3A_546, %reduce_min3A_547 [1] : vector<1024x128xi32> to vector<1024xi32>
    %broadcast_in_dim3A_549 = vector.shape_cast %reduce_min3A_548 : vector<1024xi32> to vector<1024x1xi32>
    %eq3A_550 = vector.broadcast %iota3A_279 : vector<1x128xi32> to vector<1024x128xi32>
    %eq3A_551 = vector.broadcast %broadcast_in_dim3A_549 : vector<1024x1xi32> to vector<1024x128xi32>
    %eq3A_552 = arith.cmpi eq, %eq3A_550, %eq3A_551 : vector<1024x128xi32>
    %and3A_553 = arith.constant 31 : i32
    %and3A_554 = vector.broadcast %and3A_553 : i32 to vector<1024x1xi32>
    %and3A_555 = arith.andi %broadcast_in_dim3A_539, %and3A_554 : vector<1024x1xi32>
    %mul3A_556 = arith.constant 128 : i32
    %mul3A_557 = vector.broadcast %mul3A_556 : i32 to vector<1024x1xi32>
    %mul3A_558 = arith.muli %and3A_555, %mul3A_557 : vector<1024x1xi32>
    %add3A_559 = arith.addi %mul3A_558, %broadcast_in_dim3A_549 : vector<1024x1xi32>
    %select_n3A_560 = arith.select %eq3A_552, %select_n3A_532, %select_n3A_531 : vector<1024x128xi1>, vector<1024x128xi32>
    %select_n3A_561 = arith.select %eq3A_552, %select_n3A_533, %select_n3A_532 : vector<1024x128xi1>, vector<1024x128xi32>
    %select_n3A_562 = arith.select %eq3A_552, %select_n3A_536, %select_n3A_533 : vector<1024x128xi1>, vector<1024x128xi32>
    %jit3A_563 = arith.constant 2147483647 : i32
    %broadcast_in_dim3A_564 = vector.broadcast %jit3A_563 : i32 to vector<1024x128xi32>
    %select_n3A_565 = arith.select %eq3A_552, %broadcast_in_dim3A_564, %select_n3A_536 : vector<1024x128xi1>, vector<1024x128xi32>
    %reduce_min3A_566 = arith.constant dense<2147483647> : vector<1024xi32>
    %reduce_min3A_567 = vector.multi_reduction <minsi>, %select_n3A_560, %reduce_min3A_566 [1] : vector<1024x128xi32> to vector<1024xi32>
    %broadcast_in_dim3A_568 = vector.shape_cast %reduce_min3A_567 : vector<1024xi32> to vector<1024x1xi32>
    %eq3A_569 = vector.broadcast %broadcast_in_dim3A_568 : vector<1024x1xi32> to vector<1024x128xi32>
    %eq3A_570 = arith.cmpi eq, %select_n3A_560, %eq3A_569 : vector<1024x128xi32>
    %jit3A_571 = arith.constant 4096 : i32
    %broadcast_in_dim3A_572 = vector.shape_cast %iota3A_279 : vector<1x128xi32> to vector<1x128xi32>
    %broadcast_in_dim3A_573 = vector.broadcast %broadcast_in_dim3A_572 : vector<1x128xi32> to vector<1024x128xi32>
    %broadcast_in_dim3A_574 = vector.broadcast %jit3A_571 : i32 to vector<1024x128xi32>
    %select_n3A_575 = arith.select %eq3A_570, %broadcast_in_dim3A_573, %broadcast_in_dim3A_574 : vector<1024x128xi1>, vector<1024x128xi32>
    %reduce_min3A_576 = arith.constant dense<2147483647> : vector<1024xi32>
    %reduce_min3A_577 = vector.multi_reduction <minsi>, %select_n3A_575, %reduce_min3A_576 [1] : vector<1024x128xi32> to vector<1024xi32>
    %broadcast_in_dim3A_578 = vector.shape_cast %reduce_min3A_577 : vector<1024xi32> to vector<1024x1xi32>
    %eq3A_579 = vector.broadcast %iota3A_279 : vector<1x128xi32> to vector<1024x128xi32>
    %eq3A_580 = vector.broadcast %broadcast_in_dim3A_578 : vector<1024x1xi32> to vector<1024x128xi32>
    %eq3A_581 = arith.cmpi eq, %eq3A_579, %eq3A_580 : vector<1024x128xi32>
    %and3A_582 = arith.constant 31 : i32
    %and3A_583 = vector.broadcast %and3A_582 : i32 to vector<1024x1xi32>
    %and3A_584 = arith.andi %broadcast_in_dim3A_568, %and3A_583 : vector<1024x1xi32>
    %mul3A_585 = arith.constant 128 : i32
    %mul3A_586 = vector.broadcast %mul3A_585 : i32 to vector<1024x1xi32>
    %mul3A_587 = arith.muli %and3A_584, %mul3A_586 : vector<1024x1xi32>
    %add3A_588 = arith.addi %mul3A_587, %broadcast_in_dim3A_578 : vector<1024x1xi32>
    %select_n3A_589 = arith.select %eq3A_581, %select_n3A_561, %select_n3A_560 : vector<1024x128xi1>, vector<1024x128xi32>
    %select_n3A_590 = arith.select %eq3A_581, %select_n3A_562, %select_n3A_561 : vector<1024x128xi1>, vector<1024x128xi32>
    %select_n3A_591 = arith.select %eq3A_581, %select_n3A_565, %select_n3A_562 : vector<1024x128xi1>, vector<1024x128xi32>
    %jit3A_592 = arith.constant 2147483647 : i32
    %broadcast_in_dim3A_593 = vector.broadcast %jit3A_592 : i32 to vector<1024x128xi32>
    %select_n3A_594 = arith.select %eq3A_581, %broadcast_in_dim3A_593, %select_n3A_565 : vector<1024x128xi1>, vector<1024x128xi32>
    %reduce_min3A_595 = arith.constant dense<2147483647> : vector<1024xi32>
    %reduce_min3A_596 = vector.multi_reduction <minsi>, %select_n3A_589, %reduce_min3A_595 [1] : vector<1024x128xi32> to vector<1024xi32>
    %broadcast_in_dim3A_597 = vector.shape_cast %reduce_min3A_596 : vector<1024xi32> to vector<1024x1xi32>
    %eq3A_598 = vector.broadcast %broadcast_in_dim3A_597 : vector<1024x1xi32> to vector<1024x128xi32>
    %eq3A_599 = arith.cmpi eq, %select_n3A_589, %eq3A_598 : vector<1024x128xi32>
    %jit3A_600 = arith.constant 4096 : i32
    %broadcast_in_dim3A_601 = vector.shape_cast %iota3A_279 : vector<1x128xi32> to vector<1x128xi32>
    %broadcast_in_dim3A_602 = vector.broadcast %broadcast_in_dim3A_601 : vector<1x128xi32> to vector<1024x128xi32>
    %broadcast_in_dim3A_603 = vector.broadcast %jit3A_600 : i32 to vector<1024x128xi32>
    %select_n3A_604 = arith.select %eq3A_599, %broadcast_in_dim3A_602, %broadcast_in_dim3A_603 : vector<1024x128xi1>, vector<1024x128xi32>
    %reduce_min3A_605 = arith.constant dense<2147483647> : vector<1024xi32>
    %reduce_min3A_606 = vector.multi_reduction <minsi>, %select_n3A_604, %reduce_min3A_605 [1] : vector<1024x128xi32> to vector<1024xi32>
    %broadcast_in_dim3A_607 = vector.shape_cast %reduce_min3A_606 : vector<1024xi32> to vector<1024x1xi32>
    %eq3A_608 = vector.broadcast %iota3A_279 : vector<1x128xi32> to vector<1024x128xi32>
    %eq3A_609 = vector.broadcast %broadcast_in_dim3A_607 : vector<1024x1xi32> to vector<1024x128xi32>
    %eq3A_610 = arith.cmpi eq, %eq3A_608, %eq3A_609 : vector<1024x128xi32>
    %and3A_611 = arith.constant 31 : i32
    %and3A_612 = vector.broadcast %and3A_611 : i32 to vector<1024x1xi32>
    %and3A_613 = arith.andi %broadcast_in_dim3A_597, %and3A_612 : vector<1024x1xi32>
    %mul3A_614 = arith.constant 128 : i32
    %mul3A_615 = vector.broadcast %mul3A_614 : i32 to vector<1024x1xi32>
    %mul3A_616 = arith.muli %and3A_613, %mul3A_615 : vector<1024x1xi32>
    %add3A_617 = arith.addi %mul3A_616, %broadcast_in_dim3A_607 : vector<1024x1xi32>
    %select_n3A_618 = arith.select %eq3A_610, %select_n3A_590, %select_n3A_589 : vector<1024x128xi1>, vector<1024x128xi32>
    %select_n3A_619 = arith.select %eq3A_610, %select_n3A_591, %select_n3A_590 : vector<1024x128xi1>, vector<1024x128xi32>
    %select_n3A_620 = arith.select %eq3A_610, %select_n3A_594, %select_n3A_591 : vector<1024x128xi1>, vector<1024x128xi32>
    %jit3A_621 = arith.constant 2147483647 : i32
    %broadcast_in_dim3A_622 = vector.broadcast %jit3A_621 : i32 to vector<1024x128xi32>
    %select_n3A_623 = arith.select %eq3A_610, %broadcast_in_dim3A_622, %select_n3A_594 : vector<1024x128xi1>, vector<1024x128xi32>
    %reduce_min3A_624 = arith.constant dense<2147483647> : vector<1024xi32>
    %reduce_min3A_625 = vector.multi_reduction <minsi>, %select_n3A_618, %reduce_min3A_624 [1] : vector<1024x128xi32> to vector<1024xi32>
    %broadcast_in_dim3A_626 = vector.shape_cast %reduce_min3A_625 : vector<1024xi32> to vector<1024x1xi32>
    %eq3A_627 = vector.broadcast %broadcast_in_dim3A_626 : vector<1024x1xi32> to vector<1024x128xi32>
    %eq3A_628 = arith.cmpi eq, %select_n3A_618, %eq3A_627 : vector<1024x128xi32>
    %jit3A_629 = arith.constant 4096 : i32
    %broadcast_in_dim3A_630 = vector.shape_cast %iota3A_279 : vector<1x128xi32> to vector<1x128xi32>
    %broadcast_in_dim3A_631 = vector.broadcast %broadcast_in_dim3A_630 : vector<1x128xi32> to vector<1024x128xi32>
    %broadcast_in_dim3A_632 = vector.broadcast %jit3A_629 : i32 to vector<1024x128xi32>
    %select_n3A_633 = arith.select %eq3A_628, %broadcast_in_dim3A_631, %broadcast_in_dim3A_632 : vector<1024x128xi1>, vector<1024x128xi32>
    %reduce_min3A_634 = arith.constant dense<2147483647> : vector<1024xi32>
    %reduce_min3A_635 = vector.multi_reduction <minsi>, %select_n3A_633, %reduce_min3A_634 [1] : vector<1024x128xi32> to vector<1024xi32>
    %broadcast_in_dim3A_636 = vector.shape_cast %reduce_min3A_635 : vector<1024xi32> to vector<1024x1xi32>
    %eq3A_637 = vector.broadcast %iota3A_279 : vector<1x128xi32> to vector<1024x128xi32>
    %eq3A_638 = vector.broadcast %broadcast_in_dim3A_636 : vector<1024x1xi32> to vector<1024x128xi32>
    %eq3A_639 = arith.cmpi eq, %eq3A_637, %eq3A_638 : vector<1024x128xi32>
    %and3A_640 = arith.constant 31 : i32
    %and3A_641 = vector.broadcast %and3A_640 : i32 to vector<1024x1xi32>
    %and3A_642 = arith.andi %broadcast_in_dim3A_626, %and3A_641 : vector<1024x1xi32>
    %mul3A_643 = arith.constant 128 : i32
    %mul3A_644 = vector.broadcast %mul3A_643 : i32 to vector<1024x1xi32>
    %mul3A_645 = arith.muli %and3A_642, %mul3A_644 : vector<1024x1xi32>
    %add3A_646 = arith.addi %mul3A_645, %broadcast_in_dim3A_636 : vector<1024x1xi32>
    %select_n3A_647 = arith.select %eq3A_639, %select_n3A_619, %select_n3A_618 : vector<1024x128xi1>, vector<1024x128xi32>
    %select_n3A_648 = arith.select %eq3A_639, %select_n3A_620, %select_n3A_619 : vector<1024x128xi1>, vector<1024x128xi32>
    %select_n3A_649 = arith.select %eq3A_639, %select_n3A_623, %select_n3A_620 : vector<1024x128xi1>, vector<1024x128xi32>
    %reduce_min3A_650 = arith.constant dense<2147483647> : vector<1024xi32>
    %reduce_min3A_651 = vector.multi_reduction <minsi>, %select_n3A_647, %reduce_min3A_650 [1] : vector<1024x128xi32> to vector<1024xi32>
    %broadcast_in_dim3A_652 = vector.shape_cast %reduce_min3A_651 : vector<1024xi32> to vector<1024x1xi32>
    %eq3A_653 = vector.broadcast %broadcast_in_dim3A_652 : vector<1024x1xi32> to vector<1024x128xi32>
    %eq3A_654 = arith.cmpi eq, %select_n3A_647, %eq3A_653 : vector<1024x128xi32>
    %jit3A_655 = arith.constant 4096 : i32
    %broadcast_in_dim3A_656 = vector.shape_cast %iota3A_279 : vector<1x128xi32> to vector<1x128xi32>
    %broadcast_in_dim3A_657 = vector.broadcast %broadcast_in_dim3A_656 : vector<1x128xi32> to vector<1024x128xi32>
    %broadcast_in_dim3A_658 = vector.broadcast %jit3A_655 : i32 to vector<1024x128xi32>
    %select_n3A_659 = arith.select %eq3A_654, %broadcast_in_dim3A_657, %broadcast_in_dim3A_658 : vector<1024x128xi1>, vector<1024x128xi32>
    %reduce_min3A_660 = arith.constant dense<2147483647> : vector<1024xi32>
    %reduce_min3A_661 = vector.multi_reduction <minsi>, %select_n3A_659, %reduce_min3A_660 [1] : vector<1024x128xi32> to vector<1024xi32>
    %broadcast_in_dim3A_662 = vector.shape_cast %reduce_min3A_661 : vector<1024xi32> to vector<1024x1xi32>
    %eq3A_663 = vector.broadcast %iota3A_279 : vector<1x128xi32> to vector<1024x128xi32>
    %eq3A_664 = vector.broadcast %broadcast_in_dim3A_662 : vector<1024x1xi32> to vector<1024x128xi32>
    %eq3A_665 = arith.cmpi eq, %eq3A_663, %eq3A_664 : vector<1024x128xi32>
    %and3A_666 = arith.constant 31 : i32
    %and3A_667 = vector.broadcast %and3A_666 : i32 to vector<1024x1xi32>
    %and3A_668 = arith.andi %broadcast_in_dim3A_652, %and3A_667 : vector<1024x1xi32>
    %mul3A_669 = arith.constant 128 : i32
    %mul3A_670 = vector.broadcast %mul3A_669 : i32 to vector<1024x1xi32>
    %mul3A_671 = arith.muli %and3A_668, %mul3A_670 : vector<1024x1xi32>
    %add3A_672 = arith.addi %mul3A_671, %broadcast_in_dim3A_662 : vector<1024x1xi32>
    %select_n3A_673 = arith.select %eq3A_665, %select_n3A_648, %select_n3A_647 : vector<1024x128xi1>, vector<1024x128xi32>
    %select_n3A_674 = arith.select %eq3A_665, %select_n3A_649, %select_n3A_648 : vector<1024x128xi1>, vector<1024x128xi32>
    %reduce_min3A_675 = arith.constant dense<2147483647> : vector<1024xi32>
    %reduce_min3A_676 = vector.multi_reduction <minsi>, %select_n3A_673, %reduce_min3A_675 [1] : vector<1024x128xi32> to vector<1024xi32>
    %broadcast_in_dim3A_677 = vector.shape_cast %reduce_min3A_676 : vector<1024xi32> to vector<1024x1xi32>
    %eq3A_678 = vector.broadcast %broadcast_in_dim3A_677 : vector<1024x1xi32> to vector<1024x128xi32>
    %eq3A_679 = arith.cmpi eq, %select_n3A_673, %eq3A_678 : vector<1024x128xi32>
    %jit3A_680 = arith.constant 4096 : i32
    %broadcast_in_dim3A_681 = vector.shape_cast %iota3A_279 : vector<1x128xi32> to vector<1x128xi32>
    %broadcast_in_dim3A_682 = vector.broadcast %broadcast_in_dim3A_681 : vector<1x128xi32> to vector<1024x128xi32>
    %broadcast_in_dim3A_683 = vector.broadcast %jit3A_680 : i32 to vector<1024x128xi32>
    %select_n3A_684 = arith.select %eq3A_679, %broadcast_in_dim3A_682, %broadcast_in_dim3A_683 : vector<1024x128xi1>, vector<1024x128xi32>
    %reduce_min3A_685 = arith.constant dense<2147483647> : vector<1024xi32>
    %reduce_min3A_686 = vector.multi_reduction <minsi>, %select_n3A_684, %reduce_min3A_685 [1] : vector<1024x128xi32> to vector<1024xi32>
    %broadcast_in_dim3A_687 = vector.shape_cast %reduce_min3A_686 : vector<1024xi32> to vector<1024x1xi32>
    %eq3A_688 = vector.broadcast %iota3A_279 : vector<1x128xi32> to vector<1024x128xi32>
    %eq3A_689 = vector.broadcast %broadcast_in_dim3A_687 : vector<1024x1xi32> to vector<1024x128xi32>
    %eq3A_690 = arith.cmpi eq, %eq3A_688, %eq3A_689 : vector<1024x128xi32>
    %and3A_691 = arith.constant 31 : i32
    %and3A_692 = vector.broadcast %and3A_691 : i32 to vector<1024x1xi32>
    %and3A_693 = arith.andi %broadcast_in_dim3A_677, %and3A_692 : vector<1024x1xi32>
    %mul3A_694 = arith.constant 128 : i32
    %mul3A_695 = vector.broadcast %mul3A_694 : i32 to vector<1024x1xi32>
    %mul3A_696 = arith.muli %and3A_693, %mul3A_695 : vector<1024x1xi32>
    %add3A_697 = arith.addi %mul3A_696, %broadcast_in_dim3A_687 : vector<1024x1xi32>
    %select_n3A_698 = arith.select %eq3A_690, %select_n3A_674, %select_n3A_673 : vector<1024x128xi1>, vector<1024x128xi32>
    %reduce_min3A_699 = arith.constant dense<2147483647> : vector<1024xi32>
    %reduce_min3A_700 = vector.multi_reduction <minsi>, %select_n3A_698, %reduce_min3A_699 [1] : vector<1024x128xi32> to vector<1024xi32>
    %broadcast_in_dim3A_701 = vector.shape_cast %reduce_min3A_700 : vector<1024xi32> to vector<1024x1xi32>
    %eq3A_702 = vector.broadcast %broadcast_in_dim3A_701 : vector<1024x1xi32> to vector<1024x128xi32>
    %eq3A_703 = arith.cmpi eq, %select_n3A_698, %eq3A_702 : vector<1024x128xi32>
    %jit3A_704 = arith.constant 4096 : i32
    %broadcast_in_dim3A_705 = vector.shape_cast %iota3A_279 : vector<1x128xi32> to vector<1x128xi32>
    %broadcast_in_dim3A_706 = vector.broadcast %broadcast_in_dim3A_705 : vector<1x128xi32> to vector<1024x128xi32>
    %broadcast_in_dim3A_707 = vector.broadcast %jit3A_704 : i32 to vector<1024x128xi32>
    %select_n3A_708 = arith.select %eq3A_703, %broadcast_in_dim3A_706, %broadcast_in_dim3A_707 : vector<1024x128xi1>, vector<1024x128xi32>
    %reduce_min3A_709 = arith.constant dense<2147483647> : vector<1024xi32>
    %reduce_min3A_710 = vector.multi_reduction <minsi>, %select_n3A_708, %reduce_min3A_709 [1] : vector<1024x128xi32> to vector<1024xi32>
    %broadcast_in_dim3A_711 = vector.shape_cast %reduce_min3A_710 : vector<1024xi32> to vector<1024x1xi32>
    %and3A_712 = arith.constant 31 : i32
    %and3A_713 = vector.broadcast %and3A_712 : i32 to vector<1024x1xi32>
    %and3A_714 = arith.andi %broadcast_in_dim3A_701, %and3A_713 : vector<1024x1xi32>
    %mul3A_715 = arith.constant 128 : i32
    %mul3A_716 = vector.broadcast %mul3A_715 : i32 to vector<1024x1xi32>
    %mul3A_717 = arith.muli %and3A_714, %mul3A_716 : vector<1024x1xi32>
    %add3A_718 = arith.addi %mul3A_717, %broadcast_in_dim3A_711 : vector<1024x1xi32>
    %concatenate3A = tpu.concatenate %add3A_298, %add3A_327, %add3A_356, %add3A_385, %add3A_414, %add3A_443, %add3A_472, %add3A_501, %add3A_530, %add3A_559, %add3A_588, %add3A_617, %add3A_646, %add3A_672, %add3A_697, %add3A_718 in 1 : vector<1024x1xi32>, vector<1024x1xi32>, vector<1024x1xi32>, vector<1024x1xi32>, vector<1024x1xi32>, vector<1024x1xi32>, vector<1024x1xi32>, vector<1024x1xi32>, vector<1024x1xi32>, vector<1024x1xi32>, vector<1024x1xi32>, vector<1024x1xi32>, vector<1024x1xi32>, vector<1024x1xi32>, vector<1024x1xi32>, vector<1024x1xi32> -> vector<1024x16xi32>
    %swap3A = arith.constant 0 : index
    %swap3A_719 = arith.constant 0 : index
    %swap3A_720 = vector.load %arg3[%swap3A, %swap3A_719] : memref<1024x16xi32, #tpu.memory_space<vmem>>, vector<1024x16xi32>
    tpu.vector_store %arg3[%swap3A, %swap3A_719], %concatenate3A {strides = array<i32>} : memref<1024x16xi32, #tpu.memory_space<vmem>>, vector<1024x16xi32>,
    return
  }
  func.func @transform_0(%arg0: i32) -> (i32, i32) {
    %c0_i32 = arith.constant 0 : i32
    %c0_i32_0 = arith.constant 0 : i32
    return %arg0, %c0_i32 : i32, i32
  }
  func.func @transform_1(%arg0: i32) -> (i32, i32) {
    %c0_i32 = arith.constant 0 : i32
    %c0_i32_0 = arith.constant 0 : i32
    %c0_i32_1 = arith.constant 0 : i32
    return %c0_i32, %c0_i32_0 : i32, i32
  }
  func.func @transform_2(%arg0: i32) -> (i32, i32) {
    %c0_i32 = arith.constant 0 : i32
    %c0_i32_0 = arith.constant 0 : i32
    return %arg0, %c0_i32 : i32, i32
  }
}

module attributes {stable_mosaic.version = 14 : i64} {
  func.func @_attn_body(%arg0: i32, %arg1: memref<256x64xf32, #tpu.memory_space<vmem>>, %arg2: memref<256x3xf32, #tpu.memory_space<vmem>>, %arg3: memref<4096x128xf32, #tpu.memory_space<vmem>>, %arg4: memref<64x128xf32, #tpu.memory_space<vmem>>, %arg5: memref<1x128xf32, #tpu.memory_space<vmem>>, %arg6: memref<64x256xf32, #tpu.memory_space<vmem>>, %arg7: memref<1x256xf32, #tpu.memory_space<vmem>>, %arg8: memref<3x128xf32, #tpu.memory_space<vmem>>, %arg9: memref<1x128xf32, #tpu.memory_space<vmem>>, %arg10: memref<128x128xf32, #tpu.memory_space<vmem>>, %arg11: memref<1x128xf32, #tpu.memory_space<vmem>>, %arg12: memref<128x128xf32, #tpu.memory_space<vmem>>, %arg13: memref<1x128xf32, #tpu.memory_space<vmem>>, %arg14: memref<128x128xf32, #tpu.memory_space<vmem>>, %arg15: memref<1x128xf32, #tpu.memory_space<vmem>>, %arg16: memref<128x128xf32, #tpu.memory_space<vmem>>, %arg17: memref<1x128xf32, #tpu.memory_space<vmem>>, %arg18: memref<256x128xf32, #tpu.memory_space<vmem>>) attributes {dimension_semantics = [#tpu.dimension_semantics<arbitrary>], iteration_bounds = array<i64: 16>, scalar_prefetch = 0 : i64, scratch_operands = 0 : i64, tpu.core_type = #tpu.core_type<tc>, window_params = [{transform_indices = @transform_0, window_bounds = array<i64: 256, 64>}, {transform_indices = @transform_1, window_bounds = array<i64: 256, 3>}, {transform_indices = @transform_2, window_bounds = array<i64: 4096, 128>}, {pipeline_mode = #tpu.pipeline_mode<synchronous>, transform_indices = @transform_3, window_bounds = array<i64: 64, 128>}, {pipeline_mode = #tpu.pipeline_mode<synchronous>, transform_indices = @transform_4, window_bounds = array<i64: 1, 128>}, {pipeline_mode = #tpu.pipeline_mode<synchronous>, transform_indices = @transform_5, window_bounds = array<i64: 64, 256>}, {pipeline_mode = #tpu.pipeline_mode<synchronous>, transform_indices = @transform_6, window_bounds = array<i64: 1, 256>}, {pipeline_mode = #tpu.pipeline_mode<synchronous>, transform_indices = @transform_7, window_bounds = array<i64: 3, 128>}, {pipeline_mode = #tpu.pipeline_mode<synchronous>, transform_indices = @transform_8, window_bounds = array<i64: 1, 128>}, {pipeline_mode = #tpu.pipeline_mode<synchronous>, transform_indices = @transform_9, window_bounds = array<i64: 128, 128>}, {pipeline_mode = #tpu.pipeline_mode<synchronous>, transform_indices = @transform_10, window_bounds = array<i64: 1, 128>}, {pipeline_mode = #tpu.pipeline_mode<synchronous>, transform_indices = @transform_11, window_bounds = array<i64: 128, 128>}, {pipeline_mode = #tpu.pipeline_mode<synchronous>, transform_indices = @transform_12, window_bounds = array<i64: 1, 128>}, {pipeline_mode = #tpu.pipeline_mode<synchronous>, transform_indices = @transform_13, window_bounds = array<i64: 128, 128>}, {pipeline_mode = #tpu.pipeline_mode<synchronous>, transform_indices = @transform_14, window_bounds = array<i64: 1, 128>}, {pipeline_mode = #tpu.pipeline_mode<synchronous>, transform_indices = @transform_15, window_bounds = array<i64: 128, 128>}, {pipeline_mode = #tpu.pipeline_mode<synchronous>, transform_indices = @transform_16, window_bounds = array<i64: 1, 128>}, {transform_indices = @transform_17, window_bounds = array<i64: 256, 128>}]} {
    %get3A = arith.constant 0 : index
    %get3A_0 = arith.constant 0 : index
    %get3A_1 = vector.load %arg1[%get3A, %get3A_0] : memref<256x64xf32, #tpu.memory_space<vmem>>, vector<256x64xf32>
    %get3A_2 = arith.constant 0 : index
    %get3A_3 = arith.constant 0 : index
    %get3A_4 = vector.load %arg4[%get3A_2, %get3A_3] : memref<64x128xf32, #tpu.memory_space<vmem>>, vector<64x128xf32>
    %dot_general3A = arith.constant dense<0.000000e+00> : vector<256x128xf32>
    %dot_general3A_5 = tpu.matmul %get3A_1, %get3A_4, %dot_general3A {dimension_numbers = #tpu.dot_dimension_numbers<[1], [0], [0], [1], [0, 0, 1, 1], [], []>, transpose_lhs_hint = false} : vector<256x64xf32>, vector<64x128xf32>, vector<256x128xf32> -> vector<256x128xf32>
    %get3A_6 = arith.constant 0 : index
    %get3A_7 = arith.constant 0 : index
    %get3A_8 = vector.load %arg5[%get3A_6, %get3A_7] : memref<1x128xf32, #tpu.memory_space<vmem>>, vector<1x128xf32>
    %add3A = vector.broadcast %get3A_8 : vector<1x128xf32> to vector<256x128xf32>
    %add3A_9 = arith.addf %dot_general3A_5, %add3A : vector<256x128xf32>
    %get3A_10 = arith.constant 0 : index
    %get3A_11 = arith.constant 0 : index
    %get3A_12 = vector.load %arg3[%get3A_10, %get3A_11] : memref<4096x128xf32, #tpu.memory_space<vmem>>, vector<4096x128xf32>
    %slice3A = vector.extract_strided_slice %get3A_12 {offsets = [0, 0], sizes = [4096, 64], strides = [1, 1]} : vector<4096x128xf32> to vector<4096x64xf32>
    %slice3A_13 = vector.extract_strided_slice %get3A_12 {offsets = [0, 64], sizes = [4096, 3], strides = [1, 1]} : vector<4096x128xf32> to vector<4096x3xf32>
    %get3A_14 = arith.constant 0 : index
    %get3A_15 = arith.constant 0 : index
    %get3A_16 = vector.load %arg6[%get3A_14, %get3A_15] : memref<64x256xf32, #tpu.memory_space<vmem>>, vector<64x256xf32>
    %dot_general3A_17 = arith.constant dense<0.000000e+00> : vector<4096x256xf32>
    %dot_general3A_18 = tpu.matmul %slice3A, %get3A_16, %dot_general3A_17 {dimension_numbers = #tpu.dot_dimension_numbers<[1], [0], [0], [1], [0, 0, 1, 1], [], []>, transpose_lhs_hint = false} : vector<4096x64xf32>, vector<64x256xf32>, vector<4096x256xf32> -> vector<4096x256xf32>
    %get3A_19 = arith.constant 0 : index
    %get3A_20 = arith.constant 0 : index
    %get3A_21 = vector.load %arg7[%get3A_19, %get3A_20] : memref<1x256xf32, #tpu.memory_space<vmem>>, vector<1x256xf32>
    %add3A_22 = vector.broadcast %get3A_21 : vector<1x256xf32> to vector<4096x256xf32>
    %add3A_23 = arith.addf %dot_general3A_18, %add3A_22 : vector<4096x256xf32>
    %slice3A_24 = vector.extract_strided_slice %add3A_23 {offsets = [0, 0], sizes = [4096, 128], strides = [1, 1]} : vector<4096x256xf32> to vector<4096x128xf32>
    %slice3A_25 = vector.extract_strided_slice %add3A_23 {offsets = [0, 128], sizes = [4096, 128], strides = [1, 1]} : vector<4096x256xf32> to vector<4096x128xf32>
    %get3A_26 = arith.constant 0 : index
    %get3A_27 = arith.constant 0 : index
    %get3A_28 = vector.load %arg2[%get3A_26, %get3A_27] : memref<256x3xf32, #tpu.memory_space<vmem>>, vector<256x3xf32>
    %broadcast_in_dim3A = vector.shape_cast %get3A_28 : vector<256x3xf32> to vector<256x1x3xf32>
    %broadcast_in_dim3A_29 = vector.shape_cast %broadcast_in_dim3A : vector<256x1x3xf32> to vector<256x1x3xf32>
    %broadcast_in_dim3A_30 = vector.broadcast %broadcast_in_dim3A_29 : vector<256x1x3xf32> to vector<256x16x3xf32>
    %reshape3A = vector.shape_cast %broadcast_in_dim3A_30 : vector<256x16x3xf32> to vector<4096x3xf32>
    %sub3A = arith.subf %reshape3A, %slice3A_13 : vector<4096x3xf32>
    %get3A_31 = arith.constant 0 : index
    %get3A_32 = arith.constant 0 : index
    %get3A_33 = vector.load %arg8[%get3A_31, %get3A_32] : memref<3x128xf32, #tpu.memory_space<vmem>>, vector<3x128xf32>
    %dot_general3A_34 = arith.constant dense<0.000000e+00> : vector<4096x128xf32>
    %dot_general3A_35 = tpu.matmul %sub3A, %get3A_33, %dot_general3A_34 {dimension_numbers = #tpu.dot_dimension_numbers<[1], [0], [0], [1], [0, 0, 1, 1], [], []>, transpose_lhs_hint = false} : vector<4096x3xf32>, vector<3x128xf32>, vector<4096x128xf32> -> vector<4096x128xf32>
    %get3A_36 = arith.constant 0 : index
    %get3A_37 = arith.constant 0 : index
    %get3A_38 = vector.load %arg9[%get3A_36, %get3A_37] : memref<1x128xf32, #tpu.memory_space<vmem>>, vector<1x128xf32>
    %add3A_39 = vector.broadcast %get3A_38 : vector<1x128xf32> to vector<4096x128xf32>
    %add3A_40 = arith.addf %dot_general3A_35, %add3A_39 : vector<4096x128xf32>
    %max3A = arith.constant 0.000000e+00 : f32
    %max3A_41 = vector.broadcast %max3A : f32 to vector<4096x128xf32>
    %max3A_42 = arith.maximumf %add3A_40, %max3A_41 : vector<4096x128xf32>
    %get3A_43 = arith.constant 0 : index
    %get3A_44 = arith.constant 0 : index
    %get3A_45 = vector.load %arg10[%get3A_43, %get3A_44] : memref<128x128xf32, #tpu.memory_space<vmem>>, vector<128x128xf32>
    %dot_general3A_46 = arith.constant dense<0.000000e+00> : vector<4096x128xf32>
    %dot_general3A_47 = tpu.matmul %max3A_42, %get3A_45, %dot_general3A_46 {dimension_numbers = #tpu.dot_dimension_numbers<[1], [0], [0], [1], [0, 0, 1, 1], [], []>, transpose_lhs_hint = false} : vector<4096x128xf32>, vector<128x128xf32>, vector<4096x128xf32> -> vector<4096x128xf32>
    %get3A_48 = arith.constant 0 : index
    %get3A_49 = arith.constant 0 : index
    %get3A_50 = vector.load %arg11[%get3A_48, %get3A_49] : memref<1x128xf32, #tpu.memory_space<vmem>>, vector<1x128xf32>
    %add3A_51 = vector.broadcast %get3A_50 : vector<1x128xf32> to vector<4096x128xf32>
    %add3A_52 = arith.addf %dot_general3A_47, %add3A_51 : vector<4096x128xf32>
    %broadcast_in_dim3A_53 = vector.shape_cast %add3A_9 : vector<256x128xf32> to vector<256x1x128xf32>
    %broadcast_in_dim3A_54 = vector.shape_cast %broadcast_in_dim3A_53 : vector<256x1x128xf32> to vector<256x1x128xf32>
    %broadcast_in_dim3A_55 = vector.broadcast %broadcast_in_dim3A_54 : vector<256x1x128xf32> to vector<256x16x128xf32>
    %reshape3A_56 = vector.shape_cast %broadcast_in_dim3A_55 : vector<256x16x128xf32> to vector<4096x128xf32>
    %sub3A_57 = arith.subf %slice3A_24, %reshape3A_56 : vector<4096x128xf32>
    %add3A_58 = arith.addf %sub3A_57, %add3A_52 : vector<4096x128xf32>
    %get3A_59 = arith.constant 0 : index
    %get3A_60 = arith.constant 0 : index
    %get3A_61 = vector.load %arg12[%get3A_59, %get3A_60] : memref<128x128xf32, #tpu.memory_space<vmem>>, vector<128x128xf32>
    %dot_general3A_62 = arith.constant dense<0.000000e+00> : vector<4096x128xf32>
    %dot_general3A_63 = tpu.matmul %add3A_58, %get3A_61, %dot_general3A_62 {dimension_numbers = #tpu.dot_dimension_numbers<[1], [0], [0], [1], [0, 0, 1, 1], [], []>, transpose_lhs_hint = false} : vector<4096x128xf32>, vector<128x128xf32>, vector<4096x128xf32> -> vector<4096x128xf32>
    %get3A_64 = arith.constant 0 : index
    %get3A_65 = arith.constant 0 : index
    %get3A_66 = vector.load %arg13[%get3A_64, %get3A_65] : memref<1x128xf32, #tpu.memory_space<vmem>>, vector<1x128xf32>
    %add3A_67 = vector.broadcast %get3A_66 : vector<1x128xf32> to vector<4096x128xf32>
    %add3A_68 = arith.addf %dot_general3A_63, %add3A_67 : vector<4096x128xf32>
    %max3A_69 = arith.constant 0.000000e+00 : f32
    %max3A_70 = vector.broadcast %max3A_69 : f32 to vector<4096x128xf32>
    %max3A_71 = arith.maximumf %add3A_68, %max3A_70 : vector<4096x128xf32>
    %get3A_72 = arith.constant 0 : index
    %get3A_73 = arith.constant 0 : index
    %get3A_74 = vector.load %arg14[%get3A_72, %get3A_73] : memref<128x128xf32, #tpu.memory_space<vmem>>, vector<128x128xf32>
    %dot_general3A_75 = arith.constant dense<0.000000e+00> : vector<4096x128xf32>
    %dot_general3A_76 = tpu.matmul %max3A_71, %get3A_74, %dot_general3A_75 {dimension_numbers = #tpu.dot_dimension_numbers<[1], [0], [0], [1], [0, 0, 1, 1], [], []>, transpose_lhs_hint = false} : vector<4096x128xf32>, vector<128x128xf32>, vector<4096x128xf32> -> vector<4096x128xf32>
    %get3A_77 = arith.constant 0 : index
    %get3A_78 = arith.constant 0 : index
    %get3A_79 = vector.load %arg15[%get3A_77, %get3A_78] : memref<1x128xf32, #tpu.memory_space<vmem>>, vector<1x128xf32>
    %add3A_80 = vector.broadcast %get3A_79 : vector<1x128xf32> to vector<4096x128xf32>
    %add3A_81 = arith.addf %dot_general3A_76, %add3A_80 : vector<4096x128xf32>
    %reshape3A_82 = vector.shape_cast %add3A_81 : vector<4096x128xf32> to vector<256x16x128xf32>
    %reduce_max3A = arith.constant dense<0xFF800000> : vector<256x128xf32>
    %reduce_max3A_83 = vector.multi_reduction <maximumf>, %reshape3A_82, %reduce_max3A [1] : vector<256x16x128xf32> to vector<256x128xf32>
    %broadcast_in_dim3A_84 = vector.shape_cast %reduce_max3A_83 : vector<256x128xf32> to vector<256x1x128xf32>
    %sub3A_85 = vector.broadcast %broadcast_in_dim3A_84 : vector<256x1x128xf32> to vector<256x16x128xf32>
    %sub3A_86 = arith.subf %reshape3A_82, %sub3A_85 : vector<256x16x128xf32>
    %exp3A = math.exp %sub3A_86 : vector<256x16x128xf32>
    %reduce_sum3A = arith.constant dense<0.000000e+00> : vector<256x128xf32>
    %reduce_sum3A_87 = vector.multi_reduction <add>, %exp3A, %reduce_sum3A [1] : vector<256x16x128xf32> to vector<256x128xf32>
    %broadcast_in_dim3A_88 = vector.shape_cast %reduce_sum3A_87 : vector<256x128xf32> to vector<256x1x128xf32>
    %div3A = vector.broadcast %broadcast_in_dim3A_88 : vector<256x1x128xf32> to vector<256x16x128xf32>
    %div3A_89 = arith.divf %exp3A, %div3A : vector<256x16x128xf32>
    %add3A_90 = arith.addf %slice3A_25, %add3A_52 : vector<4096x128xf32>
    %reshape3A_91 = vector.shape_cast %add3A_90 : vector<4096x128xf32> to vector<256x16x128xf32>
    %mul3A = arith.mulf %div3A_89, %reshape3A_91 : vector<256x16x128xf32>
    %reduce_sum3A_92 = arith.constant dense<0.000000e+00> : vector<256x128xf32>
    %reduce_sum3A_93 = vector.multi_reduction <add>, %mul3A, %reduce_sum3A_92 [1] : vector<256x16x128xf32> to vector<256x128xf32>
    %get3A_94 = arith.constant 0 : index
    %get3A_95 = arith.constant 0 : index
    %get3A_96 = vector.load %arg16[%get3A_94, %get3A_95] : memref<128x128xf32, #tpu.memory_space<vmem>>, vector<128x128xf32>
    %dot_general3A_97 = arith.constant dense<0.000000e+00> : vector<256x128xf32>
    %dot_general3A_98 = tpu.matmul %reduce_sum3A_93, %get3A_96, %dot_general3A_97 {dimension_numbers = #tpu.dot_dimension_numbers<[1], [0], [0], [1], [0, 0, 1, 1], [], []>, transpose_lhs_hint = false} : vector<256x128xf32>, vector<128x128xf32>, vector<256x128xf32> -> vector<256x128xf32>
    %get3A_99 = arith.constant 0 : index
    %get3A_100 = arith.constant 0 : index
    %get3A_101 = vector.load %arg17[%get3A_99, %get3A_100] : memref<1x128xf32, #tpu.memory_space<vmem>>, vector<1x128xf32>
    %add3A_102 = vector.broadcast %get3A_101 : vector<1x128xf32> to vector<256x128xf32>
    %add3A_103 = arith.addf %dot_general3A_98, %add3A_102 : vector<256x128xf32>
    %swap3A = arith.constant 0 : index
    %swap3A_104 = arith.constant 0 : index
    %swap3A_105 = vector.load %arg18[%swap3A, %swap3A_104] : memref<256x128xf32, #tpu.memory_space<vmem>>, vector<256x128xf32>
    tpu.vector_store %arg18[%swap3A, %swap3A_104], %add3A_103 {strides = array<i32>} : memref<256x128xf32, #tpu.memory_space<vmem>>, vector<256x128xf32>,
    return
  }
  func.func @transform_0(%arg0: i32) -> (i32, i32) {
    %c0_i32 = arith.constant 0 : i32
    %c0_i32_0 = arith.constant 0 : i32
    return %arg0, %c0_i32 : i32, i32
  }
  func.func @transform_1(%arg0: i32) -> (i32, i32) {
    %c0_i32 = arith.constant 0 : i32
    %c0_i32_0 = arith.constant 0 : i32
    return %arg0, %c0_i32 : i32, i32
  }
  func.func @transform_2(%arg0: i32) -> (i32, i32) {
    %c0_i32 = arith.constant 0 : i32
    %c0_i32_0 = arith.constant 0 : i32
    return %arg0, %c0_i32 : i32, i32
  }
  func.func @transform_3(%arg0: i32) -> (i32, i32) {
    %c0_i32 = arith.constant 0 : i32
    %c0_i32_0 = arith.constant 0 : i32
    %c0_i32_1 = arith.constant 0 : i32
    return %c0_i32, %c0_i32_0 : i32, i32
  }
  func.func @transform_4(%arg0: i32) -> (i32, i32) {
    %c0_i32 = arith.constant 0 : i32
    %c0_i32_0 = arith.constant 0 : i32
    %c0_i32_1 = arith.constant 0 : i32
    return %c0_i32, %c0_i32_0 : i32, i32
  }
  func.func @transform_5(%arg0: i32) -> (i32, i32) {
    %c0_i32 = arith.constant 0 : i32
    %c0_i32_0 = arith.constant 0 : i32
    %c0_i32_1 = arith.constant 0 : i32
    return %c0_i32, %c0_i32_0 : i32, i32
  }
  func.func @transform_6(%arg0: i32) -> (i32, i32) {
    %c0_i32 = arith.constant 0 : i32
    %c0_i32_0 = arith.constant 0 : i32
    %c0_i32_1 = arith.constant 0 : i32
    return %c0_i32, %c0_i32_0 : i32, i32
  }
  func.func @transform_7(%arg0: i32) -> (i32, i32) {
    %c0_i32 = arith.constant 0 : i32
    %c0_i32_0 = arith.constant 0 : i32
    %c0_i32_1 = arith.constant 0 : i32
    return %c0_i32, %c0_i32_0 : i32, i32
  }
  func.func @transform_8(%arg0: i32) -> (i32, i32) {
    %c0_i32 = arith.constant 0 : i32
    %c0_i32_0 = arith.constant 0 : i32
    %c0_i32_1 = arith.constant 0 : i32
    return %c0_i32, %c0_i32_0 : i32, i32
  }
  func.func @transform_9(%arg0: i32) -> (i32, i32) {
    %c0_i32 = arith.constant 0 : i32
    %c0_i32_0 = arith.constant 0 : i32
    %c0_i32_1 = arith.constant 0 : i32
    return %c0_i32, %c0_i32_0 : i32, i32
  }
  func.func @transform_10(%arg0: i32) -> (i32, i32) {
    %c0_i32 = arith.constant 0 : i32
    %c0_i32_0 = arith.constant 0 : i32
    %c0_i32_1 = arith.constant 0 : i32
    return %c0_i32, %c0_i32_0 : i32, i32
  }
  func.func @transform_11(%arg0: i32) -> (i32, i32) {
    %c0_i32 = arith.constant 0 : i32
    %c0_i32_0 = arith.constant 0 : i32
    %c0_i32_1 = arith.constant 0 : i32
    return %c0_i32, %c0_i32_0 : i32, i32
  }
  func.func @transform_12(%arg0: i32) -> (i32, i32) {
    %c0_i32 = arith.constant 0 : i32
    %c0_i32_0 = arith.constant 0 : i32
    %c0_i32_1 = arith.constant 0 : i32
    return %c0_i32, %c0_i32_0 : i32, i32
  }
  func.func @transform_13(%arg0: i32) -> (i32, i32) {
    %c0_i32 = arith.constant 0 : i32
    %c0_i32_0 = arith.constant 0 : i32
    %c0_i32_1 = arith.constant 0 : i32
    return %c0_i32, %c0_i32_0 : i32, i32
  }
  func.func @transform_14(%arg0: i32) -> (i32, i32) {
    %c0_i32 = arith.constant 0 : i32
    %c0_i32_0 = arith.constant 0 : i32
    %c0_i32_1 = arith.constant 0 : i32
    return %c0_i32, %c0_i32_0 : i32, i32
  }
  func.func @transform_15(%arg0: i32) -> (i32, i32) {
    %c0_i32 = arith.constant 0 : i32
    %c0_i32_0 = arith.constant 0 : i32
    %c0_i32_1 = arith.constant 0 : i32
    return %c0_i32, %c0_i32_0 : i32, i32
  }
  func.func @transform_16(%arg0: i32) -> (i32, i32) {
    %c0_i32 = arith.constant 0 : i32
    %c0_i32_0 = arith.constant 0 : i32
    %c0_i32_1 = arith.constant 0 : i32
    return %c0_i32, %c0_i32_0 : i32, i32
  }
  func.func @transform_17(%arg0: i32) -> (i32, i32) {
    %c0_i32 = arith.constant 0 : i32
    %c0_i32_0 = arith.constant 0 : i32
    return %arg0, %c0_i32 : i32, i32
  }
}

</mosaic_0001>

<sc_bundles>
// kernel: kernel.11.cloned.1.call-start
scs
__scs_entry_jumppad:
0x0: {  	(pc) =	sbr.rel $0x88, $3  }
0x1: {  	(tag) =	ssettag $0x0;
	lr =	simm.s32 $0x1  }
0x2: {  	[smem:$0x3F91] =	sst lr;
	_ =	strace $0xD0000000  }
0x3: {  	_ = 	snop  }
0x4: {  	_ = 	snop  }
0x5: {  	_ = 	snop  }
0x6: {  	_ = 	snop  }
0x7: {  	_ = 	snop  }
__scs_overlays_trampoline_lowered:
0x8: {  	[smem:$0x3FA0] =	sst s0  }
0x9: {  	[smem:$0x3FA1] =	sst s1  }
0xa: {  	[smem:$0x3FA2] =	sst s2  }
0xb: {  	[smem:$0x3FA3] =	sst s3  }
0xc: {  	[smem:$0x3FA4] =	sst s4  }
0xd: {  	[smem:$0x3FA5] =	sst s5  }
0xe: {  	[smem:$0x3FA6] =	sst s6  }
0xf: {  	[smem:$0x3FA7] =	sst s7  }
0x10: {  	[smem:$0x3FA8] =	sst s8  }
0x11: {  	[smem:$0x3FA9] =	sst s9;
	s0 =	simm.s32 @!p0 $0x0  }
0x12: {  	s1 =	sld [smem:$0x3F8F];
	s0 =	simm.s32 @p0 $0x1  }
0x13: {  	[smem:$0x3FAA] =	sst s0;
	s0 =	simm.s32 @!p1 $0x0  }
0x14: {  	s2 =	sld [smem:$0x3F8E];
	s0 =	simm.s32 @p1 $0x1  }
0x15: {  	[smem:$0x3FAB] =	sst s0;
	s0 =	simm.s32 @!p2 $0x0  }
0x16: {  	s3 =	sld [smem:$0x3FDB];
	s0 =	simm.s32 @p2 $0x1  }
0x17: {  	s4 =	simm.s32 $0x1BF5;
	[smem:$0x3FAD] =	sst s0  }
0x18: {  	s0 =	sld [smem:$0x3F90];
	_ =	swait.ge [sflag:s4], $0x0  }
0x19: {  	s7 =	sld [smem:$0x3F91]  }
0x1a: {  	s8 =	sadd.s32 $0xFFFFE003, lr  }
0x1b: {  	s9 =	sadd.s32 $0xFFFFFEF7, lr;
	s5 =	simm.s32 $0xFFFFFFFF;
	p2 =	slt.u32 s8, $0xFFFFF086  }
0x1c: {  	p1 =	slt.u32 s9, $0xF7A;
	s5 =	simm.s32 @!p2 $0x0  }
0x1d: {  	s5 =	simm.s32 @p1 $0x1;
	p0 =	seq.s32 s7, s2  }
0x1e: {  	s7 =	smul.u32 @!p0 $0xF7A, s2;
	p2 =	seq.s32 @!p0 s5, $0x0  }
0x1f: {  	s9 =	smul.u32 $0xF7A, s1;
	s8 =	simm.s32 @!p0 $0x1BF5;
	p2 =	por !p2, p0  }
0x20: {  	[sflag:s8] =	ssyncset.s32 @!p0 $0xFFFFF086;
	s6 =	sadd.s32 @!p0 s3, s7;
	s7 =	simm.s32 @!p0 $0x108  }
0x21: {  	s3 =	sadd.s32 s3, s9;
	s6 =	sadd.s32 @!p0 $0x88, s6;
	s7 =	simm.s32 @p2 $0x1082  }
0x22: {  	[simem:s7], [sflag:s8] =	dma.local @!p0 [hbm:s6], $0xF7A  }
0x23: {  	s9 =	sor.u32 $0xD0000000, s2;
	s6 =	simm.s32 $0x108;
	_ =	swait.ge @!p0 [sflag:s8], $0x0  }
0x24: {  	s3 =	sadd.s32 $0x88, s3;
	s6 =	simm.s32 @!p1 $0x1082;
	[sflag:s4] =	ssyncset.s32 $0xFFFFF086  }
0x25: {  	[simem:s6], [sflag:s4] =	dma.local [hbm:s3], $0xF7A  }
0x26: {  	[smem:$0x3F91] =	sst s1;
	(tag) =	ssettag s2;
	_ =	strace s9  }
0x27: {  	s1 =	sld [smem:$0x3FA1]  }
0x28: {  	s2 =	sld [smem:$0x3FA2]  }
0x29: {  	s4 =	sld [smem:$0x3FA4]  }
0x2a: {  	p0 =	seq.s32 s5, $0x0;
	s5 =	sld [smem:$0x3FA5]  }
0x2b: {  	s6 =	sld [smem:$0x3FA6]  }
0x2c: {  	s7 =	sld [smem:$0x3FA7]  }
0x2d: {  	s3 =	simm.s32 $0x108;
	s8 =	sld [smem:$0x3FA8]  }
0x2e: {  	s3 =	simm.s32 @!p0 $0x1082;
	s9 =	sld [smem:$0x3FA9]  }
0x2f: {  	lr =	sadd.s32 s0, s3;
	s0 =	sld [smem:$0x3FA0]  }
0x30: {  	s3 =	sld [smem:$0x3FA3]  }
0x31: {  	[smem:$0x3FAC] =	sst s10  }
0x32: {  	s10 =	sld [smem:$0x3FAA];
	_ =	sdelay $0x3  }
0x33: {  	p0 =	seq.s32 s10, $0x1;
	s10 =	sld [smem:$0x3FAC];
	_ =	sdelay $0x3  }
0x34: {  	[smem:$0x3FAC] =	sst s10  }
0x35: {  	s10 =	sld [smem:$0x3FAB];
	_ =	sdelay $0x3  }
0x36: {  	p1 =	seq.s32 s10, $0x1;
	s10 =	sld [smem:$0x3FAC];
	_ =	sdelay $0x3  }
0x37: {  	[smem:$0x3FAC] =	sst s10  }
0x38: {  	s10 =	sld [smem:$0x3FAD]  }
0x39: {  	_ = 	snop;
	(pc) =	sbr.ind lr, $3  }
0x3a: {  	_ = 	snop  }
0x3b: {  	_ = 	snop  }
0x3c: {  	p2 =	seq.s32 s10, $0x1;
	s10 =	sld [smem:$0x3FAC]  }
0x3d: {  	_ =	shalt  }
0x3e: {  	_ =	shalt  }
0x3f: {  	_ =	shalt  }
0x40: {  	_ =	shalt  }
0x41: {  	_ =	shalt  }
0x42: {  	_ =	shalt  }
0x43: {  	_ =	shalt  }
0x44: {  	_ =	shalt  }
0x45: {  	_ =	shalt  }
0x46: {  	_ =	shalt  }
0x47: {  	_ =	shalt  }
0x48: {  	_ =	shalt  }
0x49: {  	_ =	shalt  }
0x4a: {  	_ =	shalt  }
0x4b: {  	_ =	shalt  }
0x4c: {  	_ =	shalt  }
0x4d: {  	_ =	shalt  }
0x4e: {  	_ =	shalt  }
0x4f: {  	_ =	shalt  }
0x50: {  	_ =	shalt  }
0x51: {  	_ =	shalt  }
0x52: {  	_ =	shalt  }
0x53: {  	_ =	shalt  }
0x54: {  	_ =	shalt  }
0x55: {  	_ =	shalt  }
0x56: {  	_ =	shalt  }
0x57: {  	_ =	shalt  }
0x58: {  	_ =	shalt  }
0x59: {  	_ =	shalt  }
0x5a: {  	_ =	shalt  }
0x5b: {  	_ =	shalt  }
0x5c: {  	_ =	shalt  }
0x5d: {  	_ =	shalt  }
0x5e: {  	_ =	shalt  }
0x5f: {  	_ =	shalt  }
0x60: {  	_ =	shalt  }
0x61: {  	_ =	shalt  }
0x62: {  	_ =	shalt  }
0x63: {  	_ =	shalt  }
0x64: {  	_ =	shalt  }
0x65: {  	_ =	shalt  }
0x66: {  	_ =	shalt  }
0x67: {  	_ =	shalt  }
0x68: {  	_ =	shalt  }
0x69: {  	_ =	shalt  }
0x6a: {  	_ =	shalt  }
0x6b: {  	_ =	shalt  }
0x6c: {  	_ =	shalt  }
0x6d: {  	_ =	shalt  }
0x6e: {  	_ =	shalt  }
0x6f: {  	_ =	shalt  }
0x70: {  	_ =	shalt  }
0x71: {  	_ =	shalt  }
0x72: {  	_ =	shalt  }
0x73: {  	_ =	shalt  }
0x74: {  	_ =	shalt  }
0x75: {  	_ =	shalt  }
0x76: {  	_ =	shalt  }
0x77: {  	_ =	shalt  }
0x78: {  	_ =	shalt  }
0x79: {  	_ =	shalt  }
0x7a: {  	_ =	shalt  }
0x7b: {  	_ =	shalt  }
0x7c: {  	_ =	shalt  }
0x7d: {  	_ =	shalt  }
0x7e: {  	_ =	shalt  }
0x7f: {  	_ =	shalt  }
0x80: {  	_ =	shalt  }
0x81: {  	_ =	shalt  }
0x82: {  	_ =	shalt  }
0x83: {  	_ =	shalt  }
0x84: {  	_ =	shalt  }
0x85: {  	_ =	shalt  }
0x86: {  	_ =	shalt  }
0x87: {  	_ =	shalt  }
.Lfunc_end0:
.L_simem_size_0:
called_computation.1_lowered:
.L_overlay_start_0:
0x88: {  	s2 =	sld [smem:$0x3FD9]  }
0x89: {  	s3 =	sld [smem:$0x3FFE];
	_ =	sdelay $0x1  }
0x8a: {  	s1 =	srdreg.scid  }
0x8b: {  	s0 =	sand.u32 $0x1, s1  }
0x8c: {  	s17 =	sshll.u32 s0, $0xA;
	s2 =	sadd.s32 s3, s2  }
0x8d: {  	s2 =	sadd.s32 s2, s17  }
0x8e: {  	[smem:$0x3FB8] =	sst s2  }
0x8f: {  	_ = 	snop  }
0x90: {  	(tm) =	ssettm $0x1  }
0x91: {  	s18 =	sld [smem:$0x3FFB];
	_ =	sdelay $0x3  }
0x92: {  	_ =	strace s18  }
0x93: {  	s2 =	sld [smem:$0x3FFC];
	_ =	sdelay $0x3  }
0x94: {  	_ =	strace s2  }
0x95: {  	s2 =	sld [smem:$0x3FFD];
	_ =	sdelay $0x3  }
0x96: {  	_ =	strace s2  }
0x97: {  	_ =	strace $0x8FFFFFFF  }
0x98: {  	s19 =	sld [smem:$0x3FDB];
	_ =	sdelay $0x1  }
0x99: {  	s20 =	simm.s32 $_scs_section_size  }
0x9a: {  	s4 =	simm.s32 $_size__tile_overlayer_lowered;
	s5 =	simm.s32 $_tile_overlayer_lowered  }
0x9b: {  	s6 =	simm.s32 $0x1BFF;
	s21 =	sshll.u32 s5, $0x1;
	s3 =	sadd.s32 s20, s19  }
0x9c: {  	s22 =	simm.s32 $0x0;
	s4 =	sshll.u32 s4, $0x1;
	s5 =	sadd.s32 s21, s3  }
0x9d: {  	[timem:s22], [sflag:s6] =	dma.local [hbm:s5], s4  }
0x9e: {  	_ =	swait.ge [sflag:s6], s4  }
0x9f: {  	s4 =	ssub.s32 $0x0, s4;
	[sflag:s6] =	ssyncset.done $0x0  }
0xa0: {  	[sflag:s6] =	ssyncadd.s32 s4;
	_ =	sdelay $0x1  }
0xa1: {  	s23 =	simm.s32 $0x1B8B  }
0xa2: {  	_ =	swait.ge [sflag:s23], $0x1  }
0xa3: {  	[sflag:s23] =	ssyncset.done $0x0  }
0xa4: {  	[sflag:s23] =	ssyncadd.s32 $0xFFFFFFFF  }
0xa5: {  	s4 =	sld [smem:$0x0]  }
0xa6: {  	s5 =	sand.u32 $0xFFFFFFFE, s1  }
0xa7: {  	p0 =	sne.s32 s1, s5  }
0xa8: {  	s5 =	sshll.u32 @p0 s5, $0xE  }
0xa9: {  	s5 =	sadd.s32 @p0 $0x11B8D, s5;
	s6 =	sshll.u32 @p0 s4, $0x11  }
0xaa: {  	s5 =	sor.u32 @p0 s6, s5  }
0xab: {  	[sflag:s5] =	ssyncadd.remote.s32 @p0 $0x1;
	_ =	sdelay $0x1  }
0xac: {  	s5 =	simm.s32 @p0 $0x1B8D  }
0xad: {  	_ =	swait.eq @p0 [sflag:s5], $0x1  }
0xae: {  	[sflag:s5] =	ssyncadd.s32 @p0 $0xFFFFFFFF  }
0xaf: {  	s6 =	sshll.u32 @!p0 s1, $0xE  }
0xb0: {  	s6 =	sor.u32 @!p0 $0x4000, s6;
	s5 =	simm.s32 @!p0 $0x1B8D  }
0xb1: {  	s4 =	sshll.u32 @!p0 s4, $0x11;
	s6 =	sadd.s32 @!p0 $0x11B8D, s6;
	_ =	swait.eq @!p0 [sflag:s5], $0x1  }
0xb2: {  	s4 =	sor.u32 @!p0 s4, s6;
	[sflag:s5] =	ssyncadd.s32 @!p0 $0xFFFFFFFF  }
0xb3: {  	s25 =	simm.s32 $0x1B8E;
	s24 =	sld [smem:$0x3FFE];
	[sflag:s4] =	ssyncadd.remote.s32 @!p0 $0x1  }
0xb4: {  	s26 =	simm.s32 $execute0_lowered;
	[smem:$0x3FD2] =	sst s25  }
0xb5: {  	s5 =	sshll.u32 s26, $0x1;
	_ =	strace $0x80000049;
	[dreg:$0x1] =	wrdreg $0xFFFFFFFF  }
0xb6: {  	s28 =	simm.s32 $_size_execute0_lowered;
	s3 =	sadd.s32 s3, s5;
	[dreg:$0x0] =	wrdreg $0x0  }
0xb7: {  	s5 =	sshll.u32 s28, $0x1;
	[dreg:$0x2] =	wrdreg s3  }
0xb8: {  	[dreg:$0x3] =	wrdreg s5  }
0xb9: {  	[dreg:$0x4] =	wrdreg $0xC0  }
0xba: {  	_ =	task [dreg:s22], $0x5FFFF  }
0xbb: {  	[dreg:$0x1] =	wrdreg $0xFFFFFFFF  }
0xbc: {  	[dreg:$0x0] =	wrdreg $0x60  }
0xbd: {  	[dreg:$0x2] =	wrdreg s24  }
0xbe: {  	[dreg:$0x3] =	wrdreg $0xA  }
0xbf: {  	_ =	task.clear_ibuf [dreg:s22], $0x4FFFF;
	_ =	strace $0x90000049  }
0xc0: {  	s29 =	simm.s32 $0xA;
	_ =	strace $0x8000004B  }
0xc1: {  	_ =	swait.ge [sflag:s29], $0x1  }
0xc2: {  	[sflag:s29] =	ssyncadd.s32 $0xFFFFFFFF  }
0xc3: {  	_ =	strace $0x9000004B  }
0xc4: {  	_ =	sfence  }
0xc5: {  	s30 =	sld [smem:$0x0];
	_ =	sdelay $0x2  }
0xc6: {  	s31 =	sshll.u32 s1, $0xD;
	s1 =	sshrl.u32 s1, $0x2  }
0xc7: {  	s4 =	sand.u32 $0x4000, s31;
	s1 =	sadd.s32 s1, s30  }
0xc8: {  	s0 =	sor.u32 s4, s0;
	s1 =	sshll.u32 s1, $0x11  }
0xc9: {  	s0 =	sor.u32 s1, s0  }
0xca: {  	s0 =	sadd.s32 $0x8F2B, s0  }
0xcb: {  	[sflag:s0] =	ssyncadd.remote.s32 $0x1  }
0xcc: {  	_ =	sfence.sel $0xFFFF  }
0xcd: {  	[dreg:$0x0] =	wrdreg $0xFFFFFFFF;
	(pc) =	sbr.abs _section_cstart, $3  }
0xce: {  	[dreg:$0x1] =	wrdreg $0xFFFFFFFF  }
0xcf: {  	_ =	task.clear_ibuf [dreg:s22], $0x2FFFF;
	_ =	strace $0x9FFFFFFF  }
0xd0: {  	(tm) =	ssettm $0x7FFFFFFF  }
0xd1: {  	_ =	shalt  }
tec
execute0_lowered:
.L_overlay_start_1:
0x0: {  	(tag) =	ssettag $0x1  }
0x1: {  	s0 =	srdreg.scid  }
0x2: {  	s1 =	stileid.u32;
	s0 =	sand.u32 $0x1, s0  }
0x3: {  	s3 =	rddreg [dreg:$0x0];
	s1 =	sshll.u32 s1, $0xC;
	s2 =	sshll.u32 s0, $0xB  }
0x4: {  	s30 =	simm.s32 $0x9;
	s1 =	sor.u32 s2, s1;
	s2 =	simm.s32 $0x0  }
0x5: {  	s26 =	simm.s32 $0x100;
	s4 =	sshrl.u32 s1, $0x3;
	[smem:$0x7FF] =	sst s2  }
0x6: {  	s1 =	sshll.u32 s1, $0x4;
	s4 =	sadd.s32 s4, s3;
	_ =	strace $0x8000004A  }
0x7: {  	s1 =	sadd.s32 s1, s3;
	[dreg:$0x13] =	wrdreg s26;
	s4 =	sadd.s32 $0x114C00, s4  }
0x8: {  	s9 =	simm.s32 $0x4800;
	s11 =	sadd.s32 $0x116C00, s1;
	[dreg:$0x2] =	wrdreg s4  }
0x9: {  	s8 =	simm.s32 $0x8800;
	s12 =	sadd.s32 $0x117400, s1;
	[dreg:$0x3] =	wrdreg s11  }
0xa: {  	s31 =	simm.s32 $0x180;
	s13 =	sadd.s32 $0x117C00, s1;
	[dreg:$0x4] =	wrdreg s12  }
0xb: {  	s7 =	simm.s32 $0xC800;
	s14 =	sadd.s32 $0x118400, s1;
	[dreg:$0x5] =	wrdreg s13  }
0xc: {  	s29 =	simm.s32 $0x200;
	s15 =	sadd.s32 $0x118C00, s1;
	[dreg:$0x6] =	wrdreg s14  }
0xd: {  	s28 =	simm.s32 $0x280;
	s16 =	sadd.s32 $0x119400, s1;
	[dreg:$0x7] =	wrdreg s15  }
0xe: {  	s6 =	simm.s32 $0x8;
	s17 =	sadd.s32 $0x119C00, s1;
	[dreg:$0x8] =	wrdreg s16  }
0xf: {  	p0 =	por $0x0, $0x0;
	s18 =	sadd.s32 $0x11A400, s1;
	[dreg:$0x9] =	wrdreg s17  }
0x10: {  	s10 =	sadd.s32 $0x4C00, s3;
	s19 =	sadd.s32 $0x11AC00, s1;
	[dreg:$0xa] =	wrdreg s18  }
0x11: {  	s0 =	ssub.s32 $0x2, s0;
	s20 =	sadd.s32 $0x11B400, s1;
	[dreg:$0xb] =	wrdreg s19  }
0x12: {  	s5 =	sshrl.u32 s0, $0x1;
	s21 =	sadd.s32 $0x11BC00, s1;
	[dreg:$0xc] =	wrdreg s20  }
0x13: {  	s0 =	ssub.s32 s0, s5;
	s22 =	sadd.s32 $0x11C400, s1;
	[dreg:$0xd] =	wrdreg s21  }
0x14: {  	s5 =	simm.s32 $0x7;
	s23 =	sadd.s32 $0x11CC00, s1;
	[dreg:$0xe] =	wrdreg s22  }
0x15: {  	s0 =	smax.u32 s0, $0x1;
	s24 =	sadd.s32 $0x11D400, s1;
	[dreg:$0xf] =	wrdreg s23  }
0x16: {  	s3 =	simm.s32 $0x5;
	s25 =	sadd.s32 $0x11DC00, s1;
	[dreg:$0x10] =	wrdreg s24  }
0x17: {  	s26 =	simm.s32 $0x300;
	s1 =	sadd.s32 $0x11E400, s1;
	[dreg:$0x11] =	wrdreg s25  }
0x18: {  	p1 =	sne.s32 s0, $0x1;
	[dreg:$0x12] =	wrdreg s1;
	s13 =	simm.s32 $0x80  }
0x19: {  	s11 =	simm.s32 $0x800;
	s16 =	simm.s32 $0x1;
	s15 =	simm.s32 $0x2  }
.Ltmp0:
0x1a: {  	s4 =	simm.s32 $0x6;
	s14 =	simm.s32 $0x3;
	(pc) =	sbr.rel @!p1 .LBB2_3-.Ltmp0, $4  }
0x1b: {  	s12 =	simm.s32 $0x4;
	s25 =	simm.s32 $0x380;
	s24 =	simm.s32 $0x400  }
0x1c: {  	s23 =	simm.s32 $0x480;
	s1 =	sadd.s32 $0xFFFFFFFF, s0;
	s22 =	simm.s32 $0x500  }
0x1d: {  	s21 =	simm.s32 $0x580;
	s20 =	simm.s32 $0x600;
	s19 =	simm.s32 $0x680  }
0x1e: {  	s18 =	simm.s32 $0x700;
	s17 =	simm.s32 $0x780;
	s0 =	rddreg [dreg:$0x2]  }
0x1f: {  	[tilespmem:s2], [sflag:$0x9] =	stream.linear.gather [hbm4b:s0+s2], $0x800, $0x38;
	[tilespmem:$0x10800] =	vst v63  }
0x20: {  	_ =	swait.ge [sflag:s30], $0x800  }
0x21: {  	[sflag:s30] =	ssyncset.done $0x0  }
0x22: {  	[sflag:s30] =	ssyncadd.s32 $0xFFFFF800  }
0x23: {  	[tilespmem:s11], [sflag:$0x1] =	stream.indirect.gather [hbm4b:s10+s13], $0x80, s2, s13, $0xb8;
	[tilespmem:$0x10800] =	vst v63  }
0x24: {  	_ = 	snop  }
0x25: {  	[tilespmem:s9], [sflag:$0x2] =	stream.indirect.gather [hbm4b:s10+s13], $0x80, s13, s13, $0xb8;
	[tilespmem:$0x10800] =	vst v63  }
0x26: {  	s0 =	rddreg [dreg:$0x13]  }
0x27: {  	[tilespmem:s8], [sflag:$0x3] =	stream.indirect.gather [hbm4b:s10+s13], $0x80, s0, s13, $0xb8;
	[tilespmem:$0x10800] =	vst v63  }
0x28: {  	_ = 	snop  }
0x29: {  	[tilespmem:s7], [sflag:$0x4] =	stream.indirect.gather [hbm4b:s10+s13], $0x80, s31, s13, $0xb8;
	[tilespmem:$0x10800] =	vst v63  }
0x2a: {  	_ =	swait.ge [sflag:s16], $0x4000  }
0x2b: {  	[sflag:s16] =	ssyncset.done $0x0  }
0x2c: {  	s0 =	rddreg [dreg:$0x3];
	[sflag:s16] =	ssyncadd.s32 $0xFFFFC000  }
0x2d: {  	[hbm4b:s0+s2] =	stream.linear.scatter [tilespmem:s11], [sflag:$0x5], $0x4000, $0x38;
	[tilespmem:$0x10800] =	vst v63  }
0x2e: {  	_ =	swait.ge [sflag:s3], $0x4000  }
0x2f: {  	[sflag:s3] =	ssyncset.done $0x0  }
0x30: {  	[sflag:s3] =	ssyncadd.s32 $0xFFFFC000  }
0x31: {  	[tilespmem:s11], [sflag:$0x1] =	stream.indirect.gather [hbm4b:s10+s13], $0x80, s29, s13, $0xb8;
	[tilespmem:$0x10800] =	vst v63  }
0x32: {  	_ =	swait.ge [sflag:s15], $0x4000  }
0x33: {  	[sflag:s15] =	ssyncset.done $0x0  }
0x34: {  	s0 =	rddreg [dreg:$0x4];
	[sflag:s15] =	ssyncadd.s32 $0xFFFFC000  }
0x35: {  	[hbm4b:s0+s2] =	stream.linear.scatter [tilespmem:s9], [sflag:$0x6], $0x4000, $0x38;
	[tilespmem:$0x10800] =	vst v63  }
0x36: {  	_ =	swait.ge [sflag:s4], $0x4000  }
0x37: {  	[sflag:s4] =	ssyncset.done $0x0  }
0x38: {  	[sflag:s4] =	ssyncadd.s32 $0xFFFFC000  }
0x39: {  	[tilespmem:s9], [sflag:$0x2] =	stream.indirect.gather [hbm4b:s10+s13], $0x80, s28, s13, $0xb8;
	[tilespmem:$0x10800] =	vst v63  }
0x3a: {  	_ =	swait.ge [sflag:s14], $0x4000  }
0x3b: {  	[sflag:s14] =	ssyncset.done $0x0  }
0x3c: {  	s0 =	rddreg [dreg:$0x5];
	[sflag:s14] =	ssyncadd.s32 $0xFFFFC000  }
0x3d: {  	[hbm4b:s0+s2] =	stream.linear.scatter [tilespmem:s8], [sflag:$0x7], $0x4000, $0x38;
	[tilespmem:$0x10800] =	vst v63  }
0x3e: {  	_ =	swait.ge [sflag:s5], $0x4000  }
0x3f: {  	[sflag:s5] =	ssyncset.done $0x0  }
0x40: {  	[sflag:s5] =	ssyncadd.s32 $0xFFFFC000  }
0x41: {  	[tilespmem:s8], [sflag:$0x3] =	stream.indirect.gather [hbm4b:s10+s13], $0x80, s26, s13, $0xb8;
	[tilespmem:$0x10800] =	vst v63  }
0x42: {  	_ =	swait.ge [sflag:s12], $0x4000  }
0x43: {  	[sflag:s12] =	ssyncset.done $0x0  }
0x44: {  	s0 =	rddreg [dreg:$0x6];
	[sflag:s12] =	ssyncadd.s32 $0xFFFFC000  }
0x45: {  	[hbm4b:s0+s2] =	stream.linear.scatter [tilespmem:s7], [sflag:$0x8], $0x4000, $0x38;
	[tilespmem:$0x10800] =	vst v63  }
0x46: {  	_ =	swait.ge [sflag:s6], $0x4000  }
0x47: {  	[sflag:s6] =	ssyncset.done $0x0  }
0x48: {  	[sflag:s6] =	ssyncadd.s32 $0xFFFFC000  }
0x49: {  	[tilespmem:s7], [sflag:$0x4] =	stream.indirect.gather [hbm4b:s10+s13], $0x80, s25, s13, $0xb8;
	[tilespmem:$0x10800] =	vst v63  }
0x4a: {  	_ =	swait.ge [sflag:s16], $0x4000  }
0x4b: {  	[sflag:s16] =	ssyncset.done $0x0  }
0x4c: {  	s0 =	rddreg [dreg:$0x7];
	[sflag:s16] =	ssyncadd.s32 $0xFFFFC000  }
0x4d: {  	[hbm4b:s0+s2] =	stream.linear.scatter [tilespmem:s11], [sflag:$0x5], $0x4000, $0x38;
	[tilespmem:$0x10800] =	vst v63  }
0x4e: {  	_ =	swait.ge [sflag:s3], $0x4000  }
0x4f: {  	[sflag:s3] =	ssyncset.done $0x0  }
0x50: {  	[sflag:s3] =	ssyncadd.s32 $0xFFFFC000  }
0x51: {  	[tilespmem:s11], [sflag:$0x1] =	stream.indirect.gather [hbm4b:s10+s13], $0x80, s24, s13, $0xb8;
	[tilespmem:$0x10800] =	vst v63  }
0x52: {  	_ =	swait.ge [sflag:s15], $0x4000  }
0x53: {  	[sflag:s15] =	ssyncset.done $0x0  }
0x54: {  	s0 =	rddreg [dreg:$0x8];
	[sflag:s15] =	ssyncadd.s32 $0xFFFFC000  }
0x55: {  	[hbm4b:s0+s2] =	stream.linear.scatter [tilespmem:s9], [sflag:$0x6], $0x4000, $0x38;
	[tilespmem:$0x10800] =	vst v63  }
0x56: {  	_ =	swait.ge [sflag:s4], $0x4000  }
0x57: {  	[sflag:s4] =	ssyncset.done $0x0  }
0x58: {  	[sflag:s4] =	ssyncadd.s32 $0xFFFFC000  }
0x59: {  	[tilespmem:s9], [sflag:$0x2] =	stream.indirect.gather [hbm4b:s10+s13], $0x80, s23, s13, $0xb8;
	[tilespmem:$0x10800] =	vst v63  }
0x5a: {  	_ =	swait.ge [sflag:s14], $0x4000  }
0x5b: {  	[sflag:s14] =	ssyncset.done $0x0  }
0x5c: {  	s0 =	rddreg [dreg:$0x9];
	[sflag:s14] =	ssyncadd.s32 $0xFFFFC000  }
0x5d: {  	[hbm4b:s0+s2] =	stream.linear.scatter [tilespmem:s8], [sflag:$0x7], $0x4000, $0x38;
	[tilespmem:$0x10800] =	vst v63  }
0x5e: {  	_ =	swait.ge [sflag:s5], $0x4000  }
0x5f: {  	[sflag:s5] =	ssyncset.done $0x0  }
0x60: {  	[sflag:s5] =	ssyncadd.s32 $0xFFFFC000  }
0x61: {  	[tilespmem:s8], [sflag:$0x3] =	stream.indirect.gather [hbm4b:s10+s13], $0x80, s22, s13, $0xb8;
	[tilespmem:$0x10800] =	vst v63  }
0x62: {  	_ =	swait.ge [sflag:s12], $0x4000  }
0x63: {  	[sflag:s12] =	ssyncset.done $0x0  }
0x64: {  	s0 =	rddreg [dreg:$0xa];
	[sflag:s12] =	ssyncadd.s32 $0xFFFFC000  }
0x65: {  	[hbm4b:s0+s2] =	stream.linear.scatter [tilespmem:s7], [sflag:$0x8], $0x4000, $0x38;
	[tilespmem:$0x10800] =	vst v63  }
0x66: {  	_ =	swait.ge [sflag:s6], $0x4000  }
0x67: {  	[sflag:s6] =	ssyncset.done $0x0  }
0x68: {  	[sflag:s6] =	ssyncadd.s32 $0xFFFFC000  }
0x69: {  	[tilespmem:s7], [sflag:$0x4] =	stream.indirect.gather [hbm4b:s10+s13], $0x80, s21, s13, $0xb8;
	[tilespmem:$0x10800] =	vst v63  }
0x6a: {  	_ =	swait.ge [sflag:s16], $0x4000  }
0x6b: {  	[sflag:s16] =	ssyncset.done $0x0  }
0x6c: {  	s0 =	rddreg [dreg:$0xb];
	[sflag:s16] =	ssyncadd.s32 $0xFFFFC000  }
0x6d: {  	[hbm4b:s0+s2] =	stream.linear.scatter [tilespmem:s11], [sflag:$0x5], $0x4000, $0x38;
	[tilespmem:$0x10800] =	vst v63  }
0x6e: {  	_ =	swait.ge [sflag:s3], $0x4000  }
0x6f: {  	[sflag:s3] =	ssyncset.done $0x0  }
0x70: {  	[sflag:s3] =	ssyncadd.s32 $0xFFFFC000  }
0x71: {  	[tilespmem:s11], [sflag:$0x1] =	stream.indirect.gather [hbm4b:s10+s13], $0x80, s20, s13, $0xb8;
	[tilespmem:$0x10800] =	vst v63  }
0x72: {  	_ =	swait.ge [sflag:s15], $0x4000  }
0x73: {  	[sflag:s15] =	ssyncset.done $0x0  }
0x74: {  	s0 =	rddreg [dreg:$0xc];
	[sflag:s15] =	ssyncadd.s32 $0xFFFFC000  }
0x75: {  	[hbm4b:s0+s2] =	stream.linear.scatter [tilespmem:s9], [sflag:$0x6], $0x4000, $0x38;
	[tilespmem:$0x10800] =	vst v63  }
0x76: {  	_ =	swait.ge [sflag:s4], $0x4000  }
0x77: {  	[sflag:s4] =	ssyncset.done $0x0  }
0x78: {  	[sflag:s4] =	ssyncadd.s32 $0xFFFFC000  }
0x79: {  	[tilespmem:s9], [sflag:$0x2] =	stream.indirect.gather [hbm4b:s10+s13], $0x80, s19, s13, $0xb8;
	[tilespmem:$0x10800] =	vst v63  }
0x7a: {  	_ =	swait.ge [sflag:s14], $0x4000  }
0x7b: {  	[sflag:s14] =	ssyncset.done $0x0  }
0x7c: {  	s0 =	rddreg [dreg:$0xd];
	[sflag:s14] =	ssyncadd.s32 $0xFFFFC000  }
0x7d: {  	[hbm4b:s0+s2] =	stream.linear.scatter [tilespmem:s8], [sflag:$0x7], $0x4000, $0x38;
	[tilespmem:$0x10800] =	vst v63  }
0x7e: {  	_ =	swait.ge [sflag:s5], $0x4000  }
0x7f: {  	[sflag:s5] =	ssyncset.done $0x0  }
0x80: {  	[sflag:s5] =	ssyncadd.s32 $0xFFFFC000  }
0x81: {  	[tilespmem:s8], [sflag:$0x3] =	stream.indirect.gather [hbm4b:s10+s13], $0x80, s18, s13, $0xb8;
	[tilespmem:$0x10800] =	vst v63  }
0x82: {  	_ =	swait.ge [sflag:s12], $0x4000  }
0x83: {  	[sflag:s12] =	ssyncset.done $0x0  }
0x84: {  	s0 =	rddreg [dreg:$0xe];
	[sflag:s12] =	ssyncadd.s32 $0xFFFFC000  }
0x85: {  	[hbm4b:s0+s2] =	stream.linear.scatter [tilespmem:s7], [sflag:$0x8], $0x4000, $0x38;
	[tilespmem:$0x10800] =	vst v63  }
0x86: {  	_ =	swait.ge [sflag:s6], $0x4000  }
0x87: {  	[sflag:s6] =	ssyncset.done $0x0  }
0x88: {  	[sflag:s6] =	ssyncadd.s32 $0xFFFFC000  }
0x89: {  	[tilespmem:s7], [sflag:$0x4] =	stream.indirect.gather [hbm4b:s10+s13], $0x80, s17, s13, $0xb8;
	[tilespmem:$0x10800] =	vst v63  }
0x8a: {  	_ =	swait.ge [sflag:s16], $0x4000  }
0x8b: {  	[sflag:s16] =	ssyncset.done $0x0  }
0x8c: {  	s0 =	rddreg [dreg:$0xf];
	[sflag:s16] =	ssyncadd.s32 $0xFFFFC000  }
0x8d: {  	[hbm4b:s0+s2] =	stream.linear.scatter [tilespmem:s11], [sflag:$0x5], $0x4000, $0x38;
	[tilespmem:$0x10800] =	vst v63  }
0x8e: {  	_ =	swait.ge [sflag:s15], $0x4000  }
0x8f: {  	[sflag:s15] =	ssyncset.done $0x0  }
0x90: {  	s0 =	rddreg [dreg:$0x10];
	[sflag:s15] =	ssyncadd.s32 $0xFFFFC000  }
0x91: {  	[hbm4b:s0+s2] =	stream.linear.scatter [tilespmem:s9], [sflag:$0x6], $0x4000, $0x38;
	[tilespmem:$0x10800] =	vst v63  }
0x92: {  	_ =	swait.ge [sflag:s14], $0x4000  }
0x93: {  	[sflag:s14] =	ssyncset.done $0x0  }
0x94: {  	s0 =	rddreg [dreg:$0x11];
	[sflag:s14] =	ssyncadd.s32 $0xFFFFC000  }
0x95: {  	[hbm4b:s0+s2] =	stream.linear.scatter [tilespmem:s8], [sflag:$0x7], $0x4000, $0x38;
	[tilespmem:$0x10800] =	vst v63  }
0x96: {  	_ =	swait.ge [sflag:s12], $0x4000  }
0x97: {  	[sflag:s12] =	ssyncset.done $0x0  }
0x98: {  	s0 =	rddreg [dreg:$0x12];
	[sflag:s12] =	ssyncadd.s32 $0xFFFFC000  }
0x99: {  	[hbm4b:s0+s2] =	stream.linear.scatter [tilespmem:s7], [sflag:$0x8], $0x4000, $0x38;
	[tilespmem:$0x10800] =	vst v63  }
0x9a: {  	_ =	swait.ge [sflag:s3], $0x4000  }
0x9b: {  	[sflag:s3] =	ssyncset.done $0x0  }
0x9c: {  	[sflag:s3] =	ssyncadd.s32 $0xFFFFC000  }
0x9d: {  	_ =	swait.ge [sflag:s4], $0x4000  }
0x9e: {  	[sflag:s4] =	ssyncset.done $0x0  }
0x9f: {  	p1 =	sne.s32 s1, $0x1;
	[sflag:s4] =	ssyncadd.s32 $0xFFFFC000  }
.Ltmp1:
0xa0: {  	_ =	swait.ge [sflag:s5], $0x4000;
	(pc) =	sbr.rel @!p1 .LBB2_3-.Ltmp1, $4  }
0xa1: {  	[sflag:s5] =	ssyncset.done $0x0  }
0xa2: {  	[sflag:s5] =	ssyncadd.s32 $0xFFFFC000  }
0xa3: {  	s1 =	sadd.s32 $0xFFFFFFFF, s1;
	_ =	swait.ge [sflag:s6], $0x4000  }
0xa4: {  	p0 =	por $0x1, $0x1;
	s0 =	rddreg [dreg:$0x2];
	[sflag:s6] =	ssyncset.done $0x0  }
.LBB2_2:
0xa5: {  	[sflag:s6] =	ssyncadd.s32 $0xFFFFC000  }
0xa6: {  	[tilespmem:s2], [sflag:$0x9] =	stream.linear.gather [hbm4b:s0+s2], $0x800, $0x38;
	[tilespmem:$0x10800] =	vst v63  }
0xa7: {  	_ =	swait.ge [sflag:s30], $0x800  }
0xa8: {  	[sflag:s30] =	ssyncset.done $0x0  }
0xa9: {  	[sflag:s30] =	ssyncadd.s32 $0xFFFFF800  }
0xaa: {  	[tilespmem:s11], [sflag:$0x1] =	stream.indirect.gather [hbm4b:s10+s13], $0x80, s2, s13, $0xb8;
	[tilespmem:$0x10800] =	vst v63  }
0xab: {  	_ = 	snop  }
0xac: {  	[tilespmem:s9], [sflag:$0x2] =	stream.indirect.gather [hbm4b:s10+s13], $0x80, s13, s13, $0xb8;
	[tilespmem:$0x10800] =	vst v63  }
0xad: {  	s0 =	rddreg [dreg:$0x13]  }
0xae: {  	[tilespmem:s8], [sflag:$0x3] =	stream.indirect.gather [hbm4b:s10+s13], $0x80, s0, s13, $0xb8;
	[tilespmem:$0x10800] =	vst v63  }
0xaf: {  	_ = 	snop  }
0xb0: {  	[tilespmem:s7], [sflag:$0x4] =	stream.indirect.gather [hbm4b:s10+s13], $0x80, s31, s13, $0xb8;
	[tilespmem:$0x10800] =	vst v63  }
0xb1: {  	_ =	swait.ge [sflag:s16], $0x4000  }
0xb2: {  	[sflag:s16] =	ssyncset.done $0x0  }
0xb3: {  	s0 =	rddreg [dreg:$0x3];
	[sflag:s16] =	ssyncadd.s32 $0xFFFFC000  }
0xb4: {  	[hbm4b:s0+s2] =	stream.linear.scatter [tilespmem:s11], [sflag:$0x5], $0x4000, $0x38;
	[tilespmem:$0x10800] =	vst v63  }
0xb5: {  	_ =	swait.ge [sflag:s3], $0x4000  }
0xb6: {  	[sflag:s3] =	ssyncset.done $0x0  }
0xb7: {  	[sflag:s3] =	ssyncadd.s32 $0xFFFFC000  }
0xb8: {  	[tilespmem:s11], [sflag:$0x1] =	stream.indirect.gather [hbm4b:s10+s13], $0x80, s29, s13, $0xb8;
	[tilespmem:$0x10800] =	vst v63  }
0xb9: {  	_ =	swait.ge [sflag:s15], $0x4000  }
0xba: {  	[sflag:s15] =	ssyncset.done $0x0  }
0xbb: {  	s0 =	rddreg [dreg:$0x4];
	[sflag:s15] =	ssyncadd.s32 $0xFFFFC000  }
0xbc: {  	[hbm4b:s0+s2] =	stream.linear.scatter [tilespmem:s9], [sflag:$0x6], $0x4000, $0x38;
	[tilespmem:$0x10800] =	vst v63  }
0xbd: {  	_ =	swait.ge [sflag:s4], $0x4000  }
0xbe: {  	[sflag:s4] =	ssyncset.done $0x0  }
0xbf: {  	[sflag:s4] =	ssyncadd.s32 $0xFFFFC000  }
0xc0: {  	[tilespmem:s9], [sflag:$0x2] =	stream.indirect.gather [hbm4b:s10+s13], $0x80, s28, s13, $0xb8;
	[tilespmem:$0x10800] =	vst v63  }
0xc1: {  	_ =	swait.ge [sflag:s14], $0x4000  }
0xc2: {  	[sflag:s14] =	ssyncset.done $0x0  }
0xc3: {  	s0 =	rddreg [dreg:$0x5];
	[sflag:s14] =	ssyncadd.s32 $0xFFFFC000  }
0xc4: {  	[hbm4b:s0+s2] =	stream.linear.scatter [tilespmem:s8], [sflag:$0x7], $0x4000, $0x38;
	[tilespmem:$0x10800] =	vst v63  }
0xc5: {  	_ =	swait.ge [sflag:s5], $0x4000  }
0xc6: {  	[sflag:s5] =	ssyncset.done $0x0  }
0xc7: {  	[sflag:s5] =	ssyncadd.s32 $0xFFFFC000  }
0xc8: {  	[tilespmem:s8], [sflag:$0x3] =	stream.indirect.gather [hbm4b:s10+s13], $0x80, s26, s13, $0xb8;
	[tilespmem:$0x10800] =	vst v63  }
0xc9: {  	_ =	swait.ge [sflag:s12], $0x4000  }
0xca: {  	[sflag:s12] =	ssyncset.done $0x0  }
0xcb: {  	s0 =	rddreg [dreg:$0x6];
	[sflag:s12] =	ssyncadd.s32 $0xFFFFC000  }
0xcc: {  	[hbm4b:s0+s2] =	stream.linear.scatter [tilespmem:s7], [sflag:$0x8], $0x4000, $0x38;
	[tilespmem:$0x10800] =	vst v63  }
0xcd: {  	_ =	swait.ge [sflag:s6], $0x4000  }
0xce: {  	[sflag:s6] =	ssyncset.done $0x0  }
0xcf: {  	[sflag:s6] =	ssyncadd.s32 $0xFFFFC000  }
0xd0: {  	[tilespmem:s7], [sflag:$0x4] =	stream.indirect.gather [hbm4b:s10+s13], $0x80, s25, s13, $0xb8;
	[tilespmem:$0x10800] =	vst v63  }
0xd1: {  	_ =	swait.ge [sflag:s16], $0x4000  }
0xd2: {  	[sflag:s16] =	ssyncset.done $0x0  }
0xd3: {  	s0 =	rddreg [dreg:$0x7];
	[sflag:s16] =	ssyncadd.s32 $0xFFFFC000  }
0xd4: {  	[hbm4b:s0+s2] =	stream.linear.scatter [tilespmem:s11], [sflag:$0x5], $0x4000, $0x38;
	[tilespmem:$0x10800] =	vst v63  }
0xd5: {  	_ =	swait.ge [sflag:s3], $0x4000  }
0xd6: {  	[sflag:s3] =	ssyncset.done $0x0  }
0xd7: {  	[sflag:s3] =	ssyncadd.s32 $0xFFFFC000  }
0xd8: {  	[tilespmem:s11], [sflag:$0x1] =	stream.indirect.gather [hbm4b:s10+s13], $0x80, s24, s13, $0xb8;
	[tilespmem:$0x10800] =	vst v63  }
0xd9: {  	_ =	swait.ge [sflag:s15], $0x4000  }
0xda: {  	[sflag:s15] =	ssyncset.done $0x0  }
0xdb: {  	s0 =	rddreg [dreg:$0x8];
	[sflag:s15] =	ssyncadd.s32 $0xFFFFC000  }
0xdc: {  	[hbm4b:s0+s2] =	stream.linear.scatter [tilespmem:s9], [sflag:$0x6], $0x4000, $0x38;
	[tilespmem:$0x10800] =	vst v63  }
0xdd: {  	_ =	swait.ge [sflag:s4], $0x4000  }
0xde: {  	[sflag:s4] =	ssyncset.done $0x0  }
0xdf: {  	[sflag:s4] =	ssyncadd.s32 $0xFFFFC000  }
0xe0: {  	[tilespmem:s9], [sflag:$0x2] =	stream.indirect.gather [hbm4b:s10+s13], $0x80, s23, s13, $0xb8;
	[tilespmem:$0x10800] =	vst v63  }
0xe1: {  	_ =	swait.ge [sflag:s14], $0x4000  }
0xe2: {  	[sflag:s14] =	ssyncset.done $0x0  }
0xe3: {  	s0 =	rddreg [dreg:$0x9];
	[sflag:s14] =	ssyncadd.s32 $0xFFFFC000  }
0xe4: {  	[hbm4b:s0+s2] =	stream.linear.scatter [tilespmem:s8], [sflag:$0x7], $0x4000, $0x38;
	[tilespmem:$0x10800] =	vst v63  }
0xe5: {  	_ =	swait.ge [sflag:s5], $0x4000  }
0xe6: {  	[sflag:s5] =	ssyncset.done $0x0  }
0xe7: {  	[sflag:s5] =	ssyncadd.s32 $0xFFFFC000  }
0xe8: {  	[tilespmem:s8], [sflag:$0x3] =	stream.indirect.gather [hbm4b:s10+s13], $0x80, s22, s13, $0xb8;
	[tilespmem:$0x10800] =	vst v63  }
0xe9: {  	_ =	swait.ge [sflag:s12], $0x4000  }
0xea: {  	[sflag:s12] =	ssyncset.done $0x0  }
0xeb: {  	s0 =	rddreg [dreg:$0xa];
	[sflag:s12] =	ssyncadd.s32 $0xFFFFC000  }
0xec: {  	[hbm4b:s0+s2] =	stream.linear.scatter [tilespmem:s7], [sflag:$0x8], $0x4000, $0x38;
	[tilespmem:$0x10800] =	vst v63  }
0xed: {  	_ =	swait.ge [sflag:s6], $0x4000  }
0xee: {  	[sflag:s6] =	ssyncset.done $0x0  }
0xef: {  	[sflag:s6] =	ssyncadd.s32 $0xFFFFC000  }
0xf0: {  	[tilespmem:s7], [sflag:$0x4] =	stream.indirect.gather [hbm4b:s10+s13], $0x80, s21, s13, $0xb8;
	[tilespmem:$0x10800] =	vst v63  }
0xf1: {  	_ =	swait.ge [sflag:s16], $0x4000  }
0xf2: {  	[sflag:s16] =	ssyncset.done $0x0  }
0xf3: {  	s0 =	rddreg [dreg:$0xb];
	[sflag:s16] =	ssyncadd.s32 $0xFFFFC000  }
0xf4: {  	[hbm4b:s0+s2] =	stream.linear.scatter [tilespmem:s11], [sflag:$0x5], $0x4000, $0x38;
	[tilespmem:$0x10800] =	vst v63  }
0xf5: {  	_ =	swait.ge [sflag:s3], $0x4000  }
0xf6: {  	[sflag:s3] =	ssyncset.done $0x0  }
0xf7: {  	[sflag:s3] =	ssyncadd.s32 $0xFFFFC000  }
0xf8: {  	[tilespmem:s11], [sflag:$0x1] =	stream.indirect.gather [hbm4b:s10+s13], $0x80, s20, s13, $0xb8;
	[tilespmem:$0x10800] =	vst v63  }
0xf9: {  	_ =	swait.ge [sflag:s15], $0x4000  }
0xfa: {  	[sflag:s15] =	ssyncset.done $0x0  }
0xfb: {  	s0 =	rddreg [dreg:$0xc];
	[sflag:s15] =	ssyncadd.s32 $0xFFFFC000  }
0xfc: {  	[hbm4b:s0+s2] =	stream.linear.scatter [tilespmem:s9], [sflag:$0x6], $0x4000, $0x38;
	[tilespmem:$0x10800] =	vst v63  }
0xfd: {  	_ =	swait.ge [sflag:s4], $0x4000  }
0xfe: {  	[sflag:s4] =	ssyncset.done $0x0  }
0xff: {  	[sflag:s4] =	ssyncadd.s32 $0xFFFFC000  }
0x100: {  	[tilespmem:s9], [sflag:$0x2] =	stream.indirect.gather [hbm4b:s10+s13], $0x80, s19, s13, $0xb8;
	[tilespmem:$0x10800] =	vst v63  }
0x101: {  	_ =	swait.ge [sflag:s14], $0x4000  }
0x102: {  	[sflag:s14] =	ssyncset.done $0x0  }
0x103: {  	s0 =	rddreg [dreg:$0xd];
	[sflag:s14] =	ssyncadd.s32 $0xFFFFC000  }
0x104: {  	[hbm4b:s0+s2] =	stream.linear.scatter [tilespmem:s8], [sflag:$0x7], $0x4000, $0x38;
	[tilespmem:$0x10800] =	vst v63  }
0x105: {  	_ =	swait.ge [sflag:s5], $0x4000  }
0x106: {  	[sflag:s5] =	ssyncset.done $0x0  }
0x107: {  	[sflag:s5] =	ssyncadd.s32 $0xFFFFC000  }
0x108: {  	[tilespmem:s8], [sflag:$0x3] =	stream.indirect.gather [hbm4b:s10+s13], $0x80, s18, s13, $0xb8;
	[tilespmem:$0x10800] =	vst v63  }
0x109: {  	_ =	swait.ge [sflag:s12], $0x4000  }
0x10a: {  	[sflag:s12] =	ssyncset.done $0x0  }
0x10b: {  	s0 =	rddreg [dreg:$0xe];
	[sflag:s12] =	ssyncadd.s32 $0xFFFFC000  }
0x10c: {  	[hbm4b:s0+s2] =	stream.linear.scatter [tilespmem:s7], [sflag:$0x8], $0x4000, $0x38;
	[tilespmem:$0x10800] =	vst v63  }
0x10d: {  	_ =	swait.ge [sflag:s6], $0x4000  }
0x10e: {  	[sflag:s6] =	ssyncset.done $0x0  }
0x10f: {  	[sflag:s6] =	ssyncadd.s32 $0xFFFFC000  }
0x110: {  	[tilespmem:s7], [sflag:$0x4] =	stream.indirect.gather [hbm4b:s10+s13], $0x80, s17, s13, $0xb8;
	[tilespmem:$0x10800] =	vst v63  }
0x111: {  	_ =	swait.ge [sflag:s16], $0x4000  }
0x112: {  	[sflag:s16] =	ssyncset.done $0x0  }
0x113: {  	s0 =	rddreg [dreg:$0xf];
	[sflag:s16] =	ssyncadd.s32 $0xFFFFC000  }
0x114: {  	[hbm4b:s0+s2] =	stream.linear.scatter [tilespmem:s11], [sflag:$0x5], $0x4000, $0x38;
	[tilespmem:$0x10800] =	vst v63  }
0x115: {  	_ =	swait.ge [sflag:s15], $0x4000  }
0x116: {  	[sflag:s15] =	ssyncset.done $0x0  }
0x117: {  	s0 =	rddreg [dreg:$0x10];
	[sflag:s15] =	ssyncadd.s32 $0xFFFFC000  }
0x118: {  	[hbm4b:s0+s2] =	stream.linear.scatter [tilespmem:s9], [sflag:$0x6], $0x4000, $0x38;
	[tilespmem:$0x10800] =	vst v63  }
0x119: {  	_ =	swait.ge [sflag:s14], $0x4000  }
0x11a: {  	[sflag:s14] =	ssyncset.done $0x0  }
0x11b: {  	s0 =	rddreg [dreg:$0x11];
	[sflag:s14] =	ssyncadd.s32 $0xFFFFC000  }
0x11c: {  	[hbm4b:s0+s2] =	stream.linear.scatter [tilespmem:s8], [sflag:$0x7], $0x4000, $0x38;
	[tilespmem:$0x10800] =	vst v63  }
0x11d: {  	_ =	swait.ge [sflag:s12], $0x4000  }
0x11e: {  	[sflag:s12] =	ssyncset.done $0x0  }
0x11f: {  	s0 =	rddreg [dreg:$0x12];
	[sflag:s12] =	ssyncadd.s32 $0xFFFFC000  }
0x120: {  	[hbm4b:s0+s2] =	stream.linear.scatter [tilespmem:s7], [sflag:$0x8], $0x4000, $0x38;
	[tilespmem:$0x10800] =	vst v63  }
0x121: {  	_ =	swait.ge [sflag:s3], $0x4000  }
0x122: {  	[sflag:s3] =	ssyncset.done $0x0  }
0x123: {  	[sflag:s3] =	ssyncadd.s32 $0xFFFFC000  }
0x124: {  	_ =	swait.ge [sflag:s4], $0x4000  }
0x125: {  	[sflag:s4] =	ssyncset.done $0x0  }
0x126: {  	p1 =	sne.s32 s1, $0x1;
	[sflag:s4] =	ssyncadd.s32 $0xFFFFC000  }
.Ltmp2:
0x127: {  	_ =	swait.ge [sflag:s5], $0x4000;
	(pc) =	sbr.rel @p1 .LBB2_2-.Ltmp2, $4  }
0x128: {  	[sflag:s5] =	ssyncset.done $0x0  }
0x129: {  	[sflag:s5] =	ssyncadd.s32 $0xFFFFC000  }
0x12a: {  	_ =	swait.ge [sflag:s6], $0x4000  }
0x12b: {  	s1 =	sadd.s32 $0xFFFFFFFF, s1;
	s0 =	rddreg [dreg:$0x2];
	[sflag:s6] =	ssyncset.done $0x0  }
.LBB2_3:
0x12c: {  	[sflag:s6] =	ssyncadd.s32 @p0 $0xFFFFC000  }
0x12d: {  	[tilespmem:s2], [sflag:$0x9] =	stream.linear.gather [hbm4b:s0+s2], $0x800, $0x38;
	[tilespmem:$0x10800] =	vst v63  }
0x12e: {  	_ =	swait.ge [sflag:s30], $0x800  }
0x12f: {  	[sflag:s30] =	ssyncset.done $0x0  }
0x130: {  	[sflag:s30] =	ssyncadd.s32 $0xFFFFF800  }
0x131: {  	[tilespmem:s11], [sflag:$0x1] =	stream.indirect.gather [hbm4b:s10+s13], $0x80, s2, s13, $0xb8;
	[tilespmem:$0x10800] =	vst v63  }
0x132: {  	_ = 	snop  }
0x133: {  	[tilespmem:s9], [sflag:$0x2] =	stream.indirect.gather [hbm4b:s10+s13], $0x80, s13, s13, $0xb8;
	[tilespmem:$0x10800] =	vst v63  }
0x134: {  	s1 =	rddreg [dreg:$0x13]  }
0x135: {  	[tilespmem:s8], [sflag:$0x3] =	stream.indirect.gather [hbm4b:s10+s13], $0x80, s1, s13, $0xb8;
	[tilespmem:$0x10800] =	vst v63  }
0x136: {  	_ = 	snop  }
0x137: {  	[tilespmem:s7], [sflag:$0x4] =	stream.indirect.gather [hbm4b:s10+s13], $0x80, s31, s13, $0xb8;
	[tilespmem:$0x10800] =	vst v63  }
0x138: {  	_ =	swait.ge [sflag:s16], $0x4000  }
0x139: {  	[sflag:s16] =	ssyncset.done $0x0  }
0x13a: {  	s30 =	rddreg [dreg:$0x3];
	[sflag:s16] =	ssyncadd.s32 $0xFFFFC000  }
0x13b: {  	[hbm4b:s30+s2] =	stream.linear.scatter [tilespmem:s11], [sflag:$0x5], $0x4000, $0x38;
	[tilespmem:$0x10800] =	vst v63  }
0x13c: {  	_ =	swait.ge [sflag:s3], $0x4000  }
0x13d: {  	[sflag:s3] =	ssyncset.done $0x0  }
0x13e: {  	[sflag:s3] =	ssyncadd.s32 $0xFFFFC000  }
0x13f: {  	[tilespmem:s11], [sflag:$0x1] =	stream.indirect.gather [hbm4b:s10+s13], $0x80, s29, s13, $0xb8;
	[tilespmem:$0x10800] =	vst v63  }
0x140: {  	_ =	swait.ge [sflag:s15], $0x4000  }
0x141: {  	[sflag:s15] =	ssyncset.done $0x0  }
0x142: {  	s31 =	rddreg [dreg:$0x4];
	[sflag:s15] =	ssyncadd.s32 $0xFFFFC000  }
0x143: {  	[hbm4b:s31+s2] =	stream.linear.scatter [tilespmem:s9], [sflag:$0x6], $0x4000, $0x38;
	[tilespmem:$0x10800] =	vst v63  }
0x144: {  	_ =	swait.ge [sflag:s4], $0x4000  }
0x145: {  	[sflag:s4] =	ssyncset.done $0x0  }
0x146: {  	[sflag:s4] =	ssyncadd.s32 $0xFFFFC000  }
0x147: {  	[tilespmem:s9], [sflag:$0x2] =	stream.indirect.gather [hbm4b:s10+s13], $0x80, s28, s13, $0xb8;
	[tilespmem:$0x10800] =	vst v63  }
0x148: {  	_ =	swait.ge [sflag:s14], $0x4000  }
0x149: {  	[sflag:s14] =	ssyncset.done $0x0  }
0x14a: {  	s1 =	rddreg [dreg:$0x5];
	[sflag:s14] =	ssyncadd.s32 $0xFFFFC000  }
0x14b: {  	[hbm4b:s1+s2] =	stream.linear.scatter [tilespmem:s8], [sflag:$0x7], $0x4000, $0x38;
	[tilespmem:$0x10800] =	vst v63  }
0x14c: {  	_ =	swait.ge [sflag:s5], $0x4000  }
0x14d: {  	[sflag:s5] =	ssyncset.done $0x0  }
0x14e: {  	[sflag:s5] =	ssyncadd.s32 $0xFFFFC000  }
0x14f: {  	[tilespmem:s8], [sflag:$0x3] =	stream.indirect.gather [hbm4b:s10+s13], $0x80, s26, s13, $0xb8;
	[tilespmem:$0x10800] =	vst v63  }
0x150: {  	_ =	swait.ge [sflag:s12], $0x4000  }
0x151: {  	[sflag:s12] =	ssyncset.done $0x0  }
0x152: {  	s28 =	rddreg [dreg:$0x6];
	[sflag:s12] =	ssyncadd.s32 $0xFFFFC000  }
0x153: {  	[hbm4b:s28+s2] =	stream.linear.scatter [tilespmem:s7], [sflag:$0x8], $0x4000, $0x38;
	[tilespmem:$0x10800] =	vst v63  }
0x154: {  	_ =	swait.ge [sflag:s6], $0x4000  }
0x155: {  	[sflag:s6] =	ssyncset.done $0x0  }
0x156: {  	[sflag:s6] =	ssyncadd.s32 $0xFFFFC000  }
0x157: {  	[tilespmem:s7], [sflag:$0x4] =	stream.indirect.gather [hbm4b:s10+s13], $0x80, s25, s13, $0xb8;
	[tilespmem:$0x10800] =	vst v63  }
0x158: {  	_ =	swait.ge [sflag:s16], $0x4000  }
0x159: {  	[sflag:s16] =	ssyncset.done $0x0  }
0x15a: {  	s29 =	rddreg [dreg:$0x7];
	[sflag:s16] =	ssyncadd.s32 $0xFFFFC000  }
0x15b: {  	[hbm4b:s29+s2] =	stream.linear.scatter [tilespmem:s11], [sflag:$0x5], $0x4000, $0x38;
	[tilespmem:$0x10800] =	vst v63  }
0x15c: {  	_ =	swait.ge [sflag:s3], $0x4000  }
0x15d: {  	[sflag:s3] =	ssyncset.done $0x0  }
0x15e: {  	[sflag:s3] =	ssyncadd.s32 $0xFFFFC000  }
0x15f: {  	[tilespmem:s11], [sflag:$0x1] =	stream.indirect.gather [hbm4b:s10+s13], $0x80, s24, s13, $0xb8;
	[tilespmem:$0x10800] =	vst v63  }
0x160: {  	_ =	swait.ge [sflag:s15], $0x4000  }
0x161: {  	[sflag:s15] =	ssyncset.done $0x0  }
0x162: {  	s30 =	rddreg [dreg:$0x8];
	[sflag:s15] =	ssyncadd.s32 $0xFFFFC000  }
0x163: {  	[hbm4b:s30+s2] =	stream.linear.scatter [tilespmem:s9], [sflag:$0x6], $0x4000, $0x38;
	[tilespmem:$0x10800] =	vst v63  }
0x164: {  	_ =	swait.ge [sflag:s4], $0x4000  }
0x165: {  	[sflag:s4] =	ssyncset.done $0x0  }
0x166: {  	[sflag:s4] =	ssyncadd.s32 $0xFFFFC000  }
0x167: {  	[tilespmem:s9], [sflag:$0x2] =	stream.indirect.gather [hbm4b:s10+s13], $0x80, s23, s13, $0xb8;
	[tilespmem:$0x10800] =	vst v63  }
0x168: {  	_ =	swait.ge [sflag:s14], $0x4000  }
0x169: {  	[sflag:s14] =	ssyncset.done $0x0  }
0x16a: {  	s31 =	rddreg [dreg:$0x9];
	[sflag:s14] =	ssyncadd.s32 $0xFFFFC000  }
0x16b: {  	[hbm4b:s31+s2] =	stream.linear.scatter [tilespmem:s8], [sflag:$0x7], $0x4000, $0x38;
	[tilespmem:$0x10800] =	vst v63  }
0x16c: {  	_ =	swait.ge [sflag:s5], $0x4000  }
0x16d: {  	[sflag:s5] =	ssyncset.done $0x0  }
0x16e: {  	[sflag:s5] =	ssyncadd.s32 $0xFFFFC000  }
0x16f: {  	[tilespmem:s8], [sflag:$0x3] =	stream.indirect.gather [hbm4b:s10+s13], $0x80, s22, s13, $0xb8;
	[tilespmem:$0x10800] =	vst v63  }
0x170: {  	_ =	swait.ge [sflag:s12], $0x4000  }
0x171: {  	[sflag:s12] =	ssyncset.done $0x0  }
0x172: {  	s1 =	rddreg [dreg:$0xa];
	[sflag:s12] =	ssyncadd.s32 $0xFFFFC000  }
0x173: {  	[hbm4b:s1+s2] =	stream.linear.scatter [tilespmem:s7], [sflag:$0x8], $0x4000, $0x38;
	[tilespmem:$0x10800] =	vst v63  }
0x174: {  	_ =	swait.ge [sflag:s6], $0x4000  }
0x175: {  	[sflag:s6] =	ssyncset.done $0x0  }
0x176: {  	[sflag:s6] =	ssyncadd.s32 $0xFFFFC000  }
0x177: {  	[tilespmem:s7], [sflag:$0x4] =	stream.indirect.gather [hbm4b:s10+s13], $0x80, s21, s13, $0xb8;
	[tilespmem:$0x10800] =	vst v63  }
0x178: {  	_ =	swait.ge [sflag:s16], $0x4000  }
0x179: {  	[sflag:s16] =	ssyncset.done $0x0  }
0x17a: {  	s22 =	rddreg [dreg:$0xb];
	[sflag:s16] =	ssyncadd.s32 $0xFFFFC000  }
0x17b: {  	[hbm4b:s22+s2] =	stream.linear.scatter [tilespmem:s11], [sflag:$0x5], $0x4000, $0x38;
	[tilespmem:$0x10800] =	vst v63  }
0x17c: {  	_ =	swait.ge [sflag:s3], $0x4000  }
0x17d: {  	[sflag:s3] =	ssyncset.done $0x0  }
0x17e: {  	[sflag:s3] =	ssyncadd.s32 $0xFFFFC000  }
0x17f: {  	[tilespmem:s11], [sflag:$0x1] =	stream.indirect.gather [hbm4b:s10+s13], $0x80, s20, s13, $0xb8;
	[tilespmem:$0x10800] =	vst v63  }
0x180: {  	_ =	swait.ge [sflag:s15], $0x4000  }
0x181: {  	[sflag:s15] =	ssyncset.done $0x0  }
0x182: {  	s23 =	rddreg [dreg:$0xc];
	[sflag:s15] =	ssyncadd.s32 $0xFFFFC000  }
0x183: {  	[hbm4b:s23+s2] =	stream.linear.scatter [tilespmem:s9], [sflag:$0x6], $0x4000, $0x38;
	[tilespmem:$0x10800] =	vst v63  }
0x184: {  	_ =	swait.ge [sflag:s4], $0x4000  }
0x185: {  	[sflag:s4] =	ssyncset.done $0x0  }
0x186: {  	[sflag:s4] =	ssyncadd.s32 $0xFFFFC000  }
0x187: {  	[tilespmem:s9], [sflag:$0x2] =	stream.indirect.gather [hbm4b:s10+s13], $0x80, s19, s13, $0xb8;
	[tilespmem:$0x10800] =	vst v63  }
0x188: {  	_ =	swait.ge [sflag:s14], $0x4000  }
0x189: {  	[sflag:s14] =	ssyncset.done $0x0  }
0x18a: {  	s24 =	rddreg [dreg:$0xd];
	[sflag:s14] =	ssyncadd.s32 $0xFFFFC000  }
0x18b: {  	[hbm4b:s24+s2] =	stream.linear.scatter [tilespmem:s8], [sflag:$0x7], $0x4000, $0x38;
	[tilespmem:$0x10800] =	vst v63  }
0x18c: {  	_ =	swait.ge [sflag:s5], $0x4000  }
0x18d: {  	[sflag:s5] =	ssyncset.done $0x0  }
0x18e: {  	[sflag:s5] =	ssyncadd.s32 $0xFFFFC000  }
0x18f: {  	[tilespmem:s8], [sflag:$0x3] =	stream.indirect.gather [hbm4b:s10+s13], $0x80, s18, s13, $0xb8;
	[tilespmem:$0x10800] =	vst v63  }
0x190: {  	_ =	swait.ge [sflag:s12], $0x4000  }
0x191: {  	[sflag:s12] =	ssyncset.done $0x0  }
0x192: {  	s25 =	rddreg [dreg:$0xe];
	[sflag:s12] =	ssyncadd.s32 $0xFFFFC000  }
0x193: {  	[hbm4b:s25+s2] =	stream.linear.scatter [tilespmem:s7], [sflag:$0x8], $0x4000, $0x38;
	[tilespmem:$0x10800] =	vst v63  }
0x194: {  	_ =	swait.ge [sflag:s6], $0x4000  }
0x195: {  	[sflag:s6] =	ssyncset.done $0x0  }
0x196: {  	[sflag:s6] =	ssyncadd.s32 $0xFFFFC000  }
0x197: {  	[tilespmem:s7], [sflag:$0x4] =	stream.indirect.gather [hbm4b:s10+s13], $0x80, s17, s13, $0xb8;
	[tilespmem:$0x10800] =	vst v63  }
0x198: {  	_ =	swait.ge [sflag:s16], $0x4000  }
0x199: {  	[sflag:s16] =	ssyncset.done $0x0  }
0x19a: {  	s26 =	rddreg [dreg:$0xf];
	[sflag:s16] =	ssyncadd.s32 $0xFFFFC000  }
0x19b: {  	[hbm4b:s26+s2] =	stream.linear.scatter [tilespmem:s11], [sflag:$0x5], $0x4000, $0x38;
	[tilespmem:$0x10800] =	vst v63  }
0x19c: {  	_ =	swait.ge [sflag:s15], $0x4000  }
0x19d: {  	[sflag:s15] =	ssyncset.done $0x0  }
0x19e: {  	s28 =	rddreg [dreg:$0x10];
	[sflag:s15] =	ssyncadd.s32 $0xFFFFC000  }
0x19f: {  	[hbm4b:s28+s2] =	stream.linear.scatter [tilespmem:s9], [sflag:$0x6], $0x4000, $0x38;
	[tilespmem:$0x10800] =	vst v63  }
0x1a0: {  	_ =	swait.ge [sflag:s14], $0x4000  }
0x1a1: {  	[sflag:s14] =	ssyncset.done $0x0  }
0x1a2: {  	s29 =	rddreg [dreg:$0x11];
	[sflag:s14] =	ssyncadd.s32 $0xFFFFC000  }
0x1a3: {  	[hbm4b:s29+s2] =	stream.linear.scatter [tilespmem:s8], [sflag:$0x7], $0x4000, $0x38;
	[tilespmem:$0x10800] =	vst v63  }
0x1a4: {  	_ =	swait.ge [sflag:s12], $0x4000  }
0x1a5: {  	[sflag:s12] =	ssyncset.done $0x0  }
0x1a6: {  	s30 =	rddreg [dreg:$0x12];
	[sflag:s12] =	ssyncadd.s32 $0xFFFFC000  }
0x1a7: {  	[hbm4b:s30+s2] =	stream.linear.scatter [tilespmem:s7], [sflag:$0x8], $0x4000, $0x38;
	[tilespmem:$0x10800] =	vst v63  }
0x1a8: {  	_ =	swait.ge [sflag:s3], $0x4000  }
0x1a9: {  	[sflag:s3] =	ssyncset.done $0x0  }
0x1aa: {  	[sflag:s3] =	ssyncadd.s32 $0xFFFFC000  }
0x1ab: {  	_ =	swait.ge [sflag:s4], $0x4000  }
0x1ac: {  	[sflag:s4] =	ssyncset.done $0x0  }
0x1ad: {  	[sflag:s4] =	ssyncadd.s32 $0xFFFFC000  }
0x1ae: {  	_ =	swait.ge [sflag:s5], $0x4000  }
0x1af: {  	[sflag:s5] =	ssyncset.done $0x0  }
0x1b0: {  	[sflag:s5] =	ssyncadd.s32 $0xFFFFC000  }
0x1b1: {  	_ =	swait.ge [sflag:s6], $0x4000  }
0x1b2: {  	[sflag:s6] =	ssyncset.done $0x0  }
0x1b3: {  	[sflag:s6] =	ssyncadd.s32 $0xFFFFC000  }
0x1b4: {  	_ =	sfence.sel $0x180000  }
0x1b5: {  	[bflag:$0x0] =	sbarrier.arrive $0xFFFF  }
0x1b6: {  	_ =	strace $0x9000004A  }
0x1b7: {  	s31 =	stileid.u32;
	[bflag:$0x2] =	sbarrier.arrive $0xFFFF  }
0x1b8: {  	p0 =	sne.s32 s31, $0x0;
	s0 =	rddreg [dreg:$0x1]  }
0x1b9: {  	s0 =	sadd.s32 @!p0 $0x100000, s0  }
0x1ba: {  	[sflag:s0] =	ssyncadd.tile.s32 @!p0 $0x1;
	_ =	shalt  }
.Lfunc_end2:
_tile_overlayer_lowered:
.L_overlay_start_2:
0x1bb: {  	(tag) =	ssettag $0x2  }
0x1bc: {  	s0 =	rddreg [dreg:$0x0];
	s2 =	stileid.u32  }
0x1bd: {  	s1 =	rddreg [dreg:$0x1];
	p0 =	sne.s32 s2, $0x0  }
0x1be: {  	s3 =	rddreg [dreg:$0x2];
	[bflag:$0x3] =	sbarrier.arrive $0xFFFF;
	s2 =	simm.s32 @!p0 $0x1C09  }
0x1bf: {  	[timem:s3], [sflag:s2] =	dma.local @!p0 [hbm:s0], s1  }
0x1c0: {  	s0 =	simm.s32 @!p0 $0x9  }
0x1c1: {  	_ =	swait.ge @!p0 [sflag:s0], s1  }
0x1c2: {  	s1 =	ssub.s32 @!p0 $0x0, s1;
	[sflag:s0] =	ssyncset.done @!p0 $0x0  }
0x1c3: {  	[sflag:s0] =	ssyncadd.s32 @!p0 s1  }
0x1c4: {  	[bflag:$0x3] =	sbarrier.arrive $0xFFFF  }
0x1c5: {  	_ =	shalt  }

// kernel: kernel.8.cloned.1.call-start
scs
__scs_entry_jumppad:
0x0: {  	(pc) =	sbr.rel $0x88, $3  }
0x1: {  	(tag) =	ssettag $0x0;
	lr =	simm.s32 $0x1  }
0x2: {  	[smem:$0x3F91] =	sst lr;
	_ =	strace $0xD0000000  }
0x3: {  	_ = 	snop  }
0x4: {  	_ = 	snop  }
0x5: {  	_ = 	snop  }
0x6: {  	_ = 	snop  }
0x7: {  	_ = 	snop  }
__scs_overlays_trampoline_lowered:
0x8: {  	[smem:$0x3FA0] =	sst s0  }
0x9: {  	[smem:$0x3FA1] =	sst s1  }
0xa: {  	[smem:$0x3FA2] =	sst s2  }
0xb: {  	[smem:$0x3FA3] =	sst s3  }
0xc: {  	[smem:$0x3FA4] =	sst s4  }
0xd: {  	[smem:$0x3FA5] =	sst s5  }
0xe: {  	[smem:$0x3FA6] =	sst s6  }
0xf: {  	[smem:$0x3FA7] =	sst s7  }
0x10: {  	[smem:$0x3FA8] =	sst s8  }
0x11: {  	[smem:$0x3FA9] =	sst s9;
	s0 =	simm.s32 @!p0 $0x0  }
0x12: {  	s1 =	sld [smem:$0x3F8F];
	s0 =	simm.s32 @p0 $0x1  }
0x13: {  	[smem:$0x3FAA] =	sst s0;
	s0 =	simm.s32 @!p1 $0x0  }
0x14: {  	s2 =	sld [smem:$0x3F8E];
	s0 =	simm.s32 @p1 $0x1  }
0x15: {  	[smem:$0x3FAB] =	sst s0;
	s0 =	simm.s32 @!p2 $0x0  }
0x16: {  	s3 =	sld [smem:$0x3FDB];
	s0 =	simm.s32 @p2 $0x1  }
0x17: {  	s4 =	simm.s32 $0x1BF5;
	[smem:$0x3FAD] =	sst s0  }
0x18: {  	s0 =	sld [smem:$0x3F90];
	_ =	swait.ge [sflag:s4], $0x0  }
0x19: {  	s7 =	sld [smem:$0x3F91]  }
0x1a: {  	s8 =	sadd.s32 $0xFFFFE003, lr  }
0x1b: {  	s9 =	sadd.s32 $0xFFFFFEF7, lr;
	s5 =	simm.s32 $0xFFFFFFFF;
	p2 =	slt.u32 s8, $0xFFFFF086  }
0x1c: {  	p1 =	slt.u32 s9, $0xF7A;
	s5 =	simm.s32 @!p2 $0x0  }
0x1d: {  	s5 =	simm.s32 @p1 $0x1;
	p0 =	seq.s32 s7, s2  }
0x1e: {  	s7 =	smul.u32 @!p0 $0xF7A, s2;
	p2 =	seq.s32 @!p0 s5, $0x0  }
0x1f: {  	s9 =	smul.u32 $0xF7A, s1;
	s8 =	simm.s32 @!p0 $0x1BF5;
	p2 =	por !p2, p0  }
0x20: {  	[sflag:s8] =	ssyncset.s32 @!p0 $0xFFFFF086;
	s6 =	sadd.s32 @!p0 s3, s7;
	s7 =	simm.s32 @!p0 $0x108  }
0x21: {  	s3 =	sadd.s32 s3, s9;
	s6 =	sadd.s32 @!p0 $0x88, s6;
	s7 =	simm.s32 @p2 $0x1082  }
0x22: {  	[simem:s7], [sflag:s8] =	dma.local @!p0 [hbm:s6], $0xF7A  }
0x23: {  	s9 =	sor.u32 $0xD0000000, s2;
	s6 =	simm.s32 $0x108;
	_ =	swait.ge @!p0 [sflag:s8], $0x0  }
0x24: {  	s3 =	sadd.s32 $0x88, s3;
	s6 =	simm.s32 @!p1 $0x1082;
	[sflag:s4] =	ssyncset.s32 $0xFFFFF086  }
0x25: {  	[simem:s6], [sflag:s4] =	dma.local [hbm:s3], $0xF7A  }
0x26: {  	[smem:$0x3F91] =	sst s1;
	(tag) =	ssettag s2;
	_ =	strace s9  }
0x27: {  	s1 =	sld [smem:$0x3FA1]  }
0x28: {  	s2 =	sld [smem:$0x3FA2]  }
0x29: {  	s4 =	sld [smem:$0x3FA4]  }
0x2a: {  	p0 =	seq.s32 s5, $0x0;
	s5 =	sld [smem:$0x3FA5]  }
0x2b: {  	s6 =	sld [smem:$0x3FA6]  }
0x2c: {  	s7 =	sld [smem:$0x3FA7]  }
0x2d: {  	s3 =	simm.s32 $0x108;
	s8 =	sld [smem:$0x3FA8]  }
0x2e: {  	s3 =	simm.s32 @!p0 $0x1082;
	s9 =	sld [smem:$0x3FA9]  }
0x2f: {  	lr =	sadd.s32 s0, s3;
	s0 =	sld [smem:$0x3FA0]  }
0x30: {  	s3 =	sld [smem:$0x3FA3]  }
0x31: {  	[smem:$0x3FAC] =	sst s10  }
0x32: {  	s10 =	sld [smem:$0x3FAA];
	_ =	sdelay $0x3  }
0x33: {  	p0 =	seq.s32 s10, $0x1;
	s10 =	sld [smem:$0x3FAC];
	_ =	sdelay $0x3  }
0x34: {  	[smem:$0x3FAC] =	sst s10  }
0x35: {  	s10 =	sld [smem:$0x3FAB];
	_ =	sdelay $0x3  }
0x36: {  	p1 =	seq.s32 s10, $0x1;
	s10 =	sld [smem:$0x3FAC];
	_ =	sdelay $0x3  }
0x37: {  	[smem:$0x3FAC] =	sst s10  }
0x38: {  	s10 =	sld [smem:$0x3FAD]  }
0x39: {  	_ = 	snop;
	(pc) =	sbr.ind lr, $3  }
0x3a: {  	_ = 	snop  }
0x3b: {  	_ = 	snop  }
0x3c: {  	p2 =	seq.s32 s10, $0x1;
	s10 =	sld [smem:$0x3FAC]  }
0x3d: {  	_ =	shalt  }
0x3e: {  	_ =	shalt  }
0x3f: {  	_ =	shalt  }
0x40: {  	_ =	shalt  }
0x41: {  	_ =	shalt  }
0x42: {  	_ =	shalt  }
0x43: {  	_ =	shalt  }
0x44: {  	_ =	shalt  }
0x45: {  	_ =	shalt  }
0x46: {  	_ =	shalt  }
0x47: {  	_ =	shalt  }
0x48: {  	_ =	shalt  }
0x49: {  	_ =	shalt  }
0x4a: {  	_ =	shalt  }
0x4b: {  	_ =	shalt  }
0x4c: {  	_ =	shalt  }
0x4d: {  	_ =	shalt  }
0x4e: {  	_ =	shalt  }
0x4f: {  	_ =	shalt  }
0x50: {  	_ =	shalt  }
0x51: {  	_ =	shalt  }
0x52: {  	_ =	shalt  }
0x53: {  	_ =	shalt  }
0x54: {  	_ =	shalt  }
0x55: {  	_ =	shalt  }
0x56: {  	_ =	shalt  }
0x57: {  	_ =	shalt  }
0x58: {  	_ =	shalt  }
0x59: {  	_ =	shalt  }
0x5a: {  	_ =	shalt  }
0x5b: {  	_ =	shalt  }
0x5c: {  	_ =	shalt  }
0x5d: {  	_ =	shalt  }
0x5e: {  	_ =	shalt  }
0x5f: {  	_ =	shalt  }
0x60: {  	_ =	shalt  }
0x61: {  	_ =	shalt  }
0x62: {  	_ =	shalt  }
0x63: {  	_ =	shalt  }
0x64: {  	_ =	shalt  }
0x65: {  	_ =	shalt  }
0x66: {  	_ =	shalt  }
0x67: {  	_ =	shalt  }
0x68: {  	_ =	shalt  }
0x69: {  	_ =	shalt  }
0x6a: {  	_ =	shalt  }
0x6b: {  	_ =	shalt  }
0x6c: {  	_ =	shalt  }
0x6d: {  	_ =	shalt  }
0x6e: {  	_ =	shalt  }
0x6f: {  	_ =	shalt  }
0x70: {  	_ =	shalt  }
0x71: {  	_ =	shalt  }
0x72: {  	_ =	shalt  }
0x73: {  	_ =	shalt  }
0x74: {  	_ =	shalt  }
0x75: {  	_ =	shalt  }
0x76: {  	_ =	shalt  }
0x77: {  	_ =	shalt  }
0x78: {  	_ =	shalt  }
0x79: {  	_ =	shalt  }
0x7a: {  	_ =	shalt  }
0x7b: {  	_ =	shalt  }
0x7c: {  	_ =	shalt  }
0x7d: {  	_ =	shalt  }
0x7e: {  	_ =	shalt  }
0x7f: {  	_ =	shalt  }
0x80: {  	_ =	shalt  }
0x81: {  	_ =	shalt  }
0x82: {  	_ =	shalt  }
0x83: {  	_ =	shalt  }
0x84: {  	_ =	shalt  }
0x85: {  	_ =	shalt  }
0x86: {  	_ =	shalt  }
0x87: {  	_ =	shalt  }
.Lfunc_end0:
.L_simem_size_0:
called_computation_lowered:
.L_overlay_start_0:
0x88: {  	s2 =	sld [smem:$0x3FD9]  }
0x89: {  	s3 =	sld [smem:$0x3FFE];
	_ =	sdelay $0x1  }
0x8a: {  	s1 =	srdreg.scid  }
0x8b: {  	s0 =	sand.u32 $0x1, s1  }
0x8c: {  	s17 =	sshll.u32 s0, $0xA;
	s2 =	sadd.s32 s3, s2  }
0x8d: {  	s2 =	sadd.s32 s2, s17  }
0x8e: {  	[smem:$0x3FB8] =	sst s2  }
0x8f: {  	_ = 	snop  }
0x90: {  	s2 =	sld [smem:$0x3FD0];
	(tm) =	ssettm $0x1  }
0x91: {  	s18 =	sld [smem:$0x3FFB];
	_ =	sdelay $0x3  }
0x92: {  	_ =	strace s18  }
0x93: {  	s3 =	sld [smem:$0x3FFC];
	_ =	sdelay $0x3  }
0x94: {  	_ =	strace s3  }
0x95: {  	s3 =	sld [smem:$0x3FFD];
	_ =	sdelay $0x3  }
0x96: {  	_ =	strace s3  }
0x97: {  	_ =	strace $0x8FFFFFFF  }
0x98: {  	s19 =	sld [smem:$0x3FDB];
	_ =	sdelay $0x1  }
0x99: {  	s4 =	simm.s32 $_scs_section_size  }
0x9a: {  	s5 =	simm.s32 $_size__tile_overlayer_lowered;
	s6 =	simm.s32 $_tile_overlayer_lowered  }
0x9b: {  	s22 =	simm.s32 $0x1BFF;
	s21 =	sshll.u32 s6, $0x1;
	s3 =	sadd.s32 s4, s19  }
0x9c: {  	s7 =	simm.s32 $0x0;
	s20 =	sshll.u32 s5, $0x1;
	s5 =	sadd.s32 s21, s3  }
0x9d: {  	[timem:s7], [sflag:s22] =	dma.local [hbm:s5], s20  }
0x9e: {  	_ =	swait.ge [sflag:s22], s20  }
0x9f: {  	s4 =	ssub.s32 $0x0, s20;
	[sflag:s22] =	ssyncset.done $0x0  }
0xa0: {  	[sflag:s22] =	ssyncadd.s32 s4;
	_ =	sdelay $0x1  }
0xa1: {  	s23 =	simm.s32 $0x1B8B  }
0xa2: {  	_ =	swait.ge [sflag:s23], $0x1  }
0xa3: {  	[sflag:s23] =	ssyncset.done $0x0  }
0xa4: {  	s25 =	simm.s32 $0x1B8E;
	s24 =	sld [smem:$0x3FFE];
	[sflag:s23] =	ssyncadd.s32 $0xFFFFFFFF  }
0xa5: {  	s26 =	simm.s32 $execute0_lowered;
	[smem:$0x3FD2] =	sst s25  }
0xa6: {  	s5 =	sshll.u32 s26, $0x1;
	_ =	strace $0x80000046;
	[dreg:$0x1] =	wrdreg $0xFFFFFFFF  }
0xa7: {  	s28 =	simm.s32 $_size_execute0_lowered;
	s3 =	sadd.s32 s3, s5;
	[dreg:$0x0] =	wrdreg $0x0  }
0xa8: {  	s5 =	sshll.u32 s28, $0x1;
	[dreg:$0x2] =	wrdreg s3  }
0xa9: {  	[dreg:$0x3] =	wrdreg s5  }
0xaa: {  	[dreg:$0x4] =	wrdreg $0xC0  }
0xab: {  	_ =	task [dreg:s7], $0x5FFFF  }
0xac: {  	[dreg:$0x1] =	wrdreg $0xFFFFFFFF  }
0xad: {  	[dreg:$0x0] =	wrdreg $0x60  }
0xae: {  	[dreg:$0x2] =	wrdreg s2  }
0xaf: {  	[dreg:$0x3] =	wrdreg s24  }
0xb0: {  	[dreg:$0x4] =	wrdreg $0x9  }
0xb1: {  	_ =	task.clear_ibuf [dreg:s7], $0x5FFFF;
	_ =	strace $0x90000046  }
0xb2: {  	s29 =	simm.s32 $0x9;
	_ =	strace $0x80000048  }
0xb3: {  	_ =	swait.ge [sflag:s29], $0x1  }
0xb4: {  	[sflag:s29] =	ssyncadd.s32 $0xFFFFFFFF  }
0xb5: {  	_ =	strace $0x90000048  }
0xb6: {  	_ =	sfence  }
0xb7: {  	s30 =	sld [smem:$0x0];
	_ =	sdelay $0x2  }
0xb8: {  	s31 =	sshll.u32 s1, $0xD;
	s1 =	sshrl.u32 s1, $0x2  }
0xb9: {  	s3 =	sand.u32 $0x4000, s31;
	s1 =	sadd.s32 s1, s30  }
0xba: {  	s0 =	sor.u32 s3, s0;
	s1 =	sshll.u32 s1, $0x11  }
0xbb: {  	s0 =	sor.u32 s1, s0  }
0xbc: {  	s0 =	sadd.s32 $0x8F2B, s0  }
0xbd: {  	[sflag:s0] =	ssyncadd.remote.s32 $0x1  }
0xbe: {  	_ =	sfence.sel $0xFFFF  }
0xbf: {  	[dreg:$0x0] =	wrdreg $0xFFFFFFFF;
	(pc) =	sbr.abs _section_cstart, $3  }
0xc0: {  	[dreg:$0x1] =	wrdreg $0xFFFFFFFF  }
0xc1: {  	_ =	task.clear_ibuf [dreg:s7], $0x2FFFF;
	_ =	strace $0x9FFFFFFF  }
0xc2: {  	(tm) =	ssettm $0x7FFFFFFF  }
0xc3: {  	_ =	shalt  }
tec
execute0_lowered:
.L_overlay_start_1:
0x0: {  	(tag) =	ssettag $0x1  }
0x1: {  	s0 =	srdreg.scid  }
0x2: {  	s1 =	stileid.u32;
	s0 =	sand.u32 $0x1, s0  }
0x3: {  	s3 =	rddreg [dreg:$0x0];
	s1 =	sshll.u32 s1, $0xC;
	s2 =	sshll.u32 s0, $0xB  }
0x4: {  	s4 =	rddreg [dreg:$0x1];
	s1 =	sor.u32 s2, s1;
	s2 =	simm.s32 $0x0  }
0x5: {  	s26 =	simm.s32 $0x100;
	s5 =	sshrl.u32 s1, $0x3;
	[smem:$0x7FF] =	sst s2  }
0x6: {  	s1 =	sshll.u32 s1, $0x4;
	s5 =	sadd.s32 s5, s4;
	_ =	strace $0x80000047  }
0x7: {  	s1 =	sadd.s32 s1, s4;
	[dreg:$0x14] =	wrdreg s26;
	s9 =	sadd.s32 $0x2C00, s5  }
0x8: {  	s30 =	simm.s32 $0x9;
	s10 =	sadd.s32 $0x14C00, s1;
	[dreg:$0x3] =	wrdreg s9  }
0x9: {  	s31 =	simm.s32 $0x180;
	s11 =	sadd.s32 $0x15400, s1;
	[dreg:$0x4] =	wrdreg s10  }
0xa: {  	s8 =	simm.s32 $0xC800;
	s12 =	sadd.s32 $0x15C00, s1;
	[dreg:$0x5] =	wrdreg s11  }
0xb: {  	s29 =	simm.s32 $0x200;
	s13 =	sadd.s32 $0x16400, s1;
	[dreg:$0x6] =	wrdreg s12  }
0xc: {  	s28 =	simm.s32 $0x280;
	s14 =	sadd.s32 $0x16C00, s1;
	[dreg:$0x7] =	wrdreg s13  }
0xd: {  	s6 =	simm.s32 $0x7;
	s15 =	sadd.s32 $0x17400, s1;
	[dreg:$0x8] =	wrdreg s14  }
0xe: {  	s7 =	simm.s32 $0x8;
	s16 =	sadd.s32 $0x17C00, s1;
	[dreg:$0x9] =	wrdreg s15  }
0xf: {  	p0 =	por $0x0, $0x0;
	s17 =	sadd.s32 $0x18400, s1;
	[dreg:$0xa] =	wrdreg s16  }
0x10: {  	s0 =	ssub.s32 $0x2, s0;
	s18 =	sadd.s32 $0x18C00, s1;
	[dreg:$0xb] =	wrdreg s17  }
0x11: {  	s24 =	sshrl.u32 s0, $0x1;
	s19 =	sadd.s32 $0x19400, s1;
	[dreg:$0xc] =	wrdreg s18  }
0x12: {  	s0 =	ssub.s32 s0, s24;
	s20 =	sadd.s32 $0x19C00, s1;
	[dreg:$0xd] =	wrdreg s19  }
0x13: {  	s24 =	simm.s32 $0x400;
	s21 =	sadd.s32 $0x1A400, s1;
	[dreg:$0xe] =	wrdreg s20  }
0x14: {  	s0 =	smax.u32 s0, $0x1;
	s22 =	sadd.s32 $0x1AC00, s1;
	[dreg:$0xf] =	wrdreg s21  }
0x15: {  	s4 =	simm.s32 $0x5;
	s23 =	sadd.s32 $0x1B400, s1;
	[dreg:$0x10] =	wrdreg s22  }
0x16: {  	s26 =	simm.s32 $0x300;
	s25 =	sadd.s32 $0x1BC00, s1;
	[dreg:$0x11] =	wrdreg s23  }
0x17: {  	s1 =	sadd.s32 $0x1C400, s1;
	s5 =	simm.s32 $0x6;
	[dreg:$0x12] =	wrdreg s25  }
0x18: {  	p1 =	sne.s32 s0, $0x1;
	[dreg:$0x13] =	wrdreg s1;
	s13 =	simm.s32 $0x80  }
0x19: {  	s11 =	simm.s32 $0x800;
	s10 =	simm.s32 $0x4800;
	s9 =	simm.s32 $0x8800  }
.Ltmp0:
0x1a: {  	s16 =	simm.s32 $0x1;
	s15 =	simm.s32 $0x2;
	(pc) =	sbr.rel @!p1 .LBB2_3-.Ltmp0, $4  }
0x1b: {  	s14 =	simm.s32 $0x3;
	s12 =	simm.s32 $0x4;
	s25 =	simm.s32 $0x380  }
0x1c: {  	s23 =	simm.s32 $0x480;
	s1 =	sadd.s32 $0xFFFFFFFF, s0;
	s22 =	simm.s32 $0x500  }
0x1d: {  	s21 =	simm.s32 $0x580;
	s20 =	simm.s32 $0x600;
	s19 =	simm.s32 $0x680  }
0x1e: {  	s18 =	simm.s32 $0x700;
	s17 =	simm.s32 $0x780;
	s0 =	rddreg [dreg:$0x3]  }
0x1f: {  	[tilespmem:s2], [sflag:$0x9] =	stream.linear.gather [hbm4b:s0+s2], $0x800, $0x38;
	[tilespmem:$0x10800] =	vst v63  }
0x20: {  	_ =	swait.ge [sflag:s30], $0x800  }
0x21: {  	[sflag:s30] =	ssyncset.done $0x0  }
0x22: {  	[sflag:s30] =	ssyncadd.s32 $0xFFFFF800  }
0x23: {  	[tilespmem:s11], [sflag:$0x1] =	stream.indirect.gather [hbm4b:s3+s13], $0x80, s2, s13, $0xb8;
	[tilespmem:$0x10800] =	vst v63  }
0x24: {  	_ = 	snop  }
0x25: {  	[tilespmem:s10], [sflag:$0x2] =	stream.indirect.gather [hbm4b:s3+s13], $0x80, s13, s13, $0xb8;
	[tilespmem:$0x10800] =	vst v63  }
0x26: {  	s0 =	rddreg [dreg:$0x14]  }
0x27: {  	[tilespmem:s9], [sflag:$0x3] =	stream.indirect.gather [hbm4b:s3+s13], $0x80, s0, s13, $0xb8;
	[tilespmem:$0x10800] =	vst v63  }
0x28: {  	_ = 	snop  }
0x29: {  	[tilespmem:s8], [sflag:$0x4] =	stream.indirect.gather [hbm4b:s3+s13], $0x80, s31, s13, $0xb8;
	[tilespmem:$0x10800] =	vst v63  }
0x2a: {  	_ =	swait.ge [sflag:s16], $0x4000  }
0x2b: {  	[sflag:s16] =	ssyncset.done $0x0  }
0x2c: {  	s0 =	rddreg [dreg:$0x4];
	[sflag:s16] =	ssyncadd.s32 $0xFFFFC000  }
0x2d: {  	[hbm4b:s0+s2] =	stream.linear.scatter [tilespmem:s11], [sflag:$0x5], $0x4000, $0x38;
	[tilespmem:$0x10800] =	vst v63  }
0x2e: {  	_ =	swait.ge [sflag:s4], $0x4000  }
0x2f: {  	[sflag:s4] =	ssyncset.done $0x0  }
0x30: {  	[sflag:s4] =	ssyncadd.s32 $0xFFFFC000  }
0x31: {  	[tilespmem:s11], [sflag:$0x1] =	stream.indirect.gather [hbm4b:s3+s13], $0x80, s29, s13, $0xb8;
	[tilespmem:$0x10800] =	vst v63  }
0x32: {  	_ =	swait.ge [sflag:s15], $0x4000  }
0x33: {  	[sflag:s15] =	ssyncset.done $0x0  }
0x34: {  	s0 =	rddreg [dreg:$0x5];
	[sflag:s15] =	ssyncadd.s32 $0xFFFFC000  }
0x35: {  	[hbm4b:s0+s2] =	stream.linear.scatter [tilespmem:s10], [sflag:$0x6], $0x4000, $0x38;
	[tilespmem:$0x10800] =	vst v63  }
0x36: {  	_ =	swait.ge [sflag:s5], $0x4000  }
0x37: {  	[sflag:s5] =	ssyncset.done $0x0  }
0x38: {  	[sflag:s5] =	ssyncadd.s32 $0xFFFFC000  }
0x39: {  	[tilespmem:s10], [sflag:$0x2] =	stream.indirect.gather [hbm4b:s3+s13], $0x80, s28, s13, $0xb8;
	[tilespmem:$0x10800] =	vst v63  }
0x3a: {  	_ =	swait.ge [sflag:s14], $0x4000  }
0x3b: {  	[sflag:s14] =	ssyncset.done $0x0  }
0x3c: {  	s0 =	rddreg [dreg:$0x6];
	[sflag:s14] =	ssyncadd.s32 $0xFFFFC000  }
0x3d: {  	[hbm4b:s0+s2] =	stream.linear.scatter [tilespmem:s9], [sflag:$0x7], $0x4000, $0x38;
	[tilespmem:$0x10800] =	vst v63  }
0x3e: {  	_ =	swait.ge [sflag:s6], $0x4000  }
0x3f: {  	[sflag:s6] =	ssyncset.done $0x0  }
0x40: {  	[sflag:s6] =	ssyncadd.s32 $0xFFFFC000  }
0x41: {  	[tilespmem:s9], [sflag:$0x3] =	stream.indirect.gather [hbm4b:s3+s13], $0x80, s26, s13, $0xb8;
	[tilespmem:$0x10800] =	vst v63  }
0x42: {  	_ =	swait.ge [sflag:s12], $0x4000  }
0x43: {  	[sflag:s12] =	ssyncset.done $0x0  }
0x44: {  	s0 =	rddreg [dreg:$0x7];
	[sflag:s12] =	ssyncadd.s32 $0xFFFFC000  }
0x45: {  	[hbm4b:s0+s2] =	stream.linear.scatter [tilespmem:s8], [sflag:$0x8], $0x4000, $0x38;
	[tilespmem:$0x10800] =	vst v63  }
0x46: {  	_ =	swait.ge [sflag:s7], $0x4000  }
0x47: {  	[sflag:s7] =	ssyncset.done $0x0  }
0x48: {  	[sflag:s7] =	ssyncadd.s32 $0xFFFFC000  }
0x49: {  	[tilespmem:s8], [sflag:$0x4] =	stream.indirect.gather [hbm4b:s3+s13], $0x80, s25, s13, $0xb8;
	[tilespmem:$0x10800] =	vst v63  }
0x4a: {  	_ =	swait.ge [sflag:s16], $0x4000  }
0x4b: {  	[sflag:s16] =	ssyncset.done $0x0  }
0x4c: {  	s0 =	rddreg [dreg:$0x8];
	[sflag:s16] =	ssyncadd.s32 $0xFFFFC000  }
0x4d: {  	[hbm4b:s0+s2] =	stream.linear.scatter [tilespmem:s11], [sflag:$0x5], $0x4000, $0x38;
	[tilespmem:$0x10800] =	vst v63  }
0x4e: {  	_ =	swait.ge [sflag:s4], $0x4000  }
0x4f: {  	[sflag:s4] =	ssyncset.done $0x0  }
0x50: {  	[sflag:s4] =	ssyncadd.s32 $0xFFFFC000  }
0x51: {  	[tilespmem:s11], [sflag:$0x1] =	stream.indirect.gather [hbm4b:s3+s13], $0x80, s24, s13, $0xb8;
	[tilespmem:$0x10800] =	vst v63  }
0x52: {  	_ =	swait.ge [sflag:s15], $0x4000  }
0x53: {  	[sflag:s15] =	ssyncset.done $0x0  }
0x54: {  	s0 =	rddreg [dreg:$0x9];
	[sflag:s15] =	ssyncadd.s32 $0xFFFFC000  }
0x55: {  	[hbm4b:s0+s2] =	stream.linear.scatter [tilespmem:s10], [sflag:$0x6], $0x4000, $0x38;
	[tilespmem:$0x10800] =	vst v63  }
0x56: {  	_ =	swait.ge [sflag:s5], $0x4000  }
0x57: {  	[sflag:s5] =	ssyncset.done $0x0  }
0x58: {  	[sflag:s5] =	ssyncadd.s32 $0xFFFFC000  }
0x59: {  	[tilespmem:s10], [sflag:$0x2] =	stream.indirect.gather [hbm4b:s3+s13], $0x80, s23, s13, $0xb8;
	[tilespmem:$0x10800] =	vst v63  }
0x5a: {  	_ =	swait.ge [sflag:s14], $0x4000  }
0x5b: {  	[sflag:s14] =	ssyncset.done $0x0  }
0x5c: {  	s0 =	rddreg [dreg:$0xa];
	[sflag:s14] =	ssyncadd.s32 $0xFFFFC000  }
0x5d: {  	[hbm4b:s0+s2] =	stream.linear.scatter [tilespmem:s9], [sflag:$0x7], $0x4000, $0x38;
	[tilespmem:$0x10800] =	vst v63  }
0x5e: {  	_ =	swait.ge [sflag:s6], $0x4000  }
0x5f: {  	[sflag:s6] =	ssyncset.done $0x0  }
0x60: {  	[sflag:s6] =	ssyncadd.s32 $0xFFFFC000  }
0x61: {  	[tilespmem:s9], [sflag:$0x3] =	stream.indirect.gather [hbm4b:s3+s13], $0x80, s22, s13, $0xb8;
	[tilespmem:$0x10800] =	vst v63  }
0x62: {  	_ =	swait.ge [sflag:s12], $0x4000  }
0x63: {  	[sflag:s12] =	ssyncset.done $0x0  }
0x64: {  	s0 =	rddreg [dreg:$0xb];
	[sflag:s12] =	ssyncadd.s32 $0xFFFFC000  }
0x65: {  	[hbm4b:s0+s2] =	stream.linear.scatter [tilespmem:s8], [sflag:$0x8], $0x4000, $0x38;
	[tilespmem:$0x10800] =	vst v63  }
0x66: {  	_ =	swait.ge [sflag:s7], $0x4000  }
0x67: {  	[sflag:s7] =	ssyncset.done $0x0  }
0x68: {  	[sflag:s7] =	ssyncadd.s32 $0xFFFFC000  }
0x69: {  	[tilespmem:s8], [sflag:$0x4] =	stream.indirect.gather [hbm4b:s3+s13], $0x80, s21, s13, $0xb8;
	[tilespmem:$0x10800] =	vst v63  }
0x6a: {  	_ =	swait.ge [sflag:s16], $0x4000  }
0x6b: {  	[sflag:s16] =	ssyncset.done $0x0  }
0x6c: {  	s0 =	rddreg [dreg:$0xc];
	[sflag:s16] =	ssyncadd.s32 $0xFFFFC000  }
0x6d: {  	[hbm4b:s0+s2] =	stream.linear.scatter [tilespmem:s11], [sflag:$0x5], $0x4000, $0x38;
	[tilespmem:$0x10800] =	vst v63  }
0x6e: {  	_ =	swait.ge [sflag:s4], $0x4000  }
0x6f: {  	[sflag:s4] =	ssyncset.done $0x0  }
0x70: {  	[sflag:s4] =	ssyncadd.s32 $0xFFFFC000  }
0x71: {  	[tilespmem:s11], [sflag:$0x1] =	stream.indirect.gather [hbm4b:s3+s13], $0x80, s20, s13, $0xb8;
	[tilespmem:$0x10800] =	vst v63  }
0x72: {  	_ =	swait.ge [sflag:s15], $0x4000  }
0x73: {  	[sflag:s15] =	ssyncset.done $0x0  }
0x74: {  	s0 =	rddreg [dreg:$0xd];
	[sflag:s15] =	ssyncadd.s32 $0xFFFFC000  }
0x75: {  	[hbm4b:s0+s2] =	stream.linear.scatter [tilespmem:s10], [sflag:$0x6], $0x4000, $0x38;
	[tilespmem:$0x10800] =	vst v63  }
0x76: {  	_ =	swait.ge [sflag:s5], $0x4000  }
0x77: {  	[sflag:s5] =	ssyncset.done $0x0  }
0x78: {  	[sflag:s5] =	ssyncadd.s32 $0xFFFFC000  }
0x79: {  	[tilespmem:s10], [sflag:$0x2] =	stream.indirect.gather [hbm4b:s3+s13], $0x80, s19, s13, $0xb8;
	[tilespmem:$0x10800] =	vst v63  }
0x7a: {  	_ =	swait.ge [sflag:s14], $0x4000  }
0x7b: {  	[sflag:s14] =	ssyncset.done $0x0  }
0x7c: {  	s0 =	rddreg [dreg:$0xe];
	[sflag:s14] =	ssyncadd.s32 $0xFFFFC000  }
0x7d: {  	[hbm4b:s0+s2] =	stream.linear.scatter [tilespmem:s9], [sflag:$0x7], $0x4000, $0x38;
	[tilespmem:$0x10800] =	vst v63  }
0x7e: {  	_ =	swait.ge [sflag:s6], $0x4000  }
0x7f: {  	[sflag:s6] =	ssyncset.done $0x0  }
0x80: {  	[sflag:s6] =	ssyncadd.s32 $0xFFFFC000  }
0x81: {  	[tilespmem:s9], [sflag:$0x3] =	stream.indirect.gather [hbm4b:s3+s13], $0x80, s18, s13, $0xb8;
	[tilespmem:$0x10800] =	vst v63  }
0x82: {  	_ =	swait.ge [sflag:s12], $0x4000  }
0x83: {  	[sflag:s12] =	ssyncset.done $0x0  }
0x84: {  	s0 =	rddreg [dreg:$0xf];
	[sflag:s12] =	ssyncadd.s32 $0xFFFFC000  }
0x85: {  	[hbm4b:s0+s2] =	stream.linear.scatter [tilespmem:s8], [sflag:$0x8], $0x4000, $0x38;
	[tilespmem:$0x10800] =	vst v63  }
0x86: {  	_ =	swait.ge [sflag:s7], $0x4000  }
0x87: {  	[sflag:s7] =	ssyncset.done $0x0  }
0x88: {  	[sflag:s7] =	ssyncadd.s32 $0xFFFFC000  }
0x89: {  	[tilespmem:s8], [sflag:$0x4] =	stream.indirect.gather [hbm4b:s3+s13], $0x80, s17, s13, $0xb8;
	[tilespmem:$0x10800] =	vst v63  }
0x8a: {  	_ =	swait.ge [sflag:s16], $0x4000  }
0x8b: {  	[sflag:s16] =	ssyncset.done $0x0  }
0x8c: {  	s0 =	rddreg [dreg:$0x10];
	[sflag:s16] =	ssyncadd.s32 $0xFFFFC000  }
0x8d: {  	[hbm4b:s0+s2] =	stream.linear.scatter [tilespmem:s11], [sflag:$0x5], $0x4000, $0x38;
	[tilespmem:$0x10800] =	vst v63  }
0x8e: {  	_ =	swait.ge [sflag:s15], $0x4000  }
0x8f: {  	[sflag:s15] =	ssyncset.done $0x0  }
0x90: {  	s0 =	rddreg [dreg:$0x11];
	[sflag:s15] =	ssyncadd.s32 $0xFFFFC000  }
0x91: {  	[hbm4b:s0+s2] =	stream.linear.scatter [tilespmem:s10], [sflag:$0x6], $0x4000, $0x38;
	[tilespmem:$0x10800] =	vst v63  }
0x92: {  	_ =	swait.ge [sflag:s14], $0x4000  }
0x93: {  	[sflag:s14] =	ssyncset.done $0x0  }
0x94: {  	s0 =	rddreg [dreg:$0x12];
	[sflag:s14] =	ssyncadd.s32 $0xFFFFC000  }
0x95: {  	[hbm4b:s0+s2] =	stream.linear.scatter [tilespmem:s9], [sflag:$0x7], $0x4000, $0x38;
	[tilespmem:$0x10800] =	vst v63  }
0x96: {  	_ =	swait.ge [sflag:s12], $0x4000  }
0x97: {  	[sflag:s12] =	ssyncset.done $0x0  }
0x98: {  	s0 =	rddreg [dreg:$0x13];
	[sflag:s12] =	ssyncadd.s32 $0xFFFFC000  }
0x99: {  	[hbm4b:s0+s2] =	stream.linear.scatter [tilespmem:s8], [sflag:$0x8], $0x4000, $0x38;
	[tilespmem:$0x10800] =	vst v63  }
0x9a: {  	_ =	swait.ge [sflag:s4], $0x4000  }
0x9b: {  	[sflag:s4] =	ssyncset.done $0x0  }
0x9c: {  	[sflag:s4] =	ssyncadd.s32 $0xFFFFC000  }
0x9d: {  	_ =	swait.ge [sflag:s5], $0x4000  }
0x9e: {  	[sflag:s5] =	ssyncset.done $0x0  }
0x9f: {  	p1 =	sne.s32 s1, $0x1;
	[sflag:s5] =	ssyncadd.s32 $0xFFFFC000  }
.Ltmp1:
0xa0: {  	_ =	swait.ge [sflag:s6], $0x4000;
	(pc) =	sbr.rel @!p1 .LBB2_3-.Ltmp1, $4  }
0xa1: {  	[sflag:s6] =	ssyncset.done $0x0  }
0xa2: {  	[sflag:s6] =	ssyncadd.s32 $0xFFFFC000  }
0xa3: {  	s1 =	sadd.s32 $0xFFFFFFFF, s1;
	_ =	swait.ge [sflag:s7], $0x4000  }
0xa4: {  	p0 =	por $0x1, $0x1;
	s0 =	rddreg [dreg:$0x3];
	[sflag:s7] =	ssyncset.done $0x0  }
.LBB2_2:
0xa5: {  	[sflag:s7] =	ssyncadd.s32 $0xFFFFC000  }
0xa6: {  	[tilespmem:s2], [sflag:$0x9] =	stream.linear.gather [hbm4b:s0+s2], $0x800, $0x38;
	[tilespmem:$0x10800] =	vst v63  }
0xa7: {  	_ =	swait.ge [sflag:s30], $0x800  }
0xa8: {  	[sflag:s30] =	ssyncset.done $0x0  }
0xa9: {  	[sflag:s30] =	ssyncadd.s32 $0xFFFFF800  }
0xaa: {  	[tilespmem:s11], [sflag:$0x1] =	stream.indirect.gather [hbm4b:s3+s13], $0x80, s2, s13, $0xb8;
	[tilespmem:$0x10800] =	vst v63  }
0xab: {  	_ = 	snop  }
0xac: {  	[tilespmem:s10], [sflag:$0x2] =	stream.indirect.gather [hbm4b:s3+s13], $0x80, s13, s13, $0xb8;
	[tilespmem:$0x10800] =	vst v63  }
0xad: {  	s0 =	rddreg [dreg:$0x14]  }
0xae: {  	[tilespmem:s9], [sflag:$0x3] =	stream.indirect.gather [hbm4b:s3+s13], $0x80, s0, s13, $0xb8;
	[tilespmem:$0x10800] =	vst v63  }
0xaf: {  	_ = 	snop  }
0xb0: {  	[tilespmem:s8], [sflag:$0x4] =	stream.indirect.gather [hbm4b:s3+s13], $0x80, s31, s13, $0xb8;
	[tilespmem:$0x10800] =	vst v63  }
0xb1: {  	_ =	swait.ge [sflag:s16], $0x4000  }
0xb2: {  	[sflag:s16] =	ssyncset.done $0x0  }
0xb3: {  	s0 =	rddreg [dreg:$0x4];
	[sflag:s16] =	ssyncadd.s32 $0xFFFFC000  }
0xb4: {  	[hbm4b:s0+s2] =	stream.linear.scatter [tilespmem:s11], [sflag:$0x5], $0x4000, $0x38;
	[tilespmem:$0x10800] =	vst v63  }
0xb5: {  	_ =	swait.ge [sflag:s4], $0x4000  }
0xb6: {  	[sflag:s4] =	ssyncset.done $0x0  }
0xb7: {  	[sflag:s4] =	ssyncadd.s32 $0xFFFFC000  }
0xb8: {  	[tilespmem:s11], [sflag:$0x1] =	stream.indirect.gather [hbm4b:s3+s13], $0x80, s29, s13, $0xb8;
	[tilespmem:$0x10800] =	vst v63  }
0xb9: {  	_ =	swait.ge [sflag:s15], $0x4000  }
0xba: {  	[sflag:s15] =	ssyncset.done $0x0  }
0xbb: {  	s0 =	rddreg [dreg:$0x5];
	[sflag:s15] =	ssyncadd.s32 $0xFFFFC000  }
0xbc: {  	[hbm4b:s0+s2] =	stream.linear.scatter [tilespmem:s10], [sflag:$0x6], $0x4000, $0x38;
	[tilespmem:$0x10800] =	vst v63  }
0xbd: {  	_ =	swait.ge [sflag:s5], $0x4000  }
0xbe: {  	[sflag:s5] =	ssyncset.done $0x0  }
0xbf: {  	[sflag:s5] =	ssyncadd.s32 $0xFFFFC000  }
0xc0: {  	[tilespmem:s10], [sflag:$0x2] =	stream.indirect.gather [hbm4b:s3+s13], $0x80, s28, s13, $0xb8;
	[tilespmem:$0x10800] =	vst v63  }
0xc1: {  	_ =	swait.ge [sflag:s14], $0x4000  }
0xc2: {  	[sflag:s14] =	ssyncset.done $0x0  }
0xc3: {  	s0 =	rddreg [dreg:$0x6];
	[sflag:s14] =	ssyncadd.s32 $0xFFFFC000  }
0xc4: {  	[hbm4b:s0+s2] =	stream.linear.scatter [tilespmem:s9], [sflag:$0x7], $0x4000, $0x38;
	[tilespmem:$0x10800] =	vst v63  }
0xc5: {  	_ =	swait.ge [sflag:s6], $0x4000  }
0xc6: {  	[sflag:s6] =	ssyncset.done $0x0  }
0xc7: {  	[sflag:s6] =	ssyncadd.s32 $0xFFFFC000  }
0xc8: {  	[tilespmem:s9], [sflag:$0x3] =	stream.indirect.gather [hbm4b:s3+s13], $0x80, s26, s13, $0xb8;
	[tilespmem:$0x10800] =	vst v63  }
0xc9: {  	_ =	swait.ge [sflag:s12], $0x4000  }
0xca: {  	[sflag:s12] =	ssyncset.done $0x0  }
0xcb: {  	s0 =	rddreg [dreg:$0x7];
	[sflag:s12] =	ssyncadd.s32 $0xFFFFC000  }
0xcc: {  	[hbm4b:s0+s2] =	stream.linear.scatter [tilespmem:s8], [sflag:$0x8], $0x4000, $0x38;
	[tilespmem:$0x10800] =	vst v63  }
0xcd: {  	_ =	swait.ge [sflag:s7], $0x4000  }
0xce: {  	[sflag:s7] =	ssyncset.done $0x0  }
0xcf: {  	[sflag:s7] =	ssyncadd.s32 $0xFFFFC000  }
0xd0: {  	[tilespmem:s8], [sflag:$0x4] =	stream.indirect.gather [hbm4b:s3+s13], $0x80, s25, s13, $0xb8;
	[tilespmem:$0x10800] =	vst v63  }
0xd1: {  	_ =	swait.ge [sflag:s16], $0x4000  }
0xd2: {  	[sflag:s16] =	ssyncset.done $0x0  }
0xd3: {  	s0 =	rddreg [dreg:$0x8];
	[sflag:s16] =	ssyncadd.s32 $0xFFFFC000  }
0xd4: {  	[hbm4b:s0+s2] =	stream.linear.scatter [tilespmem:s11], [sflag:$0x5], $0x4000, $0x38;
	[tilespmem:$0x10800] =	vst v63  }
0xd5: {  	_ =	swait.ge [sflag:s4], $0x4000  }
0xd6: {  	[sflag:s4] =	ssyncset.done $0x0  }
0xd7: {  	[sflag:s4] =	ssyncadd.s32 $0xFFFFC000  }
0xd8: {  	[tilespmem:s11], [sflag:$0x1] =	stream.indirect.gather [hbm4b:s3+s13], $0x80, s24, s13, $0xb8;
	[tilespmem:$0x10800] =	vst v63  }
0xd9: {  	_ =	swait.ge [sflag:s15], $0x4000  }
0xda: {  	[sflag:s15] =	ssyncset.done $0x0  }
0xdb: {  	s0 =	rddreg [dreg:$0x9];
	[sflag:s15] =	ssyncadd.s32 $0xFFFFC000  }
0xdc: {  	[hbm4b:s0+s2] =	stream.linear.scatter [tilespmem:s10], [sflag:$0x6], $0x4000, $0x38;
	[tilespmem:$0x10800] =	vst v63  }
0xdd: {  	_ =	swait.ge [sflag:s5], $0x4000  }
0xde: {  	[sflag:s5] =	ssyncset.done $0x0  }
0xdf: {  	[sflag:s5] =	ssyncadd.s32 $0xFFFFC000  }
0xe0: {  	[tilespmem:s10], [sflag:$0x2] =	stream.indirect.gather [hbm4b:s3+s13], $0x80, s23, s13, $0xb8;
	[tilespmem:$0x10800] =	vst v63  }
0xe1: {  	_ =	swait.ge [sflag:s14], $0x4000  }
0xe2: {  	[sflag:s14] =	ssyncset.done $0x0  }
0xe3: {  	s0 =	rddreg [dreg:$0xa];
	[sflag:s14] =	ssyncadd.s32 $0xFFFFC000  }
0xe4: {  	[hbm4b:s0+s2] =	stream.linear.scatter [tilespmem:s9], [sflag:$0x7], $0x4000, $0x38;
	[tilespmem:$0x10800] =	vst v63  }
0xe5: {  	_ =	swait.ge [sflag:s6], $0x4000  }
0xe6: {  	[sflag:s6] =	ssyncset.done $0x0  }
0xe7: {  	[sflag:s6] =	ssyncadd.s32 $0xFFFFC000  }
0xe8: {  	[tilespmem:s9], [sflag:$0x3] =	stream.indirect.gather [hbm4b:s3+s13], $0x80, s22, s13, $0xb8;
	[tilespmem:$0x10800] =	vst v63  }
0xe9: {  	_ =	swait.ge [sflag:s12], $0x4000  }
0xea: {  	[sflag:s12] =	ssyncset.done $0x0  }
0xeb: {  	s0 =	rddreg [dreg:$0xb];
	[sflag:s12] =	ssyncadd.s32 $0xFFFFC000  }
0xec: {  	[hbm4b:s0+s2] =	stream.linear.scatter [tilespmem:s8], [sflag:$0x8], $0x4000, $0x38;
	[tilespmem:$0x10800] =	vst v63  }
0xed: {  	_ =	swait.ge [sflag:s7], $0x4000  }
0xee: {  	[sflag:s7] =	ssyncset.done $0x0  }
0xef: {  	[sflag:s7] =	ssyncadd.s32 $0xFFFFC000  }
0xf0: {  	[tilespmem:s8], [sflag:$0x4] =	stream.indirect.gather [hbm4b:s3+s13], $0x80, s21, s13, $0xb8;
	[tilespmem:$0x10800] =	vst v63  }
0xf1: {  	_ =	swait.ge [sflag:s16], $0x4000  }
0xf2: {  	[sflag:s16] =	ssyncset.done $0x0  }
0xf3: {  	s0 =	rddreg [dreg:$0xc];
	[sflag:s16] =	ssyncadd.s32 $0xFFFFC000  }
0xf4: {  	[hbm4b:s0+s2] =	stream.linear.scatter [tilespmem:s11], [sflag:$0x5], $0x4000, $0x38;
	[tilespmem:$0x10800] =	vst v63  }
0xf5: {  	_ =	swait.ge [sflag:s4], $0x4000  }
0xf6: {  	[sflag:s4] =	ssyncset.done $0x0  }
0xf7: {  	[sflag:s4] =	ssyncadd.s32 $0xFFFFC000  }
0xf8: {  	[tilespmem:s11], [sflag:$0x1] =	stream.indirect.gather [hbm4b:s3+s13], $0x80, s20, s13, $0xb8;
	[tilespmem:$0x10800] =	vst v63  }
0xf9: {  	_ =	swait.ge [sflag:s15], $0x4000  }
0xfa: {  	[sflag:s15] =	ssyncset.done $0x0  }
0xfb: {  	s0 =	rddreg [dreg:$0xd];
	[sflag:s15] =	ssyncadd.s32 $0xFFFFC000  }
0xfc: {  	[hbm4b:s0+s2] =	stream.linear.scatter [tilespmem:s10], [sflag:$0x6], $0x4000, $0x38;
	[tilespmem:$0x10800] =	vst v63  }
0xfd: {  	_ =	swait.ge [sflag:s5], $0x4000  }
0xfe: {  	[sflag:s5] =	ssyncset.done $0x0  }
0xff: {  	[sflag:s5] =	ssyncadd.s32 $0xFFFFC000  }
0x100: {  	[tilespmem:s10], [sflag:$0x2] =	stream.indirect.gather [hbm4b:s3+s13], $0x80, s19, s13, $0xb8;
	[tilespmem:$0x10800] =	vst v63  }
0x101: {  	_ =	swait.ge [sflag:s14], $0x4000  }
0x102: {  	[sflag:s14] =	ssyncset.done $0x0  }
0x103: {  	s0 =	rddreg [dreg:$0xe];
	[sflag:s14] =	ssyncadd.s32 $0xFFFFC000  }
0x104: {  	[hbm4b:s0+s2] =	stream.linear.scatter [tilespmem:s9], [sflag:$0x7], $0x4000, $0x38;
	[tilespmem:$0x10800] =	vst v63  }
0x105: {  	_ =	swait.ge [sflag:s6], $0x4000  }
0x106: {  	[sflag:s6] =	ssyncset.done $0x0  }
0x107: {  	[sflag:s6] =	ssyncadd.s32 $0xFFFFC000  }
0x108: {  	[tilespmem:s9], [sflag:$0x3] =	stream.indirect.gather [hbm4b:s3+s13], $0x80, s18, s13, $0xb8;
	[tilespmem:$0x10800] =	vst v63  }
0x109: {  	_ =	swait.ge [sflag:s12], $0x4000  }
0x10a: {  	[sflag:s12] =	ssyncset.done $0x0  }
0x10b: {  	s0 =	rddreg [dreg:$0xf];
	[sflag:s12] =	ssyncadd.s32 $0xFFFFC000  }
0x10c: {  	[hbm4b:s0+s2] =	stream.linear.scatter [tilespmem:s8], [sflag:$0x8], $0x4000, $0x38;
	[tilespmem:$0x10800] =	vst v63  }
0x10d: {  	_ =	swait.ge [sflag:s7], $0x4000  }
0x10e: {  	[sflag:s7] =	ssyncset.done $0x0  }
0x10f: {  	[sflag:s7] =	ssyncadd.s32 $0xFFFFC000  }
0x110: {  	[tilespmem:s8], [sflag:$0x4] =	stream.indirect.gather [hbm4b:s3+s13], $0x80, s17, s13, $0xb8;
	[tilespmem:$0x10800] =	vst v63  }
0x111: {  	_ =	swait.ge [sflag:s16], $0x4000  }
0x112: {  	[sflag:s16] =	ssyncset.done $0x0  }
0x113: {  	s0 =	rddreg [dreg:$0x10];
	[sflag:s16] =	ssyncadd.s32 $0xFFFFC000  }
0x114: {  	[hbm4b:s0+s2] =	stream.linear.scatter [tilespmem:s11], [sflag:$0x5], $0x4000, $0x38;
	[tilespmem:$0x10800] =	vst v63  }
0x115: {  	_ =	swait.ge [sflag:s15], $0x4000  }
0x116: {  	[sflag:s15] =	ssyncset.done $0x0  }
0x117: {  	s0 =	rddreg [dreg:$0x11];
	[sflag:s15] =	ssyncadd.s32 $0xFFFFC000  }
0x118: {  	[hbm4b:s0+s2] =	stream.linear.scatter [tilespmem:s10], [sflag:$0x6], $0x4000, $0x38;
	[tilespmem:$0x10800] =	vst v63  }
0x119: {  	_ =	swait.ge [sflag:s14], $0x4000  }
0x11a: {  	[sflag:s14] =	ssyncset.done $0x0  }
0x11b: {  	s0 =	rddreg [dreg:$0x12];
	[sflag:s14] =	ssyncadd.s32 $0xFFFFC000  }
0x11c: {  	[hbm4b:s0+s2] =	stream.linear.scatter [tilespmem:s9], [sflag:$0x7], $0x4000, $0x38;
	[tilespmem:$0x10800] =	vst v63  }
0x11d: {  	_ =	swait.ge [sflag:s12], $0x4000  }
0x11e: {  	[sflag:s12] =	ssyncset.done $0x0  }
0x11f: {  	s0 =	rddreg [dreg:$0x13];
	[sflag:s12] =	ssyncadd.s32 $0xFFFFC000  }
0x120: {  	[hbm4b:s0+s2] =	stream.linear.scatter [tilespmem:s8], [sflag:$0x8], $0x4000, $0x38;
	[tilespmem:$0x10800] =	vst v63  }
0x121: {  	_ =	swait.ge [sflag:s4], $0x4000  }
0x122: {  	[sflag:s4] =	ssyncset.done $0x0  }
0x123: {  	[sflag:s4] =	ssyncadd.s32 $0xFFFFC000  }
0x124: {  	_ =	swait.ge [sflag:s5], $0x4000  }
0x125: {  	[sflag:s5] =	ssyncset.done $0x0  }
0x126: {  	p1 =	sne.s32 s1, $0x1;
	[sflag:s5] =	ssyncadd.s32 $0xFFFFC000  }
.Ltmp2:
0x127: {  	_ =	swait.ge [sflag:s6], $0x4000;
	(pc) =	sbr.rel @p1 .LBB2_2-.Ltmp2, $4  }
0x128: {  	[sflag:s6] =	ssyncset.done $0x0  }
0x129: {  	[sflag:s6] =	ssyncadd.s32 $0xFFFFC000  }
0x12a: {  	_ =	swait.ge [sflag:s7], $0x4000  }
0x12b: {  	s1 =	sadd.s32 $0xFFFFFFFF, s1;
	s0 =	rddreg [dreg:$0x3];
	[sflag:s7] =	ssyncset.done $0x0  }
.LBB2_3:
0x12c: {  	[sflag:s7] =	ssyncadd.s32 @p0 $0xFFFFC000  }
0x12d: {  	[tilespmem:s2], [sflag:$0x9] =	stream.linear.gather [hbm4b:s0+s2], $0x800, $0x38;
	[tilespmem:$0x10800] =	vst v63  }
0x12e: {  	_ =	swait.ge [sflag:s30], $0x800  }
0x12f: {  	[sflag:s30] =	ssyncset.done $0x0  }
0x130: {  	[sflag:s30] =	ssyncadd.s32 $0xFFFFF800  }
0x131: {  	[tilespmem:s11], [sflag:$0x1] =	stream.indirect.gather [hbm4b:s3+s13], $0x80, s2, s13, $0xb8;
	[tilespmem:$0x10800] =	vst v63  }
0x132: {  	_ = 	snop  }
0x133: {  	[tilespmem:s10], [sflag:$0x2] =	stream.indirect.gather [hbm4b:s3+s13], $0x80, s13, s13, $0xb8;
	[tilespmem:$0x10800] =	vst v63  }
0x134: {  	s1 =	rddreg [dreg:$0x14]  }
0x135: {  	[tilespmem:s9], [sflag:$0x3] =	stream.indirect.gather [hbm4b:s3+s13], $0x80, s1, s13, $0xb8;
	[tilespmem:$0x10800] =	vst v63  }
0x136: {  	_ = 	snop  }
0x137: {  	[tilespmem:s8], [sflag:$0x4] =	stream.indirect.gather [hbm4b:s3+s13], $0x80, s31, s13, $0xb8;
	[tilespmem:$0x10800] =	vst v63  }
0x138: {  	_ =	swait.ge [sflag:s16], $0x4000  }
0x139: {  	[sflag:s16] =	ssyncset.done $0x0  }
0x13a: {  	s30 =	rddreg [dreg:$0x4];
	[sflag:s16] =	ssyncadd.s32 $0xFFFFC000  }
0x13b: {  	[hbm4b:s30+s2] =	stream.linear.scatter [tilespmem:s11], [sflag:$0x5], $0x4000, $0x38;
	[tilespmem:$0x10800] =	vst v63  }
0x13c: {  	_ =	swait.ge [sflag:s4], $0x4000  }
0x13d: {  	[sflag:s4] =	ssyncset.done $0x0  }
0x13e: {  	[sflag:s4] =	ssyncadd.s32 $0xFFFFC000  }
0x13f: {  	[tilespmem:s11], [sflag:$0x1] =	stream.indirect.gather [hbm4b:s3+s13], $0x80, s29, s13, $0xb8;
	[tilespmem:$0x10800] =	vst v63  }
0x140: {  	_ =	swait.ge [sflag:s15], $0x4000  }
0x141: {  	[sflag:s15] =	ssyncset.done $0x0  }
0x142: {  	s31 =	rddreg [dreg:$0x5];
	[sflag:s15] =	ssyncadd.s32 $0xFFFFC000  }
0x143: {  	[hbm4b:s31+s2] =	stream.linear.scatter [tilespmem:s10], [sflag:$0x6], $0x4000, $0x38;
	[tilespmem:$0x10800] =	vst v63  }
0x144: {  	_ =	swait.ge [sflag:s5], $0x4000  }
0x145: {  	[sflag:s5] =	ssyncset.done $0x0  }
0x146: {  	[sflag:s5] =	ssyncadd.s32 $0xFFFFC000  }
0x147: {  	[tilespmem:s10], [sflag:$0x2] =	stream.indirect.gather [hbm4b:s3+s13], $0x80, s28, s13, $0xb8;
	[tilespmem:$0x10800] =	vst v63  }
0x148: {  	_ =	swait.ge [sflag:s14], $0x4000  }
0x149: {  	[sflag:s14] =	ssyncset.done $0x0  }
0x14a: {  	s1 =	rddreg [dreg:$0x6];
	[sflag:s14] =	ssyncadd.s32 $0xFFFFC000  }
0x14b: {  	[hbm4b:s1+s2] =	stream.linear.scatter [tilespmem:s9], [sflag:$0x7], $0x4000, $0x38;
	[tilespmem:$0x10800] =	vst v63  }
0x14c: {  	_ =	swait.ge [sflag:s6], $0x4000  }
0x14d: {  	[sflag:s6] =	ssyncset.done $0x0  }
0x14e: {  	[sflag:s6] =	ssyncadd.s32 $0xFFFFC000  }
0x14f: {  	[tilespmem:s9], [sflag:$0x3] =	stream.indirect.gather [hbm4b:s3+s13], $0x80, s26, s13, $0xb8;
	[tilespmem:$0x10800] =	vst v63  }
0x150: {  	_ =	swait.ge [sflag:s12], $0x4000  }
0x151: {  	[sflag:s12] =	ssyncset.done $0x0  }
0x152: {  	s28 =	rddreg [dreg:$0x7];
	[sflag:s12] =	ssyncadd.s32 $0xFFFFC000  }
0x153: {  	[hbm4b:s28+s2] =	stream.linear.scatter [tilespmem:s8], [sflag:$0x8], $0x4000, $0x38;
	[tilespmem:$0x10800] =	vst v63  }
0x154: {  	_ =	swait.ge [sflag:s7], $0x4000  }
0x155: {  	[sflag:s7] =	ssyncset.done $0x0  }
0x156: {  	[sflag:s7] =	ssyncadd.s32 $0xFFFFC000  }
0x157: {  	[tilespmem:s8], [sflag:$0x4] =	stream.indirect.gather [hbm4b:s3+s13], $0x80, s25, s13, $0xb8;
	[tilespmem:$0x10800] =	vst v63  }
0x158: {  	_ =	swait.ge [sflag:s16], $0x4000  }
0x159: {  	[sflag:s16] =	ssyncset.done $0x0  }
0x15a: {  	s29 =	rddreg [dreg:$0x8];
	[sflag:s16] =	ssyncadd.s32 $0xFFFFC000  }
0x15b: {  	[hbm4b:s29+s2] =	stream.linear.scatter [tilespmem:s11], [sflag:$0x5], $0x4000, $0x38;
	[tilespmem:$0x10800] =	vst v63  }
0x15c: {  	_ =	swait.ge [sflag:s4], $0x4000  }
0x15d: {  	[sflag:s4] =	ssyncset.done $0x0  }
0x15e: {  	[sflag:s4] =	ssyncadd.s32 $0xFFFFC000  }
0x15f: {  	[tilespmem:s11], [sflag:$0x1] =	stream.indirect.gather [hbm4b:s3+s13], $0x80, s24, s13, $0xb8;
	[tilespmem:$0x10800] =	vst v63  }
0x160: {  	_ =	swait.ge [sflag:s15], $0x4000  }
0x161: {  	[sflag:s15] =	ssyncset.done $0x0  }
0x162: {  	s30 =	rddreg [dreg:$0x9];
	[sflag:s15] =	ssyncadd.s32 $0xFFFFC000  }
0x163: {  	[hbm4b:s30+s2] =	stream.linear.scatter [tilespmem:s10], [sflag:$0x6], $0x4000, $0x38;
	[tilespmem:$0x10800] =	vst v63  }
0x164: {  	_ =	swait.ge [sflag:s5], $0x4000  }
0x165: {  	[sflag:s5] =	ssyncset.done $0x0  }
0x166: {  	[sflag:s5] =	ssyncadd.s32 $0xFFFFC000  }
0x167: {  	[tilespmem:s10], [sflag:$0x2] =	stream.indirect.gather [hbm4b:s3+s13], $0x80, s23, s13, $0xb8;
	[tilespmem:$0x10800] =	vst v63  }
0x168: {  	_ =	swait.ge [sflag:s14], $0x4000  }
0x169: {  	[sflag:s14] =	ssyncset.done $0x0  }
0x16a: {  	s31 =	rddreg [dreg:$0xa];
	[sflag:s14] =	ssyncadd.s32 $0xFFFFC000  }
0x16b: {  	[hbm4b:s31+s2] =	stream.linear.scatter [tilespmem:s9], [sflag:$0x7], $0x4000, $0x38;
	[tilespmem:$0x10800] =	vst v63  }
0x16c: {  	_ =	swait.ge [sflag:s6], $0x4000  }
0x16d: {  	[sflag:s6] =	ssyncset.done $0x0  }
0x16e: {  	[sflag:s6] =	ssyncadd.s32 $0xFFFFC000  }
0x16f: {  	[tilespmem:s9], [sflag:$0x3] =	stream.indirect.gather [hbm4b:s3+s13], $0x80, s22, s13, $0xb8;
	[tilespmem:$0x10800] =	vst v63  }
0x170: {  	_ =	swait.ge [sflag:s12], $0x4000  }
0x171: {  	[sflag:s12] =	ssyncset.done $0x0  }
0x172: {  	s1 =	rddreg [dreg:$0xb];
	[sflag:s12] =	ssyncadd.s32 $0xFFFFC000  }
0x173: {  	[hbm4b:s1+s2] =	stream.linear.scatter [tilespmem:s8], [sflag:$0x8], $0x4000, $0x38;
	[tilespmem:$0x10800] =	vst v63  }
0x174: {  	_ =	swait.ge [sflag:s7], $0x4000  }
0x175: {  	[sflag:s7] =	ssyncset.done $0x0  }
0x176: {  	[sflag:s7] =	ssyncadd.s32 $0xFFFFC000  }
0x177: {  	[tilespmem:s8], [sflag:$0x4] =	stream.indirect.gather [hbm4b:s3+s13], $0x80, s21, s13, $0xb8;
	[tilespmem:$0x10800] =	vst v63  }
0x178: {  	_ =	swait.ge [sflag:s16], $0x4000  }
0x179: {  	[sflag:s16] =	ssyncset.done $0x0  }
0x17a: {  	s22 =	rddreg [dreg:$0xc];
	[sflag:s16] =	ssyncadd.s32 $0xFFFFC000  }
0x17b: {  	[hbm4b:s22+s2] =	stream.linear.scatter [tilespmem:s11], [sflag:$0x5], $0x4000, $0x38;
	[tilespmem:$0x10800] =	vst v63  }
0x17c: {  	_ =	swait.ge [sflag:s4], $0x4000  }
0x17d: {  	[sflag:s4] =	ssyncset.done $0x0  }
0x17e: {  	[sflag:s4] =	ssyncadd.s32 $0xFFFFC000  }
0x17f: {  	[tilespmem:s11], [sflag:$0x1] =	stream.indirect.gather [hbm4b:s3+s13], $0x80, s20, s13, $0xb8;
	[tilespmem:$0x10800] =	vst v63  }
0x180: {  	_ =	swait.ge [sflag:s15], $0x4000  }
0x181: {  	[sflag:s15] =	ssyncset.done $0x0  }
0x182: {  	s23 =	rddreg [dreg:$0xd];
	[sflag:s15] =	ssyncadd.s32 $0xFFFFC000  }
0x183: {  	[hbm4b:s23+s2] =	stream.linear.scatter [tilespmem:s10], [sflag:$0x6], $0x4000, $0x38;
	[tilespmem:$0x10800] =	vst v63  }
0x184: {  	_ =	swait.ge [sflag:s5], $0x4000  }
0x185: {  	[sflag:s5] =	ssyncset.done $0x0  }
0x186: {  	[sflag:s5] =	ssyncadd.s32 $0xFFFFC000  }
0x187: {  	[tilespmem:s10], [sflag:$0x2] =	stream.indirect.gather [hbm4b:s3+s13], $0x80, s19, s13, $0xb8;
	[tilespmem:$0x10800] =	vst v63  }
0x188: {  	_ =	swait.ge [sflag:s14], $0x4000  }
0x189: {  	[sflag:s14] =	ssyncset.done $0x0  }
0x18a: {  	s24 =	rddreg [dreg:$0xe];
	[sflag:s14] =	ssyncadd.s32 $0xFFFFC000  }
0x18b: {  	[hbm4b:s24+s2] =	stream.linear.scatter [tilespmem:s9], [sflag:$0x7], $0x4000, $0x38;
	[tilespmem:$0x10800] =	vst v63  }
0x18c: {  	_ =	swait.ge [sflag:s6], $0x4000  }
0x18d: {  	[sflag:s6] =	ssyncset.done $0x0  }
0x18e: {  	[sflag:s6] =	ssyncadd.s32 $0xFFFFC000  }
0x18f: {  	[tilespmem:s9], [sflag:$0x3] =	stream.indirect.gather [hbm4b:s3+s13], $0x80, s18, s13, $0xb8;
	[tilespmem:$0x10800] =	vst v63  }
0x190: {  	_ =	swait.ge [sflag:s12], $0x4000  }
0x191: {  	[sflag:s12] =	ssyncset.done $0x0  }
0x192: {  	s25 =	rddreg [dreg:$0xf];
	[sflag:s12] =	ssyncadd.s32 $0xFFFFC000  }
0x193: {  	[hbm4b:s25+s2] =	stream.linear.scatter [tilespmem:s8], [sflag:$0x8], $0x4000, $0x38;
	[tilespmem:$0x10800] =	vst v63  }
0x194: {  	_ =	swait.ge [sflag:s7], $0x4000  }
0x195: {  	[sflag:s7] =	ssyncset.done $0x0  }
0x196: {  	[sflag:s7] =	ssyncadd.s32 $0xFFFFC000  }
0x197: {  	[tilespmem:s8], [sflag:$0x4] =	stream.indirect.gather [hbm4b:s3+s13], $0x80, s17, s13, $0xb8;
	[tilespmem:$0x10800] =	vst v63  }
0x198: {  	_ =	swait.ge [sflag:s16], $0x4000  }
0x199: {  	[sflag:s16] =	ssyncset.done $0x0  }
0x19a: {  	s26 =	rddreg [dreg:$0x10];
	[sflag:s16] =	ssyncadd.s32 $0xFFFFC000  }
0x19b: {  	[hbm4b:s26+s2] =	stream.linear.scatter [tilespmem:s11], [sflag:$0x5], $0x4000, $0x38;
	[tilespmem:$0x10800] =	vst v63  }
0x19c: {  	_ =	swait.ge [sflag:s15], $0x4000  }
0x19d: {  	[sflag:s15] =	ssyncset.done $0x0  }
0x19e: {  	s28 =	rddreg [dreg:$0x11];
	[sflag:s15] =	ssyncadd.s32 $0xFFFFC000  }
0x19f: {  	[hbm4b:s28+s2] =	stream.linear.scatter [tilespmem:s10], [sflag:$0x6], $0x4000, $0x38;
	[tilespmem:$0x10800] =	vst v63  }
0x1a0: {  	_ =	swait.ge [sflag:s14], $0x4000  }
0x1a1: {  	[sflag:s14] =	ssyncset.done $0x0  }
0x1a2: {  	s29 =	rddreg [dreg:$0x12];
	[sflag:s14] =	ssyncadd.s32 $0xFFFFC000  }
0x1a3: {  	[hbm4b:s29+s2] =	stream.linear.scatter [tilespmem:s9], [sflag:$0x7], $0x4000, $0x38;
	[tilespmem:$0x10800] =	vst v63  }
0x1a4: {  	_ =	swait.ge [sflag:s12], $0x4000  }
0x1a5: {  	[sflag:s12] =	ssyncset.done $0x0  }
0x1a6: {  	s30 =	rddreg [dreg:$0x13];
	[sflag:s12] =	ssyncadd.s32 $0xFFFFC000  }
0x1a7: {  	[hbm4b:s30+s2] =	stream.linear.scatter [tilespmem:s8], [sflag:$0x8], $0x4000, $0x38;
	[tilespmem:$0x10800] =	vst v63  }
0x1a8: {  	_ =	swait.ge [sflag:s4], $0x4000  }
0x1a9: {  	[sflag:s4] =	ssyncset.done $0x0  }
0x1aa: {  	[sflag:s4] =	ssyncadd.s32 $0xFFFFC000  }
0x1ab: {  	_ =	swait.ge [sflag:s5], $0x4000  }
0x1ac: {  	[sflag:s5] =	ssyncset.done $0x0  }
0x1ad: {  	[sflag:s5] =	ssyncadd.s32 $0xFFFFC000  }
0x1ae: {  	_ =	swait.ge [sflag:s6], $0x4000  }
0x1af: {  	[sflag:s6] =	ssyncset.done $0x0  }
0x1b0: {  	[sflag:s6] =	ssyncadd.s32 $0xFFFFC000  }
0x1b1: {  	_ =	swait.ge [sflag:s7], $0x4000  }
0x1b2: {  	[sflag:s7] =	ssyncset.done $0x0  }
0x1b3: {  	[sflag:s7] =	ssyncadd.s32 $0xFFFFC000  }
0x1b4: {  	_ =	sfence.sel $0x180000  }
0x1b5: {  	[bflag:$0x0] =	sbarrier.arrive $0xFFFF  }
0x1b6: {  	_ =	strace $0x90000047  }
0x1b7: {  	s31 =	stileid.u32;
	[bflag:$0x2] =	sbarrier.arrive $0xFFFF  }
0x1b8: {  	p0 =	sne.s32 s31, $0x0;
	s0 =	rddreg [dreg:$0x2]  }
0x1b9: {  	s0 =	sadd.s32 @!p0 $0x100000, s0  }
0x1ba: {  	[sflag:s0] =	ssyncadd.tile.s32 @!p0 $0x1;
	_ =	shalt  }
.Lfunc_end2:
_tile_overlayer_lowered:
.L_overlay_start_2:
0x1bb: {  	(tag) =	ssettag $0x2  }
0x1bc: {  	s0 =	rddreg [dreg:$0x0];
	s2 =	stileid.u32  }
0x1bd: {  	s1 =	rddreg [dreg:$0x1];
	p0 =	sne.s32 s2, $0x0  }
0x1be: {  	s3 =	rddreg [dreg:$0x2];
	[bflag:$0x3] =	sbarrier.arrive $0xFFFF;
	s2 =	simm.s32 @!p0 $0x1C09  }
0x1bf: {  	[timem:s3], [sflag:s2] =	dma.local @!p0 [hbm:s0], s1  }
0x1c0: {  	s0 =	simm.s32 @!p0 $0x9  }
0x1c1: {  	_ =	swait.ge @!p0 [sflag:s0], s1  }
0x1c2: {  	s1 =	ssub.s32 @!p0 $0x0, s1;
	[sflag:s0] =	ssyncset.done @!p0 $0x0  }
0x1c3: {  	[sflag:s0] =	ssyncadd.s32 @!p0 s1  }
0x1c4: {  	[bflag:$0x3] =	sbarrier.arrive $0xFFFF  }
0x1c5: {  	_ =	shalt  }

</sc_bundles>
